<compile_context>
chip_gen: v7x
topology: tpu7x:2x2x1
jax: 0.10.2.dev20260603
libtpu: 0.0.44.dev20260713+nightly
codegen_flags: <defaults>
</compile_context>

<pallas_src>
import functools

import jax
import jax.numpy as jnp
from jax import lax
from jax.experimental import pallas as pl
from jax.experimental.pallas import tpu as pltpu
from jax.experimental.pallas import tpu_sc as plsc

NC, NS, L = 2, 16, 16
NW = NC * NS

B = 4
HF = 512
OC = 16
H0 = 128
NUM_CLASS = 21
NUM_OLD = 16

_mesh = lambda: plsc.VectorSubcoreMesh(core_axis_name="c", subcore_axis_name="s")
_SC_PARAMS = pltpu.CompilerParams(use_tc_tiling_on_sc=False,
                                  needs_layout_passes=False)



def _dsum_body(f_ref, g_ref, o_ref):
    c = pl.program_id(1)

    @pl.when(c == 0)
    def _():
        o_ref[...] = jnp.zeros_like(o_ref)

    x = f_ref[...] - g_ref[...]
    o_ref[...] += jnp.sum(x * x, axis=1, keepdims=True)


def _dsum(f, f_old, c_blk):
    b, c, h, w = f.shape
    out = pl.pallas_call(
        _dsum_body,
        grid=(b, c // c_blk),
        in_specs=[
            pl.BlockSpec((1, c_blk, h, w), lambda i, j: (i, j, 0, 0)),
            pl.BlockSpec((1, c_blk, h, w), lambda i, j: (i, j, 0, 0)),
        ],
        out_specs=pl.BlockSpec((1, 1, h, w), lambda i, j: (i, 0, 0, 0)),
        out_shape=jax.ShapeDtypeStruct((b, 1, h, w), jnp.float32),
        compiler_params=pltpu.CompilerParams(
            dimension_semantics=("parallel", "arbitrary")),
    )(f, f_old)
    return out.reshape(b, h * w)



def _dsum_cl_body(f_ref, g_ref, o_ref):
    x = f_ref[...] - g_ref[...]
    o_ref[0] = jnp.sum(x * x, axis=2)


def _dsum_cl(f, f_old, hw_blk):
    b, c, h, w = f.shape
    hw = h * w
    f2 = f.transpose(0, 2, 3, 1).reshape(b, hw, c)
    g2 = f_old.transpose(0, 2, 3, 1).reshape(b, hw, c)
    out = pl.pallas_call(
        _dsum_cl_body,
        grid=(b, hw // hw_blk),
        in_specs=[
            pl.BlockSpec((1, hw_blk, c), lambda i, j: (i, j, 0)),
            pl.BlockSpec((1, hw_blk, c), lambda i, j: (i, j, 0)),
        ],
        out_specs=pl.BlockSpec((1, 1, hw_blk), lambda i, j: (i, 0, j)),
        out_shape=jax.ShapeDtypeStruct((b, 1, hw), jnp.float32),
        compiler_params=pltpu.CompilerParams(
            dimension_semantics=("parallel", "parallel")),
    )(f2, g2)
    return out.reshape(b, hw)



_RB = 64


def _pseudo_body(oo_ref, lab_ref, o_ref):
    v = jnp.concatenate(
        [oo_ref[0, :, 4 * k:4 * k + 1, :] for k in range(_RB // 4)], axis=1)
    v = jnp.where(v < 0.5, jnp.float32(0.0), v)
    best = v[0]
    bidx = jnp.zeros((_RB // 4, HF), jnp.int32)
    for c in range(1, OC):
        take = v[c] > best
        best = jnp.where(take, v[c], best)
        bidx = jnp.where(take, c, bidx)
    lab = jnp.concatenate(
        [lab_ref[0, 4 * k:4 * k + 1, :] for k in range(_RB // 4)], axis=0)
    o_ref[0, 0] = jnp.where(lab == 0, bidx, lab)


def _pseudo_tc(outputs_old, labels):
    out = pl.pallas_call(
        _pseudo_body,
        grid=(B, HF // _RB),
        in_specs=[
            pl.BlockSpec((1, OC, _RB, HF), lambda b, r: (b, 0, r, 0)),
            pl.BlockSpec((1, _RB, HF), lambda b, r: (b, r, 0)),
        ],
        out_specs=pl.BlockSpec((1, 1, _RB // 4, HF), lambda b, r: (b, r, 0, 0)),
        out_shape=jax.ShapeDtypeStruct((B, HF // _RB, _RB // 4, HF),
                                       jnp.int32),
        compiler_params=pltpu.CompilerParams(
            dimension_semantics=("parallel", "parallel")),
    )(outputs_old, labels)
    return out.reshape(B, H0 * HF)



@functools.partial(
    pl.kernel,
    out_type=(
        jax.ShapeDtypeStruct((NW * 32,), jnp.float32),
        jax.ShapeDtypeStruct((NW * 32,), jnp.float32),
    ),
    mesh=_mesh(),
    scratch_types=[
        pltpu.VMEM((16 * HF,), jnp.int32),
        pltpu.VMEM((2048,), jnp.float32),
        pltpu.VMEM((32,), jnp.float32),
        pltpu.VMEM((32,), jnp.float32),
    ],
    compiler_params=_SC_PARAMS,
)
def _bin0_kernel(ps_hbm, d0_hbm, s_hbm, n_hbm, ps_v, d_v, s_v, n_v):
    wid = lax.axis_index("s") * NC + lax.axis_index("c")
    b = wid // 8
    seg = wid % 8
    zero = jnp.zeros((L,), jnp.float32)
    ones = jnp.ones((L,), jnp.float32)
    iota = lax.iota(jnp.int32, L)
    s_v[pl.ds(0, L)] = zero
    s_v[pl.ds(L, L)] = zero
    n_v[pl.ds(0, L)] = zero
    n_v[pl.ds(L, L)] = zero
    pltpu.sync_copy(ps_hbm.at[b, pl.ds(seg * (16 * HF), 16 * HF)], ps_v)
    pltpu.sync_copy(d0_hbm.at[b, pl.ds(seg * 2048, 2048)], d_v)

    def s0_body(v, carry):
        q = v * L + iota
        pidx = ((q >> 7) << 9) + ((q & 127) << 2)
        p = plsc.load_gather(ps_v, [pidx])
        d = d_v[pl.ds(v * L, L)]
        plsc.addupdate_scatter(s_v, [p], d)
        plsc.addupdate_scatter(n_v, [p], ones)
        return carry

    lax.fori_loop(0, 2048 // L, s0_body, 0)
    pltpu.sync_copy(s_v, s_hbm.at[pl.ds(wid * 32, 32)])
    pltpu.sync_copy(n_v, n_hbm.at[pl.ds(wid * 32, 32)])



@functools.partial(
    pl.kernel,
    out_type=jax.ShapeDtypeStruct((L,), jnp.float32),
    mesh=_mesh(),
    scratch_types=[
        pltpu.VMEM((32 * HF,), jnp.int32),
        pltpu.VMEM((1024,), jnp.float32),
        pltpu.VMEM((128,), jnp.float32),
        pltpu.VMEM((128,), jnp.float32),
        pltpu.VMEM_SHARED((NS, 128), jnp.float32),
        pltpu.VMEM_SHARED((NS, 128), jnp.float32),
        pltpu.VMEM((NS, 128), jnp.float32),
        pltpu.VMEM((NS, 128), jnp.float32),
        pltpu.VMEM((NW * 32,), jnp.float32),
        pltpu.VMEM((NW * 32,), jnp.float32),
        pltpu.VMEM((L,), jnp.float32),
    ],
    compiler_params=_SC_PARAMS,
)
def _bin123f_kernel(ps_hbm, d1_hbm, d2_hbm, d3_hbm, s0_hbm, n0_hbm, out_hbm,
                    ps_v, d_v, s_v, n_v, sh_s, sh_n, red_s, red_n,
                    b0s_v, b0n_v, o_v):
    cid = lax.axis_index("c")
    sid = lax.axis_index("s")

    @pl.when(cid == 0)
    def _():
        b = sid // 4
        seg = sid % 4
        zero = jnp.zeros((L,), jnp.float32)
        ones = jnp.ones((L,), jnp.float32)
        iota = lax.iota(jnp.int32, L)
        for j in range(8):
            s_v[pl.ds(j * L, L)] = zero
            n_v[pl.ds(j * L, L)] = zero
        pltpu.sync_copy(ps_hbm.at[b, pl.ds(seg * (32 * HF), 32 * HF)], ps_v)

        pltpu.sync_copy(d1_hbm.at[b, pl.ds(seg * 1024, 1024)], d_v)

        def s1_body(v, carry):
            q = v * L + iota
            pidx = ((q >> 6) << 10) + ((q & 63) << 3)
            p = plsc.load_gather(ps_v, [pidx]) + 32
            d = d_v[pl.ds(v * L, L)]
            plsc.addupdate_scatter(s_v, [p], d)
            plsc.addupdate_scatter(n_v, [p], ones)
            return carry

        lax.fori_loop(0, 1024 // L, s1_body, 0)

        pltpu.sync_copy(d2_hbm.at[b, pl.ds(seg * 256, 256)],
                        d_v.at[pl.ds(0, 256)])

        def s2_body(v, carry):
            q = v * L + iota
            pidx = ((q >> 5) << 11) + ((q & 31) << 4)
            p = plsc.load_gather(ps_v, [pidx]) + 64
            d = d_v[pl.ds(v * L, L)]
            plsc.addupdate_scatter(s_v, [p], d)
            plsc.addupdate_scatter(n_v, [p], ones)
            return carry

        lax.fori_loop(0, 256 // L, s2_body, 0)

        pltpu.sync_copy(d3_hbm.at[b, pl.ds(seg * 64, 64)],
                        d_v.at[pl.ds(0, 64)])

        def s3_body(v, carry):
            q = v * L + iota
            pidx = ((q >> 4) << 12) + ((q & 15) << 5)
            p = plsc.load_gather(ps_v, [pidx]) + 96
            d = d_v[pl.ds(v * L, L)]
            plsc.addupdate_scatter(s_v, [p], d)
            plsc.addupdate_scatter(n_v, [p], ones)
            return carry

        lax.fori_loop(0, 64 // L, s3_body, 0)

        pltpu.sync_copy(s_v, sh_s.at[sid])
        pltpu.sync_copy(n_v, sh_n.at[sid])
        plsc.subcore_barrier()

        @pl.when(sid == 0)
        def _():
            pltpu.sync_copy(sh_s, red_s)
            pltpu.sync_copy(sh_n, red_n)
            pltpu.sync_copy(s0_hbm, b0s_v)
            pltpu.sync_copy(n0_hbm, b0n_v)
            chans = [128.0, 256.0, 512.0, 512.0]
            wts = [1.0, 2.0, 3.0, 4.0]
            total = jnp.zeros((L,), jnp.float32)
            for s in range(4):
                for half in range(2):
                    ssum = jnp.zeros((L,), jnp.float32)
                    nsum = jnp.zeros((L,), jnp.float32)
                    if s == 0:
                        off = half * L
                        for w in range(NW):
                            ssum = ssum + b0s_v[pl.ds(w * 32 + off, L)]
                            nsum = nsum + b0n_v[pl.ds(w * 32 + off, L)]
                    else:
                        off = s * 32 + half * L
                        for w in range(NS):
                            ssum = ssum + red_s[w, pl.ds(off, L)]
                            nsum = nsum + red_n[w, pl.ds(off, L)]
                    cl = half * L + iota
                    coef = jnp.where(
                        cl == 0, jnp.float32(NUM_OLD / NUM_CLASS),
                        jnp.where(cl <= NUM_OLD, jnp.float32(1.0),
                                  jnp.float32(0.0)))
                    denom = jnp.maximum(nsum * chans[s], 1.0)
                    term = jnp.where(nsum > 0, coef * ssum / denom,
                                     jnp.float32(0.0))
                    total = total + wts[s] * term
            o_v[...] = jnp.full((L,), jnp.sum(total) * 0.25)
            pltpu.sync_copy(o_v, out_hbm)



def kernel(labels, outputs_old, f0_old, f1_old, f2_old, f3_old,
           f0, f1, f2, f3, num_class, num_old_class):
    del num_class, num_old_class
    labels = labels.astype(jnp.int32)
    pseudo = _pseudo_tc(outputs_old, labels)

    d0 = _dsum(f0, f0_old, 64)
    s0, n0 = _bin0_kernel(pseudo, d0)
    d1 = _dsum_cl(f1, f1_old, 4096)
    d2 = _dsum_cl(f2, f2_old, 1024)
    d3 = _dsum_cl(f3, f3_old, 256)

    out16 = _bin123f_kernel(pseudo, d1, d2, d3, s0, n0)
    return out16[0]

# --- scband reference (transcript-rebuilt; emitter-appended) ---
"""Pipeline reference for scband-multi-scale-region-distillation-loss-1-33414845562964 (READ-ONLY COPY).

The authoritative reference and input builder live on the scoring server;
editing this copy changes nothing except your own understanding.
"""

import jax, jax.numpy as jnp
import numpy as np


def _nearest_down(x, H, W):
    # PyTorch F.interpolate(mode='nearest') downsampling: out[i] = in[floor(i*Hin/H)]
    Hin, Win = x.shape[2], x.shape[3]
    ri = (jnp.arange(H) * Hin) // H
    ci = (jnp.arange(W) * Win) // W
    return x[:, :, ri[:, None], ci[None, :]]


def setup_inputs(seed: int = 0):
    key = jax.random.key(seed)
    ks = jax.random.split(key, 10)
    B = 4
    Hf = 512
    Wf = 512
    num_class = 21
    num_old_class = 16
    labels = jax.random.randint(ks[0], (B, Hf, Wf), 0, num_class)
    outputs_old = jax.random.normal(ks[1], (B, num_old_class, Hf, Wf), dtype=jnp.float32)
    shapes = [(B, 128, 128, 128), (B, 256, 64, 64), (B, 512, 32, 32), (B, 512, 16, 16)]
    f_old = [jax.random.normal(ks[2 + i], s, dtype=jnp.float32) for i, s in enumerate(shapes)]
    f_new = [jax.random.normal(ks[6 + i], s, dtype=jnp.float32) for i, s in enumerate(shapes)]
    return {"labels": labels, "outputs_old": outputs_old,
            "f0_old": f_old[0], "f1_old": f_old[1], "f2_old": f_old[2], "f3_old": f_old[3],
            "f0": f_new[0], "f1": f_new[1], "f2": f_new[2], "f3": f_new[3],
            "num_class": num_class, "num_old_class": num_old_class}


def reference(labels, outputs_old, f0_old, f1_old, f2_old, f3_old, f0, f1, f2, f3, num_class, num_old_class):
    threshold = 0.5  # config['hyperparameter']['threshold']
    feats = [f0, f1, f2, f3]
    feats_old = [f0_old, f1_old, f2_old, f3_old]
    lab = labels[:, None, :, :]
    # outputs_old[outputs_old < threshold] = 0; argmax over channel dim, keepdim
    oo = jnp.where(outputs_old < threshold, jnp.float32(0.0), outputs_old)
    old_pred = jnp.argmax(oo, axis=1)[:, None, :, :]
    weight = jnp.array([1.0, 2.0, 3.0, 4.0], dtype=jnp.float32)
    ratio = num_old_class / num_class
    loss = jnp.float32(0.0)
    for idx in range(len(feats)):
        B, C, H, W = feats[idx].shape
        labels_down = _nearest_down(lab, H, W)
        bgr = (labels_down == 0).astype(labels_down.dtype)
        old_down = _nearest_down(old_pred, H, W)
        pseudo = old_down * bgr + labels_down
        diff2 = (feats[idx] - feats_old[idx]) ** 2
        for cl in range(21):
            m = (pseudo == cl)
            n = jnp.sum(m) * C
            msum = jnp.sum(jnp.where(m, diff2, jnp.float32(0.0)))
            mean_val = msum / jnp.maximum(n, 1).astype(jnp.float32)
            if cl == 0:
                coef = ratio
            else:
                coef = jnp.where(cl <= num_old_class, jnp.float32(1.0), jnp.float32(0.0))
            dis = jnp.where(n > 0, coef * mean_val, jnp.float32(0.0))
            loss = loss + weight[idx] * dis
    loss = loss / len(feats)
    return loss

if __name__ == "__main__":
    import jax
    _d = setup_inputs()
    print(jax.jit(kernel)(*tuple(_d.values())))

</pallas_src>

<mosaic_0001>
#map = affine_map<(d0, d1) -> (0, 0)>
#map1 = affine_map<(d0, d1) -> (0)>
module attributes {stable_mosaic.version = 14 : i64} {
  func.func @_bin123f_kernel(%arg0: i32, %arg1: i32, %arg2: memref<4x65536xi32, #tpu.memory_space<hbm>>, %arg3: memref<4x4096xf32, #tpu.memory_space<hbm>>, %arg4: memref<4x1024xf32, #tpu.memory_space<hbm>>, %arg5: memref<4x256xf32, #tpu.memory_space<hbm>>, %arg6: memref<1024xf32, #tpu.memory_space<hbm>>, %arg7: memref<1024xf32, #tpu.memory_space<hbm>>, %arg8: memref<16xf32, #tpu.memory_space<hbm>>, %arg9: memref<16384xi32, #tpu.memory_space<vmem>>, %arg10: memref<1024xf32, #tpu.memory_space<vmem>>, %arg11: memref<128xf32, #tpu.memory_space<vmem>>, %arg12: memref<128xf32, #tpu.memory_space<vmem>>, %arg13: memref<16x128xf32, #tpu.memory_space<vmem_shared>>, %arg14: memref<16x128xf32, #tpu.memory_space<vmem_shared>>, %arg15: memref<16x128xf32, #tpu.memory_space<vmem>>, %arg16: memref<16x128xf32, #tpu.memory_space<vmem>>, %arg17: memref<1024xf32, #tpu.memory_space<vmem>>, %arg18: memref<1024xf32, #tpu.memory_space<vmem>>, %arg19: memref<16xf32, #tpu.memory_space<vmem>>) attributes {dimension_semantics = [#tpu.dimension_semantics<core_parallel>, #tpu.dimension_semantics<subcore_parallel>], iteration_bounds = array<i64: 2, 16>, scalar_prefetch = 0 : i64, scratch_operands = 11 : i64, tpu.core_type = #tpu.core_type<sc_vector_subcore>, window_params = [{transform_indices = #map}, {transform_indices = #map}, {transform_indices = #map}, {transform_indices = #map}, {transform_indices = #map1}, {transform_indices = #map1}, {transform_indices = #map1}]} {
    %eq3A = arith.constant 0 : i32
    %eq3A_0 = arith.cmpi eq, %arg0, %eq3A : i32
    %convert_element_type3A = arith.extui %eq3A_0 : i1 to i32
    %cond3A = arith.constant 0 : i32
    %cond3A_1 = arith.cmpi ne, %convert_element_type3A, %cond3A : i32
    scf.if %cond3A_1 {
      %jit3A = arith.constant 4 : i32
      %div3A = arith.divsi %arg1, %jit3A : i32
      %sign3A = arith.constant 0 : i32
      %sign3A_2 = arith.cmpi sgt, %arg1, %sign3A : i32
      %sign3A_3 = arith.extui %sign3A_2 : i1 to i32
      %sign3A_4 = arith.constant 0 : i32
      %sign3A_5 = arith.cmpi slt, %arg1, %sign3A_4 : i32
      %sign3A_6 = arith.extui %sign3A_5 : i1 to i32
      %sign3A_7 = arith.subi %sign3A_3, %sign3A_6 : i32
      %sign3A_8 = arith.constant 0 : i32
      %sign3A_9 = arith.cmpi sgt, %jit3A, %sign3A_8 : i32
      %sign3A_10 = arith.extui %sign3A_9 : i1 to i32
      %sign3A_11 = arith.constant 0 : i32
      %sign3A_12 = arith.cmpi slt, %jit3A, %sign3A_11 : i32
      %sign3A_13 = arith.extui %sign3A_12 : i1 to i32
      %sign3A_14 = arith.subi %sign3A_10, %sign3A_13 : i32
      %ne3A = arith.cmpi ne, %sign3A_7, %sign3A_14 : i32
      %rem3A = arith.remsi %arg1, %jit3A : i32
      %ne3A_15 = arith.constant 0 : i32
      %ne3A_16 = arith.cmpi ne, %rem3A, %ne3A_15 : i32
      %and3A = arith.andi %ne3A, %ne3A_16 : i1
      %sub3A = arith.constant 1 : i32
      %sub3A_17 = arith.subi %div3A, %sub3A : i32
      %select_n3A = arith.select %and3A, %sub3A_17, %div3A : i32
      %jit3A_18 = arith.constant 4 : i32
      %eq3A_19 = arith.constant 0 : i32
      %eq3A_20 = arith.cmpi eq, %jit3A_18, %eq3A_19 : i32
      %jit3A_21 = arith.constant 1 : i32
      %select_n3A_22 = arith.select %eq3A_20, %jit3A_21, %jit3A_18 : i32
      %rem3A_23 = arith.remsi %arg1, %select_n3A_22 : i32
      %ne3A_24 = arith.constant 0 : i32
      %ne3A_25 = arith.cmpi ne, %rem3A_23, %ne3A_24 : i32
      %lt3A = arith.constant 0 : i32
      %lt3A_26 = arith.cmpi slt, %rem3A_23, %lt3A : i32
      %lt3A_27 = arith.constant 0 : i32
      %lt3A_28 = arith.cmpi slt, %select_n3A_22, %lt3A_27 : i32
      %ne3A_29 = arith.xori %lt3A_26, %lt3A_28 : i1
      %and3A_30 = arith.andi %ne3A_29, %ne3A_25 : i1
      %add3A = arith.addi %rem3A_23, %select_n3A_22 : i32
      %select_n3A_31 = arith.select %and3A_30, %add3A, %rem3A_23 : i32
      %broadcast_in_dim3A = arith.constant 0.000000e+00 : f32
      %broadcast_in_dim3A_32 = vector.broadcast %broadcast_in_dim3A : f32 to vector<16xf32>
      %broadcast_in_dim3A_33 = arith.constant 1.000000e+00 : f32
      %broadcast_in_dim3A_34 = vector.broadcast %broadcast_in_dim3A_33 : f32 to vector<16xf32>
      %iota3A = tpu.iota {dimensions = array<i32: 0>} : vector<16xi32>
      %swap3A = arith.constant 0 : index
      %swap3A_35 = tpu.vector_load %arg11[%swap3A] {strides = array<i32>} : memref<128xf32, #tpu.memory_space<vmem>>, vector<16xf32>,
      tpu.vector_store %arg11[%swap3A], %broadcast_in_dim3A_32 {strides = array<i32>} : memref<128xf32, #tpu.memory_space<vmem>>, vector<16xf32>,
      %swap3A_36 = arith.constant 0 : index
      %swap3A_37 = tpu.vector_load %arg12[%swap3A_36] {strides = array<i32>} : memref<128xf32, #tpu.memory_space<vmem>>, vector<16xf32>,
      tpu.vector_store %arg12[%swap3A_36], %broadcast_in_dim3A_32 {strides = array<i32>} : memref<128xf32, #tpu.memory_space<vmem>>, vector<16xf32>,
      %swap3A_38 = arith.constant 16 : index
      %swap3A_39 = tpu.vector_load %arg11[%swap3A_38] {strides = array<i32>} : memref<128xf32, #tpu.memory_space<vmem>>, vector<16xf32>,
      tpu.vector_store %arg11[%swap3A_38], %broadcast_in_dim3A_32 {strides = array<i32>} : memref<128xf32, #tpu.memory_space<vmem>>, vector<16xf32>,
      %swap3A_40 = arith.constant 16 : index
      %swap3A_41 = tpu.vector_load %arg12[%swap3A_40] {strides = array<i32>} : memref<128xf32, #tpu.memory_space<vmem>>, vector<16xf32>,
      tpu.vector_store %arg12[%swap3A_40], %broadcast_in_dim3A_32 {strides = array<i32>} : memref<128xf32, #tpu.memory_space<vmem>>, vector<16xf32>,
      %swap3A_42 = arith.constant 32 : index
      %swap3A_43 = tpu.vector_load %arg11[%swap3A_42] {strides = array<i32>} : memref<128xf32, #tpu.memory_space<vmem>>, vector<16xf32>,
      tpu.vector_store %arg11[%swap3A_42], %broadcast_in_dim3A_32 {strides = array<i32>} : memref<128xf32, #tpu.memory_space<vmem>>, vector<16xf32>,
      %swap3A_44 = arith.constant 32 : index
      %swap3A_45 = tpu.vector_load %arg12[%swap3A_44] {strides = array<i32>} : memref<128xf32, #tpu.memory_space<vmem>>, vector<16xf32>,
      tpu.vector_store %arg12[%swap3A_44], %broadcast_in_dim3A_32 {strides = array<i32>} : memref<128xf32, #tpu.memory_space<vmem>>, vector<16xf32>,
      %swap3A_46 = arith.constant 48 : index
      %swap3A_47 = tpu.vector_load %arg11[%swap3A_46] {strides = array<i32>} : memref<128xf32, #tpu.memory_space<vmem>>, vector<16xf32>,
      tpu.vector_store %arg11[%swap3A_46], %broadcast_in_dim3A_32 {strides = array<i32>} : memref<128xf32, #tpu.memory_space<vmem>>, vector<16xf32>,
      %swap3A_48 = arith.constant 48 : index
      %swap3A_49 = tpu.vector_load %arg12[%swap3A_48] {strides = array<i32>} : memref<128xf32, #tpu.memory_space<vmem>>, vector<16xf32>,
      tpu.vector_store %arg12[%swap3A_48], %broadcast_in_dim3A_32 {strides = array<i32>} : memref<128xf32, #tpu.memory_space<vmem>>, vector<16xf32>,
      %swap3A_50 = arith.constant 64 : index
      %swap3A_51 = tpu.vector_load %arg11[%swap3A_50] {strides = array<i32>} : memref<128xf32, #tpu.memory_space<vmem>>, vector<16xf32>,
      tpu.vector_store %arg11[%swap3A_50], %broadcast_in_dim3A_32 {strides = array<i32>} : memref<128xf32, #tpu.memory_space<vmem>>, vector<16xf32>,
      %swap3A_52 = arith.constant 64 : index
      %swap3A_53 = tpu.vector_load %arg12[%swap3A_52] {strides = array<i32>} : memref<128xf32, #tpu.memory_space<vmem>>, vector<16xf32>,
      tpu.vector_store %arg12[%swap3A_52], %broadcast_in_dim3A_32 {strides = array<i32>} : memref<128xf32, #tpu.memory_space<vmem>>, vector<16xf32>,
      %swap3A_54 = arith.constant 80 : index
      %swap3A_55 = tpu.vector_load %arg11[%swap3A_54] {strides = array<i32>} : memref<128xf32, #tpu.memory_space<vmem>>, vector<16xf32>,
      tpu.vector_store %arg11[%swap3A_54], %broadcast_in_dim3A_32 {strides = array<i32>} : memref<128xf32, #tpu.memory_space<vmem>>, vector<16xf32>,
      %swap3A_56 = arith.constant 80 : index
      %swap3A_57 = tpu.vector_load %arg12[%swap3A_56] {strides = array<i32>} : memref<128xf32, #tpu.memory_space<vmem>>, vector<16xf32>,
      tpu.vector_store %arg12[%swap3A_56], %broadcast_in_dim3A_32 {strides = array<i32>} : memref<128xf32, #tpu.memory_space<vmem>>, vector<16xf32>,
      %swap3A_58 = arith.constant 96 : index
      %swap3A_59 = tpu.vector_load %arg11[%swap3A_58] {strides = array<i32>} : memref<128xf32, #tpu.memory_space<vmem>>, vector<16xf32>,
      tpu.vector_store %arg11[%swap3A_58], %broadcast_in_dim3A_32 {strides = array<i32>} : memref<128xf32, #tpu.memory_space<vmem>>, vector<16xf32>,
      %swap3A_60 = arith.constant 96 : index
      %swap3A_61 = tpu.vector_load %arg12[%swap3A_60] {strides = array<i32>} : memref<128xf32, #tpu.memory_space<vmem>>, vector<16xf32>,
      tpu.vector_store %arg12[%swap3A_60], %broadcast_in_dim3A_32 {strides = array<i32>} : memref<128xf32, #tpu.memory_space<vmem>>, vector<16xf32>,
      %swap3A_62 = arith.constant 112 : index
      %swap3A_63 = tpu.vector_load %arg11[%swap3A_62] {strides = array<i32>} : memref<128xf32, #tpu.memory_space<vmem>>, vector<16xf32>,
      tpu.vector_store %arg11[%swap3A_62], %broadcast_in_dim3A_32 {strides = array<i32>} : memref<128xf32, #tpu.memory_space<vmem>>, vector<16xf32>,
      %swap3A_64 = arith.constant 112 : index
      %swap3A_65 = tpu.vector_load %arg12[%swap3A_64] {strides = array<i32>} : memref<128xf32, #tpu.memory_space<vmem>>, vector<16xf32>,
      tpu.vector_store %arg12[%swap3A_64], %broadcast_in_dim3A_32 {strides = array<i32>} : memref<128xf32, #tpu.memory_space<vmem>>, vector<16xf32>,
      %mul3A = arith.constant 16384 : i32
      %mul3A_66 = arith.muli %select_n3A_31, %mul3A : i32
      "tpu.region"() ({
        %run_scoped3A = tpu.sem_alloc : memref<!tpu.dma_semaphore, #tpu.memory_space<semaphore_mem>>
        %dma_start3A = tpu.memref_slice %arg2[%select_n3A, %mul3A_66] : memref<4x65536xi32, #tpu.memory_space<hbm>> -> memref<1x16384xi32, #tpu.memory_space<hbm>>
        %dma_start3A_95 = tpu.memref_squeeze %dma_start3A : memref<1x16384xi32, #tpu.memory_space<hbm>> -> memref<16384xi32, #tpu.memory_space<hbm>>
        %dma_start3A_96 = tpu.memref_slice %arg2[%select_n3A, %mul3A_66] : memref<4x65536xi32, #tpu.memory_space<hbm>> -> memref<1x16384xi32, #tpu.memory_space<hbm>>
        %dma_start3A_97 = tpu.memref_squeeze %dma_start3A_96 : memref<1x16384xi32, #tpu.memory_space<hbm>> -> memref<16384xi32, #tpu.memory_space<hbm>>
        tpu.enqueue_dma source(%dma_start3A_97 : memref<16384xi32, #tpu.memory_space<hbm>>) target(%arg9 : memref<16384xi32, #tpu.memory_space<vmem>>) target_semaphore(%run_scoped3A : memref<!tpu.dma_semaphore, #tpu.memory_space<semaphore_mem>>)
        %dma_wait3A = tpu.memref_slice %arg2[%select_n3A, %mul3A_66] : memref<4x65536xi32, #tpu.memory_space<hbm>> -> memref<1x16384xi32, #tpu.memory_space<hbm>>
        %dma_wait3A_98 = tpu.memref_squeeze %dma_wait3A : memref<1x16384xi32, #tpu.memory_space<hbm>> -> memref<16384xi32, #tpu.memory_space<hbm>>
        %dma_wait3A_99 = tpu.memref_slice %arg2[%select_n3A, %mul3A_66] : memref<4x65536xi32, #tpu.memory_space<hbm>> -> memref<1x16384xi32, #tpu.memory_space<hbm>>
        %dma_wait3A_100 = tpu.memref_squeeze %dma_wait3A_99 : memref<1x16384xi32, #tpu.memory_space<hbm>> -> memref<16384xi32, #tpu.memory_space<hbm>>
        tpu.wait_dma2 semaphore(%run_scoped3A : memref<!tpu.dma_semaphore, #tpu.memory_space<semaphore_mem>>) src(%dma_wait3A_100 : memref<16384xi32, #tpu.memory_space<hbm>>) dst(%arg9 : memref<16384xi32, #tpu.memory_space<vmem>>)
        tpu.yield
      }) : () -> ()
      %mul3A_67 = arith.constant 1024 : i32
      %mul3A_68 = arith.muli %select_n3A_31, %mul3A_67 : i32
      "tpu.region"() ({
        %run_scoped3A = tpu.sem_alloc : memref<!tpu.dma_semaphore, #tpu.memory_space<semaphore_mem>>
        %dma_start3A = tpu.memref_slice %arg3[%select_n3A, %mul3A_68] : memref<4x4096xf32, #tpu.memory_space<hbm>> -> memref<1x1024xf32, #tpu.memory_space<hbm>>
        %dma_start3A_95 = tpu.memref_squeeze %dma_start3A : memref<1x1024xf32, #tpu.memory_space<hbm>> -> memref<1024xf32, #tpu.memory_space<hbm>>
        %dma_start3A_96 = tpu.memref_slice %arg3[%select_n3A, %mul3A_68] : memref<4x4096xf32, #tpu.memory_space<hbm>> -> memref<1x1024xf32, #tpu.memory_space<hbm>>
        %dma_start3A_97 = tpu.memref_squeeze %dma_start3A_96 : memref<1x1024xf32, #tpu.memory_space<hbm>> -> memref<1024xf32, #tpu.memory_space<hbm>>
        tpu.enqueue_dma source(%dma_start3A_97 : memref<1024xf32, #tpu.memory_space<hbm>>) target(%arg10 : memref<1024xf32, #tpu.memory_space<vmem>>) target_semaphore(%run_scoped3A : memref<!tpu.dma_semaphore, #tpu.memory_space<semaphore_mem>>)
        %dma_wait3A = tpu.memref_slice %arg3[%select_n3A, %mul3A_68] : memref<4x4096xf32, #tpu.memory_space<hbm>> -> memref<1x1024xf32, #tpu.memory_space<hbm>>
        %dma_wait3A_98 = tpu.memref_squeeze %dma_wait3A : memref<1x1024xf32, #tpu.memory_space<hbm>> -> memref<1024xf32, #tpu.memory_space<hbm>>
        %dma_wait3A_99 = tpu.memref_slice %arg3[%select_n3A, %mul3A_68] : memref<4x4096xf32, #tpu.memory_space<hbm>> -> memref<1x1024xf32, #tpu.memory_space<hbm>>
        %dma_wait3A_100 = tpu.memref_squeeze %dma_wait3A_99 : memref<1x1024xf32, #tpu.memory_space<hbm>> -> memref<1024xf32, #tpu.memory_space<hbm>>
        tpu.wait_dma2 semaphore(%run_scoped3A : memref<!tpu.dma_semaphore, #tpu.memory_space<semaphore_mem>>) src(%dma_wait3A_100 : memref<1024xf32, #tpu.memory_space<hbm>>) dst(%arg10 : memref<1024xf32, #tpu.memory_space<vmem>>)
        tpu.yield
      }) : () -> ()
      %scan3A = arith.constant 0 : i32
      %scan3A_69 = arith.constant 0 : i32
      %scan3A_70 = arith.constant 64 : i32
      %scan3A_71 = arith.addi %scan3A_69, %scan3A_70 : i32
      %scan3A_72 = arith.constant 1 : i32
      scf.for %scan3A_95 = %scan3A_69 to %scan3A_71 step %scan3A_72  : i32 {
        %mul3A_96 = arith.constant 16 : i32
        %mul3A_97 = arith.muli %scan3A_95, %mul3A_96 : i32
        %add3A_98 = vector.broadcast %mul3A_97 : i32 to vector<16xi32>
        %add3A_99 = arith.addi %add3A_98, %iota3A : vector<16xi32>
        %shift_right_arithmetic3A = arith.constant 6 : i32
        %shift_right_arithmetic3A_100 = vector.broadcast %shift_right_arithmetic3A : i32 to vector<16xi32>
        %shift_right_arithmetic3A_101 = arith.shrsi %add3A_99, %shift_right_arithmetic3A_100 : vector<16xi32>
        %shift_left3A = arith.constant 10 : i32
        %shift_left3A_102 = vector.broadcast %shift_left3A : i32 to vector<16xi32>
        %shift_left3A_103 = arith.shli %shift_right_arithmetic3A_101, %shift_left3A_102 : vector<16xi32>
        %and3A_104 = arith.constant 63 : i32
        %and3A_105 = vector.broadcast %and3A_104 : i32 to vector<16xi32>
        %and3A_106 = arith.andi %add3A_99, %and3A_105 : vector<16xi32>
        %shift_left3A_107 = arith.constant 3 : i32
        %shift_left3A_108 = vector.broadcast %shift_left3A_107 : i32 to vector<16xi32>
        %shift_left3A_109 = arith.shli %and3A_106, %shift_left3A_108 : vector<16xi32>
        %add3A_110 = arith.addi %shift_left3A_103, %shift_left3A_109 : vector<16xi32>
        %gather3A = tpu.vector_load_idx %arg9[%add3A_110] : memref<16384xi32, #tpu.memory_space<vmem>>[vector<16xi32>], vector<16xi32>,
        %add3A_111 = arith.constant 32 : i32
        %add3A_112 = vector.broadcast %add3A_111 : i32 to vector<16xi32>
        %add3A_113 = arith.addi %gather3A, %add3A_112 : vector<16xi32>
        %mul3A_114 = arith.constant 16 : i32
        %mul3A_115 = arith.muli %scan3A_95, %mul3A_114 : i32
        %get3A = arith.index_cast %mul3A_115 : i32 to index
        %get3A_116 = tpu.vector_load %arg10[%get3A] {strides = array<i32>} : memref<1024xf32, #tpu.memory_space<vmem>>, vector<16xf32>,
        tpu.vector_store_idx %arg11[%add3A_113], %get3A_116 {add = true} : memref<128xf32, #tpu.memory_space<vmem>>[vector<16xi32>], vector<16xf32>,
        tpu.vector_store_idx %arg12[%add3A_113], %broadcast_in_dim3A_34 {add = true} : memref<128xf32, #tpu.memory_space<vmem>>[vector<16xi32>], vector<16xf32>,
      }
      %scan3A_73 = arith.constant 64 : i32
      %mul3A_74 = arith.constant 256 : i32
      %mul3A_75 = arith.muli %select_n3A_31, %mul3A_74 : i32
      "tpu.region"() ({
        %run_scoped3A = tpu.sem_alloc : memref<!tpu.dma_semaphore, #tpu.memory_space<semaphore_mem>>
        %dma_start3A = arith.constant 0 : i32
        %dma_start3A_95 = tpu.memref_slice %arg10[%dma_start3A] : memref<1024xf32, #tpu.memory_space<vmem>> -> memref<256xf32, #tpu.memory_space<vmem>>
        %dma_start3A_96 = tpu.memref_slice %arg4[%select_n3A, %mul3A_75] : memref<4x1024xf32, #tpu.memory_space<hbm>> -> memref<1x256xf32, #tpu.memory_space<hbm>>
        %dma_start3A_97 = tpu.memref_squeeze %dma_start3A_96 : memref<1x256xf32, #tpu.memory_space<hbm>> -> memref<256xf32, #tpu.memory_space<hbm>>
        %dma_start3A_98 = arith.constant 0 : i32
        %dma_start3A_99 = tpu.memref_slice %arg10[%dma_start3A_98] : memref<1024xf32, #tpu.memory_space<vmem>> -> memref<256xf32, #tpu.memory_space<vmem>>
        %dma_start3A_100 = tpu.memref_slice %arg4[%select_n3A, %mul3A_75] : memref<4x1024xf32, #tpu.memory_space<hbm>> -> memref<1x256xf32, #tpu.memory_space<hbm>>
        %dma_start3A_101 = tpu.memref_squeeze %dma_start3A_100 : memref<1x256xf32, #tpu.memory_space<hbm>> -> memref<256xf32, #tpu.memory_space<hbm>>
        tpu.enqueue_dma source(%dma_start3A_101 : memref<256xf32, #tpu.memory_space<hbm>>) target(%dma_start3A_99 : memref<256xf32, #tpu.memory_space<vmem>>) target_semaphore(%run_scoped3A : memref<!tpu.dma_semaphore, #tpu.memory_space<semaphore_mem>>)
        %dma_wait3A = arith.constant 0 : i32
        %dma_wait3A_102 = tpu.memref_slice %arg10[%dma_wait3A] : memref<1024xf32, #tpu.memory_space<vmem>> -> memref<256xf32, #tpu.memory_space<vmem>>
        %dma_wait3A_103 = tpu.memref_slice %arg4[%select_n3A, %mul3A_75] : memref<4x1024xf32, #tpu.memory_space<hbm>> -> memref<1x256xf32, #tpu.memory_space<hbm>>
        %dma_wait3A_104 = tpu.memref_squeeze %dma_wait3A_103 : memref<1x256xf32, #tpu.memory_space<hbm>> -> memref<256xf32, #tpu.memory_space<hbm>>
        %dma_wait3A_105 = arith.constant 0 : i32
        %dma_wait3A_106 = tpu.memref_slice %arg10[%dma_wait3A_105] : memref<1024xf32, #tpu.memory_space<vmem>> -> memref<256xf32, #tpu.memory_space<vmem>>
        %dma_wait3A_107 = tpu.memref_slice %arg4[%select_n3A, %mul3A_75] : memref<4x1024xf32, #tpu.memory_space<hbm>> -> memref<1x256xf32, #tpu.memory_space<hbm>>
        %dma_wait3A_108 = tpu.memref_squeeze %dma_wait3A_107 : memref<1x256xf32, #tpu.memory_space<hbm>> -> memref<256xf32, #tpu.memory_space<hbm>>
        tpu.wait_dma2 semaphore(%run_scoped3A : memref<!tpu.dma_semaphore, #tpu.memory_space<semaphore_mem>>) src(%dma_wait3A_108 : memref<256xf32, #tpu.memory_space<hbm>>) dst(%dma_wait3A_106 : memref<256xf32, #tpu.memory_space<vmem>>)
        tpu.yield
      }) : () -> ()
      %scan3A_76 = arith.constant 0 : i32
      %scan3A_77 = arith.constant 0 : i32
      %scan3A_78 = arith.constant 16 : i32
      %scan3A_79 = arith.addi %scan3A_77, %scan3A_78 : i32
      %scan3A_80 = arith.constant 1 : i32
      scf.for %scan3A_95 = %scan3A_77 to %scan3A_79 step %scan3A_80  : i32 {
        %mul3A_96 = arith.constant 16 : i32
        %mul3A_97 = arith.muli %scan3A_95, %mul3A_96 : i32
        %add3A_98 = vector.broadcast %mul3A_97 : i32 to vector<16xi32>
        %add3A_99 = arith.addi %add3A_98, %iota3A : vector<16xi32>
        %shift_right_arithmetic3A = arith.constant 5 : i32
        %shift_right_arithmetic3A_100 = vector.broadcast %shift_right_arithmetic3A : i32 to vector<16xi32>
        %shift_right_arithmetic3A_101 = arith.shrsi %add3A_99, %shift_right_arithmetic3A_100 : vector<16xi32>
        %shift_left3A = arith.constant 11 : i32
        %shift_left3A_102 = vector.broadcast %shift_left3A : i32 to vector<16xi32>
        %shift_left3A_103 = arith.shli %shift_right_arithmetic3A_101, %shift_left3A_102 : vector<16xi32>
        %and3A_104 = arith.constant 31 : i32
        %and3A_105 = vector.broadcast %and3A_104 : i32 to vector<16xi32>
        %and3A_106 = arith.andi %add3A_99, %and3A_105 : vector<16xi32>
        %shift_left3A_107 = arith.constant 4 : i32
        %shift_left3A_108 = vector.broadcast %shift_left3A_107 : i32 to vector<16xi32>
        %shift_left3A_109 = arith.shli %and3A_106, %shift_left3A_108 : vector<16xi32>
        %add3A_110 = arith.addi %shift_left3A_103, %shift_left3A_109 : vector<16xi32>
        %gather3A = tpu.vector_load_idx %arg9[%add3A_110] : memref<16384xi32, #tpu.memory_space<vmem>>[vector<16xi32>], vector<16xi32>,
        %add3A_111 = arith.constant 64 : i32
        %add3A_112 = vector.broadcast %add3A_111 : i32 to vector<16xi32>
        %add3A_113 = arith.addi %gather3A, %add3A_112 : vector<16xi32>
        %mul3A_114 = arith.constant 16 : i32
        %mul3A_115 = arith.muli %scan3A_95, %mul3A_114 : i32
        %get3A = arith.index_cast %mul3A_115 : i32 to index
        %get3A_116 = tpu.vector_load %arg10[%get3A] {strides = array<i32>} : memref<1024xf32, #tpu.memory_space<vmem>>, vector<16xf32>,
        tpu.vector_store_idx %arg11[%add3A_113], %get3A_116 {add = true} : memref<128xf32, #tpu.memory_space<vmem>>[vector<16xi32>], vector<16xf32>,
        tpu.vector_store_idx %arg12[%add3A_113], %broadcast_in_dim3A_34 {add = true} : memref<128xf32, #tpu.memory_space<vmem>>[vector<16xi32>], vector<16xf32>,
      }
      %scan3A_81 = arith.constant 16 : i32
      %mul3A_82 = arith.constant 64 : i32
      %mul3A_83 = arith.muli %select_n3A_31, %mul3A_82 : i32
      "tpu.region"() ({
        %run_scoped3A = tpu.sem_alloc : memref<!tpu.dma_semaphore, #tpu.memory_space<semaphore_mem>>
        %dma_start3A = arith.constant 0 : i32
        %dma_start3A_95 = tpu.memref_slice %arg10[%dma_start3A] : memref<1024xf32, #tpu.memory_space<vmem>> -> memref<64xf32, #tpu.memory_space<vmem>>
        %dma_start3A_96 = tpu.memref_slice %arg5[%select_n3A, %mul3A_83] : memref<4x256xf32, #tpu.memory_space<hbm>> -> memref<1x64xf32, #tpu.memory_space<hbm>>
        %dma_start3A_97 = tpu.memref_squeeze %dma_start3A_96 : memref<1x64xf32, #tpu.memory_space<hbm>> -> memref<64xf32, #tpu.memory_space<hbm>>
        %dma_start3A_98 = arith.constant 0 : i32
        %dma_start3A_99 = tpu.memref_slice %arg10[%dma_start3A_98] : memref<1024xf32, #tpu.memory_space<vmem>> -> memref<64xf32, #tpu.memory_space<vmem>>
        %dma_start3A_100 = tpu.memref_slice %arg5[%select_n3A, %mul3A_83] : memref<4x256xf32, #tpu.memory_space<hbm>> -> memref<1x64xf32, #tpu.memory_space<hbm>>
        %dma_start3A_101 = tpu.memref_squeeze %dma_start3A_100 : memref<1x64xf32, #tpu.memory_space<hbm>> -> memref<64xf32, #tpu.memory_space<hbm>>
        tpu.enqueue_dma source(%dma_start3A_101 : memref<64xf32, #tpu.memory_space<hbm>>) target(%dma_start3A_99 : memref<64xf32, #tpu.memory_space<vmem>>) target_semaphore(%run_scoped3A : memref<!tpu.dma_semaphore, #tpu.memory_space<semaphore_mem>>)
        %dma_wait3A = arith.constant 0 : i32
        %dma_wait3A_102 = tpu.memref_slice %arg10[%dma_wait3A] : memref<1024xf32, #tpu.memory_space<vmem>> -> memref<64xf32, #tpu.memory_space<vmem>>
        %dma_wait3A_103 = tpu.memref_slice %arg5[%select_n3A, %mul3A_83] : memref<4x256xf32, #tpu.memory_space<hbm>> -> memref<1x64xf32, #tpu.memory_space<hbm>>
        %dma_wait3A_104 = tpu.memref_squeeze %dma_wait3A_103 : memref<1x64xf32, #tpu.memory_space<hbm>> -> memref<64xf32, #tpu.memory_space<hbm>>
        %dma_wait3A_105 = arith.constant 0 : i32
        %dma_wait3A_106 = tpu.memref_slice %arg10[%dma_wait3A_105] : memref<1024xf32, #tpu.memory_space<vmem>> -> memref<64xf32, #tpu.memory_space<vmem>>
        %dma_wait3A_107 = tpu.memref_slice %arg5[%select_n3A, %mul3A_83] : memref<4x256xf32, #tpu.memory_space<hbm>> -> memref<1x64xf32, #tpu.memory_space<hbm>>
        %dma_wait3A_108 = tpu.memref_squeeze %dma_wait3A_107 : memref<1x64xf32, #tpu.memory_space<hbm>> -> memref<64xf32, #tpu.memory_space<hbm>>
        tpu.wait_dma2 semaphore(%run_scoped3A : memref<!tpu.dma_semaphore, #tpu.memory_space<semaphore_mem>>) src(%dma_wait3A_108 : memref<64xf32, #tpu.memory_space<hbm>>) dst(%dma_wait3A_106 : memref<64xf32, #tpu.memory_space<vmem>>)
        tpu.yield
      }) : () -> ()
      %scan3A_84 = arith.constant 0 : i32
      %scan3A_85 = arith.constant 0 : i32
      %scan3A_86 = arith.constant 4 : i32
      %scan3A_87 = arith.addi %scan3A_85, %scan3A_86 : i32
      %scan3A_88 = arith.constant 1 : i32
      scf.for %scan3A_95 = %scan3A_85 to %scan3A_87 step %scan3A_88  : i32 {
        %mul3A_96 = arith.constant 16 : i32
        %mul3A_97 = arith.muli %scan3A_95, %mul3A_96 : i32
        %add3A_98 = vector.broadcast %mul3A_97 : i32 to vector<16xi32>
        %add3A_99 = arith.addi %add3A_98, %iota3A : vector<16xi32>
        %shift_right_arithmetic3A = arith.constant 4 : i32
        %shift_right_arithmetic3A_100 = vector.broadcast %shift_right_arithmetic3A : i32 to vector<16xi32>
        %shift_right_arithmetic3A_101 = arith.shrsi %add3A_99, %shift_right_arithmetic3A_100 : vector<16xi32>
        %shift_left3A = arith.constant 12 : i32
        %shift_left3A_102 = vector.broadcast %shift_left3A : i32 to vector<16xi32>
        %shift_left3A_103 = arith.shli %shift_right_arithmetic3A_101, %shift_left3A_102 : vector<16xi32>
        %and3A_104 = arith.constant 15 : i32
        %and3A_105 = vector.broadcast %and3A_104 : i32 to vector<16xi32>
        %and3A_106 = arith.andi %add3A_99, %and3A_105 : vector<16xi32>
        %shift_left3A_107 = arith.constant 5 : i32
        %shift_left3A_108 = vector.broadcast %shift_left3A_107 : i32 to vector<16xi32>
        %shift_left3A_109 = arith.shli %and3A_106, %shift_left3A_108 : vector<16xi32>
        %add3A_110 = arith.addi %shift_left3A_103, %shift_left3A_109 : vector<16xi32>
        %gather3A = tpu.vector_load_idx %arg9[%add3A_110] : memref<16384xi32, #tpu.memory_space<vmem>>[vector<16xi32>], vector<16xi32>,
        %add3A_111 = arith.constant 96 : i32
        %add3A_112 = vector.broadcast %add3A_111 : i32 to vector<16xi32>
        %add3A_113 = arith.addi %gather3A, %add3A_112 : vector<16xi32>
        %mul3A_114 = arith.constant 16 : i32
        %mul3A_115 = arith.muli %scan3A_95, %mul3A_114 : i32
        %get3A = arith.index_cast %mul3A_115 : i32 to index
        %get3A_116 = tpu.vector_load %arg10[%get3A] {strides = array<i32>} : memref<1024xf32, #tpu.memory_space<vmem>>, vector<16xf32>,
        tpu.vector_store_idx %arg11[%add3A_113], %get3A_116 {add = true} : memref<128xf32, #tpu.memory_space<vmem>>[vector<16xi32>], vector<16xf32>,
        tpu.vector_store_idx %arg12[%add3A_113], %broadcast_in_dim3A_34 {add = true} : memref<128xf32, #tpu.memory_space<vmem>>[vector<16xi32>], vector<16xf32>,
      }
      %scan3A_89 = arith.constant 4 : i32
      "tpu.region"() ({
        %run_scoped3A = tpu.sem_alloc : memref<!tpu.dma_semaphore, #tpu.memory_space<semaphore_mem>>
        %dma_start3A = arith.constant 0 : i32
        %dma_start3A_95 = tpu.memref_slice %arg13[%arg1, %dma_start3A] : memref<16x128xf32, #tpu.memory_space<vmem_shared>> -> memref<1x128xf32, #tpu.memory_space<vmem_shared>>
        %dma_start3A_96 = tpu.memref_squeeze %dma_start3A_95 : memref<1x128xf32, #tpu.memory_space<vmem_shared>> -> memref<128xf32, #tpu.memory_space<vmem_shared>>
        %dma_start3A_97 = arith.constant 0 : i32
        %dma_start3A_98 = tpu.memref_slice %arg13[%arg1, %dma_start3A_97] : memref<16x128xf32, #tpu.memory_space<vmem_shared>> -> memref<1x128xf32, #tpu.memory_space<vmem_shared>>
        %dma_start3A_99 = tpu.memref_squeeze %dma_start3A_98 : memref<1x128xf32, #tpu.memory_space<vmem_shared>> -> memref<128xf32, #tpu.memory_space<vmem_shared>>
        tpu.enqueue_dma source(%arg11 : memref<128xf32, #tpu.memory_space<vmem>>) target(%dma_start3A_99 : memref<128xf32, #tpu.memory_space<vmem_shared>>) target_semaphore(%run_scoped3A : memref<!tpu.dma_semaphore, #tpu.memory_space<semaphore_mem>>)
        %dma_wait3A = arith.constant 0 : i32
        %dma_wait3A_100 = tpu.memref_slice %arg13[%arg1, %dma_wait3A] : memref<16x128xf32, #tpu.memory_space<vmem_shared>> -> memref<1x128xf32, #tpu.memory_space<vmem_shared>>
        %dma_wait3A_101 = tpu.memref_squeeze %dma_wait3A_100 : memref<1x128xf32, #tpu.memory_space<vmem_shared>> -> memref<128xf32, #tpu.memory_space<vmem_shared>>
        %dma_wait3A_102 = arith.constant 0 : i32
        %dma_wait3A_103 = tpu.memref_slice %arg13[%arg1, %dma_wait3A_102] : memref<16x128xf32, #tpu.memory_space<vmem_shared>> -> memref<1x128xf32, #tpu.memory_space<vmem_shared>>
        %dma_wait3A_104 = tpu.memref_squeeze %dma_wait3A_103 : memref<1x128xf32, #tpu.memory_space<vmem_shared>> -> memref<128xf32, #tpu.memory_space<vmem_shared>>
        tpu.wait_dma2 semaphore(%run_scoped3A : memref<!tpu.dma_semaphore, #tpu.memory_space<semaphore_mem>>) src(%arg11 : memref<128xf32, #tpu.memory_space<vmem>>) dst(%dma_wait3A_104 : memref<128xf32, #tpu.memory_space<vmem_shared>>)
        tpu.yield
      }) : () -> ()
      "tpu.region"() ({
        %run_scoped3A = tpu.sem_alloc : memref<!tpu.dma_semaphore, #tpu.memory_space<semaphore_mem>>
        %dma_start3A = arith.constant 0 : i32
        %dma_start3A_95 = tpu.memref_slice %arg14[%arg1, %dma_start3A] : memref<16x128xf32, #tpu.memory_space<vmem_shared>> -> memref<1x128xf32, #tpu.memory_space<vmem_shared>>
        %dma_start3A_96 = tpu.memref_squeeze %dma_start3A_95 : memref<1x128xf32, #tpu.memory_space<vmem_shared>> -> memref<128xf32, #tpu.memory_space<vmem_shared>>
        %dma_start3A_97 = arith.constant 0 : i32
        %dma_start3A_98 = tpu.memref_slice %arg14[%arg1, %dma_start3A_97] : memref<16x128xf32, #tpu.memory_space<vmem_shared>> -> memref<1x128xf32, #tpu.memory_space<vmem_shared>>
        %dma_start3A_99 = tpu.memref_squeeze %dma_start3A_98 : memref<1x128xf32, #tpu.memory_space<vmem_shared>> -> memref<128xf32, #tpu.memory_space<vmem_shared>>
        tpu.enqueue_dma source(%arg12 : memref<128xf32, #tpu.memory_space<vmem>>) target(%dma_start3A_99 : memref<128xf32, #tpu.memory_space<vmem_shared>>) target_semaphore(%run_scoped3A : memref<!tpu.dma_semaphore, #tpu.memory_space<semaphore_mem>>)
        %dma_wait3A = arith.constant 0 : i32
        %dma_wait3A_100 = tpu.memref_slice %arg14[%arg1, %dma_wait3A] : memref<16x128xf32, #tpu.memory_space<vmem_shared>> -> memref<1x128xf32, #tpu.memory_space<vmem_shared>>
        %dma_wait3A_101 = tpu.memref_squeeze %dma_wait3A_100 : memref<1x128xf32, #tpu.memory_space<vmem_shared>> -> memref<128xf32, #tpu.memory_space<vmem_shared>>
        %dma_wait3A_102 = arith.constant 0 : i32
        %dma_wait3A_103 = tpu.memref_slice %arg14[%arg1, %dma_wait3A_102] : memref<16x128xf32, #tpu.memory_space<vmem_shared>> -> memref<1x128xf32, #tpu.memory_space<vmem_shared>>
        %dma_wait3A_104 = tpu.memref_squeeze %dma_wait3A_103 : memref<1x128xf32, #tpu.memory_space<vmem_shared>> -> memref<128xf32, #tpu.memory_space<vmem_shared>>
        tpu.wait_dma2 semaphore(%run_scoped3A : memref<!tpu.dma_semaphore, #tpu.memory_space<semaphore_mem>>) src(%arg12 : memref<128xf32, #tpu.memory_space<vmem>>) dst(%dma_wait3A_104 : memref<128xf32, #tpu.memory_space<vmem_shared>>)
        tpu.yield
      }) : () -> ()
      %barrier3A = arith.constant 0 : index
      tpu.barrier barrier_id(%barrier3A)
      %eq3A_90 = arith.constant 0 : i32
      %eq3A_91 = arith.cmpi eq, %arg1, %eq3A_90 : i32
      %convert_element_type3A_92 = arith.extui %eq3A_91 : i1 to i32
      %cond3A_93 = arith.constant 0 : i32
      %cond3A_94 = arith.cmpi ne, %convert_element_type3A_92, %cond3A_93 : i32
      scf.if %cond3A_94 {
        "tpu.region"() ({
          %run_scoped3A = tpu.sem_alloc : memref<!tpu.dma_semaphore, #tpu.memory_space<semaphore_mem>>
          tpu.enqueue_dma source(%arg13 : memref<16x128xf32, #tpu.memory_space<vmem_shared>>) target(%arg15 : memref<16x128xf32, #tpu.memory_space<vmem>>) target_semaphore(%run_scoped3A : memref<!tpu.dma_semaphore, #tpu.memory_space<semaphore_mem>>)
          tpu.wait_dma2 semaphore(%run_scoped3A : memref<!tpu.dma_semaphore, #tpu.memory_space<semaphore_mem>>) src(%arg13 : memref<16x128xf32, #tpu.memory_space<vmem_shared>>) dst(%arg15 : memref<16x128xf32, #tpu.memory_space<vmem>>)
          tpu.yield
        }) : () -> ()
        "tpu.region"() ({
          %run_scoped3A = tpu.sem_alloc : memref<!tpu.dma_semaphore, #tpu.memory_space<semaphore_mem>>
          tpu.enqueue_dma source(%arg14 : memref<16x128xf32, #tpu.memory_space<vmem_shared>>) target(%arg16 : memref<16x128xf32, #tpu.memory_space<vmem>>) target_semaphore(%run_scoped3A : memref<!tpu.dma_semaphore, #tpu.memory_space<semaphore_mem>>)
          tpu.wait_dma2 semaphore(%run_scoped3A : memref<!tpu.dma_semaphore, #tpu.memory_space<semaphore_mem>>) src(%arg14 : memref<16x128xf32, #tpu.memory_space<vmem_shared>>) dst(%arg16 : memref<16x128xf32, #tpu.memory_space<vmem>>)
          tpu.yield
        }) : () -> ()
        "tpu.region"() ({
          %run_scoped3A = tpu.sem_alloc : memref<!tpu.dma_semaphore, #tpu.memory_space<semaphore_mem>>
          tpu.enqueue_dma source(%arg6 : memref<1024xf32, #tpu.memory_space<hbm>>) target(%arg17 : memref<1024xf32, #tpu.memory_space<vmem>>) target_semaphore(%run_scoped3A : memref<!tpu.dma_semaphore, #tpu.memory_space<semaphore_mem>>)
          tpu.wait_dma2 semaphore(%run_scoped3A : memref<!tpu.dma_semaphore, #tpu.memory_space<semaphore_mem>>) src(%arg6 : memref<1024xf32, #tpu.memory_space<hbm>>) dst(%arg17 : memref<1024xf32, #tpu.memory_space<vmem>>)
          tpu.yield
        }) : () -> ()
        "tpu.region"() ({
          %run_scoped3A = tpu.sem_alloc : memref<!tpu.dma_semaphore, #tpu.memory_space<semaphore_mem>>
          tpu.enqueue_dma source(%arg7 : memref<1024xf32, #tpu.memory_space<hbm>>) target(%arg18 : memref<1024xf32, #tpu.memory_space<vmem>>) target_semaphore(%run_scoped3A : memref<!tpu.dma_semaphore, #tpu.memory_space<semaphore_mem>>)
          tpu.wait_dma2 semaphore(%run_scoped3A : memref<!tpu.dma_semaphore, #tpu.memory_space<semaphore_mem>>) src(%arg7 : memref<1024xf32, #tpu.memory_space<hbm>>) dst(%arg18 : memref<1024xf32, #tpu.memory_space<vmem>>)
          tpu.yield
        }) : () -> ()
        %broadcast_in_dim3A_95 = arith.constant 0.000000e+00 : f32
        %broadcast_in_dim3A_96 = vector.broadcast %broadcast_in_dim3A_95 : f32 to vector<16xf32>
        %broadcast_in_dim3A_97 = arith.constant 0.000000e+00 : f32
        %broadcast_in_dim3A_98 = vector.broadcast %broadcast_in_dim3A_97 : f32 to vector<16xf32>
        %broadcast_in_dim3A_99 = arith.constant 0.000000e+00 : f32
        %broadcast_in_dim3A_100 = vector.broadcast %broadcast_in_dim3A_99 : f32 to vector<16xf32>
        %get3A = arith.constant 0 : index
        %get3A_101 = tpu.vector_load %arg17[%get3A] {strides = array<i32>} : memref<1024xf32, #tpu.memory_space<vmem>>, vector<16xf32>,
        %add3A_102 = arith.addf %broadcast_in_dim3A_98, %get3A_101 : vector<16xf32>
        %get3A_103 = arith.constant 0 : index
        %get3A_104 = tpu.vector_load %arg18[%get3A_103] {strides = array<i32>} : memref<1024xf32, #tpu.memory_space<vmem>>, vector<16xf32>,
        %add3A_105 = arith.addf %broadcast_in_dim3A_100, %get3A_104 : vector<16xf32>
        %get3A_106 = arith.constant 32 : index
        %get3A_107 = tpu.vector_load %arg17[%get3A_106] {strides = array<i32>} : memref<1024xf32, #tpu.memory_space<vmem>>, vector<16xf32>,
        %add3A_108 = arith.addf %add3A_102, %get3A_107 : vector<16xf32>
        %get3A_109 = arith.constant 32 : index
        %get3A_110 = tpu.vector_load %arg18[%get3A_109] {strides = array<i32>} : memref<1024xf32, #tpu.memory_space<vmem>>, vector<16xf32>,
        %add3A_111 = arith.addf %add3A_105, %get3A_110 : vector<16xf32>
        %get3A_112 = arith.constant 64 : index
        %get3A_113 = tpu.vector_load %arg17[%get3A_112] {strides = array<i32>} : memref<1024xf32, #tpu.memory_space<vmem>>, vector<16xf32>,
        %add3A_114 = arith.addf %add3A_108, %get3A_113 : vector<16xf32>
        %get3A_115 = arith.constant 64 : index
        %get3A_116 = tpu.vector_load %arg18[%get3A_115] {strides = array<i32>} : memref<1024xf32, #tpu.memory_space<vmem>>, vector<16xf32>,
        %add3A_117 = arith.addf %add3A_111, %get3A_116 : vector<16xf32>
        %get3A_118 = arith.constant 96 : index
        %get3A_119 = tpu.vector_load %arg17[%get3A_118] {strides = array<i32>} : memref<1024xf32, #tpu.memory_space<vmem>>, vector<16xf32>,
        %add3A_120 = arith.addf %add3A_114, %get3A_119 : vector<16xf32>
        %get3A_121 = arith.constant 96 : index
        %get3A_122 = tpu.vector_load %arg18[%get3A_121] {strides = array<i32>} : memref<1024xf32, #tpu.memory_space<vmem>>, vector<16xf32>,
        %add3A_123 = arith.addf %add3A_117, %get3A_122 : vector<16xf32>
        %get3A_124 = arith.constant 128 : index
        %get3A_125 = tpu.vector_load %arg17[%get3A_124] {strides = array<i32>} : memref<1024xf32, #tpu.memory_space<vmem>>, vector<16xf32>,
        %add3A_126 = arith.addf %add3A_120, %get3A_125 : vector<16xf32>
        %get3A_127 = arith.constant 128 : index
        %get3A_128 = tpu.vector_load %arg18[%get3A_127] {strides = array<i32>} : memref<1024xf32, #tpu.memory_space<vmem>>, vector<16xf32>,
        %add3A_129 = arith.addf %add3A_123, %get3A_128 : vector<16xf32>
        %get3A_130 = arith.constant 160 : index
        %get3A_131 = tpu.vector_load %arg17[%get3A_130] {strides = array<i32>} : memref<1024xf32, #tpu.memory_space<vmem>>, vector<16xf32>,
        %add3A_132 = arith.addf %add3A_126, %get3A_131 : vector<16xf32>
        %get3A_133 = arith.constant 160 : index
        %get3A_134 = tpu.vector_load %arg18[%get3A_133] {strides = array<i32>} : memref<1024xf32, #tpu.memory_space<vmem>>, vector<16xf32>,
        %add3A_135 = arith.addf %add3A_129, %get3A_134 : vector<16xf32>
        %get3A_136 = arith.constant 192 : index
        %get3A_137 = tpu.vector_load %arg17[%get3A_136] {strides = array<i32>} : memref<1024xf32, #tpu.memory_space<vmem>>, vector<16xf32>,
        %add3A_138 = arith.addf %add3A_132, %get3A_137 : vector<16xf32>
        %get3A_139 = arith.constant 192 : index
        %get3A_140 = tpu.vector_load %arg18[%get3A_139] {strides = array<i32>} : memref<1024xf32, #tpu.memory_space<vmem>>, vector<16xf32>,
        %add3A_141 = arith.addf %add3A_135, %get3A_140 : vector<16xf32>
        %get3A_142 = arith.constant 224 : index
        %get3A_143 = tpu.vector_load %arg17[%get3A_142] {strides = array<i32>} : memref<1024xf32, #tpu.memory_space<vmem>>, vector<16xf32>,
        %add3A_144 = arith.addf %add3A_138, %get3A_143 : vector<16xf32>
        %get3A_145 = arith.constant 224 : index
        %get3A_146 = tpu.vector_load %arg18[%get3A_145] {strides = array<i32>} : memref<1024xf32, #tpu.memory_space<vmem>>, vector<16xf32>,
        %add3A_147 = arith.addf %add3A_141, %get3A_146 : vector<16xf32>
        %get3A_148 = arith.constant 256 : index
        %get3A_149 = tpu.vector_load %arg17[%get3A_148] {strides = array<i32>} : memref<1024xf32, #tpu.memory_space<vmem>>, vector<16xf32>,
        %add3A_150 = arith.addf %add3A_144, %get3A_149 : vector<16xf32>
        %get3A_151 = arith.constant 256 : index
        %get3A_152 = tpu.vector_load %arg18[%get3A_151] {strides = array<i32>} : memref<1024xf32, #tpu.memory_space<vmem>>, vector<16xf32>,
        %add3A_153 = arith.addf %add3A_147, %get3A_152 : vector<16xf32>
        %get3A_154 = arith.constant 288 : index
        %get3A_155 = tpu.vector_load %arg17[%get3A_154] {strides = array<i32>} : memref<1024xf32, #tpu.memory_space<vmem>>, vector<16xf32>,
        %add3A_156 = arith.addf %add3A_150, %get3A_155 : vector<16xf32>
        %get3A_157 = arith.constant 288 : index
        %get3A_158 = tpu.vector_load %arg18[%get3A_157] {strides = array<i32>} : memref<1024xf32, #tpu.memory_space<vmem>>, vector<16xf32>,
        %add3A_159 = arith.addf %add3A_153, %get3A_158 : vector<16xf32>
        %get3A_160 = arith.constant 320 : index
        %get3A_161 = tpu.vector_load %arg17[%get3A_160] {strides = array<i32>} : memref<1024xf32, #tpu.memory_space<vmem>>, vector<16xf32>,
        %add3A_162 = arith.addf %add3A_156, %get3A_161 : vector<16xf32>
        %get3A_163 = arith.constant 320 : index
        %get3A_164 = tpu.vector_load %arg18[%get3A_163] {strides = array<i32>} : memref<1024xf32, #tpu.memory_space<vmem>>, vector<16xf32>,
        %add3A_165 = arith.addf %add3A_159, %get3A_164 : vector<16xf32>
        %get3A_166 = arith.constant 352 : index
        %get3A_167 = tpu.vector_load %arg17[%get3A_166] {strides = array<i32>} : memref<1024xf32, #tpu.memory_space<vmem>>, vector<16xf32>,
        %add3A_168 = arith.addf %add3A_162, %get3A_167 : vector<16xf32>
        %get3A_169 = arith.constant 352 : index
        %get3A_170 = tpu.vector_load %arg18[%get3A_169] {strides = array<i32>} : memref<1024xf32, #tpu.memory_space<vmem>>, vector<16xf32>,
        %add3A_171 = arith.addf %add3A_165, %get3A_170 : vector<16xf32>
        %get3A_172 = arith.constant 384 : index
        %get3A_173 = tpu.vector_load %arg17[%get3A_172] {strides = array<i32>} : memref<1024xf32, #tpu.memory_space<vmem>>, vector<16xf32>,
        %add3A_174 = arith.addf %add3A_168, %get3A_173 : vector<16xf32>
        %get3A_175 = arith.constant 384 : index
        %get3A_176 = tpu.vector_load %arg18[%get3A_175] {strides = array<i32>} : memref<1024xf32, #tpu.memory_space<vmem>>, vector<16xf32>,
        %add3A_177 = arith.addf %add3A_171, %get3A_176 : vector<16xf32>
        %get3A_178 = arith.constant 416 : index
        %get3A_179 = tpu.vector_load %arg17[%get3A_178] {strides = array<i32>} : memref<1024xf32, #tpu.memory_space<vmem>>, vector<16xf32>,
        %add3A_180 = arith.addf %add3A_174, %get3A_179 : vector<16xf32>
        %get3A_181 = arith.constant 416 : index
        %get3A_182 = tpu.vector_load %arg18[%get3A_181] {strides = array<i32>} : memref<1024xf32, #tpu.memory_space<vmem>>, vector<16xf32>,
        %add3A_183 = arith.addf %add3A_177, %get3A_182 : vector<16xf32>
        %get3A_184 = arith.constant 448 : index
        %get3A_185 = tpu.vector_load %arg17[%get3A_184] {strides = array<i32>} : memref<1024xf32, #tpu.memory_space<vmem>>, vector<16xf32>,
        %add3A_186 = arith.addf %add3A_180, %get3A_185 : vector<16xf32>
        %get3A_187 = arith.constant 448 : index
        %get3A_188 = tpu.vector_load %arg18[%get3A_187] {strides = array<i32>} : memref<1024xf32, #tpu.memory_space<vmem>>, vector<16xf32>,
        %add3A_189 = arith.addf %add3A_183, %get3A_188 : vector<16xf32>
        %get3A_190 = arith.constant 480 : index
        %get3A_191 = tpu.vector_load %arg17[%get3A_190] {strides = array<i32>} : memref<1024xf32, #tpu.memory_space<vmem>>, vector<16xf32>,
        %add3A_192 = arith.addf %add3A_186, %get3A_191 : vector<16xf32>
        %get3A_193 = arith.constant 480 : index
        %get3A_194 = tpu.vector_load %arg18[%get3A_193] {strides = array<i32>} : memref<1024xf32, #tpu.memory_space<vmem>>, vector<16xf32>,
        %add3A_195 = arith.addf %add3A_189, %get3A_194 : vector<16xf32>
        %get3A_196 = arith.constant 512 : index
        %get3A_197 = tpu.vector_load %arg17[%get3A_196] {strides = array<i32>} : memref<1024xf32, #tpu.memory_space<vmem>>, vector<16xf32>,
        %add3A_198 = arith.addf %add3A_192, %get3A_197 : vector<16xf32>
        %get3A_199 = arith.constant 512 : index
        %get3A_200 = tpu.vector_load %arg18[%get3A_199] {strides = array<i32>} : memref<1024xf32, #tpu.memory_space<vmem>>, vector<16xf32>,
        %add3A_201 = arith.addf %add3A_195, %get3A_200 : vector<16xf32>
        %get3A_202 = arith.constant 544 : index
        %get3A_203 = tpu.vector_load %arg17[%get3A_202] {strides = array<i32>} : memref<1024xf32, #tpu.memory_space<vmem>>, vector<16xf32>,
        %add3A_204 = arith.addf %add3A_198, %get3A_203 : vector<16xf32>
        %get3A_205 = arith.constant 544 : index
        %get3A_206 = tpu.vector_load %arg18[%get3A_205] {strides = array<i32>} : memref<1024xf32, #tpu.memory_space<vmem>>, vector<16xf32>,
        %add3A_207 = arith.addf %add3A_201, %get3A_206 : vector<16xf32>
        %get3A_208 = arith.constant 576 : index
        %get3A_209 = tpu.vector_load %arg17[%get3A_208] {strides = array<i32>} : memref<1024xf32, #tpu.memory_space<vmem>>, vector<16xf32>,
        %add3A_210 = arith.addf %add3A_204, %get3A_209 : vector<16xf32>
        %get3A_211 = arith.constant 576 : index
        %get3A_212 = tpu.vector_load %arg18[%get3A_211] {strides = array<i32>} : memref<1024xf32, #tpu.memory_space<vmem>>, vector<16xf32>,
        %add3A_213 = arith.addf %add3A_207, %get3A_212 : vector<16xf32>
        %get3A_214 = arith.constant 608 : index
        %get3A_215 = tpu.vector_load %arg17[%get3A_214] {strides = array<i32>} : memref<1024xf32, #tpu.memory_space<vmem>>, vector<16xf32>,
        %add3A_216 = arith.addf %add3A_210, %get3A_215 : vector<16xf32>
        %get3A_217 = arith.constant 608 : index
        %get3A_218 = tpu.vector_load %arg18[%get3A_217] {strides = array<i32>} : memref<1024xf32, #tpu.memory_space<vmem>>, vector<16xf32>,
        %add3A_219 = arith.addf %add3A_213, %get3A_218 : vector<16xf32>
        %get3A_220 = arith.constant 640 : index
        %get3A_221 = tpu.vector_load %arg17[%get3A_220] {strides = array<i32>} : memref<1024xf32, #tpu.memory_space<vmem>>, vector<16xf32>,
        %add3A_222 = arith.addf %add3A_216, %get3A_221 : vector<16xf32>
        %get3A_223 = arith.constant 640 : index
        %get3A_224 = tpu.vector_load %arg18[%get3A_223] {strides = array<i32>} : memref<1024xf32, #tpu.memory_space<vmem>>, vector<16xf32>,
        %add3A_225 = arith.addf %add3A_219, %get3A_224 : vector<16xf32>
        %get3A_226 = arith.constant 672 : index
        %get3A_227 = tpu.vector_load %arg17[%get3A_226] {strides = array<i32>} : memref<1024xf32, #tpu.memory_space<vmem>>, vector<16xf32>,
        %add3A_228 = arith.addf %add3A_222, %get3A_227 : vector<16xf32>
        %get3A_229 = arith.constant 672 : index
        %get3A_230 = tpu.vector_load %arg18[%get3A_229] {strides = array<i32>} : memref<1024xf32, #tpu.memory_space<vmem>>, vector<16xf32>,
        %add3A_231 = arith.addf %add3A_225, %get3A_230 : vector<16xf32>
        %get3A_232 = arith.constant 704 : index
        %get3A_233 = tpu.vector_load %arg17[%get3A_232] {strides = array<i32>} : memref<1024xf32, #tpu.memory_space<vmem>>, vector<16xf32>,
        %add3A_234 = arith.addf %add3A_228, %get3A_233 : vector<16xf32>
        %get3A_235 = arith.constant 704 : index
        %get3A_236 = tpu.vector_load %arg18[%get3A_235] {strides = array<i32>} : memref<1024xf32, #tpu.memory_space<vmem>>, vector<16xf32>,
        %add3A_237 = arith.addf %add3A_231, %get3A_236 : vector<16xf32>
        %get3A_238 = arith.constant 736 : index
        %get3A_239 = tpu.vector_load %arg17[%get3A_238] {strides = array<i32>} : memref<1024xf32, #tpu.memory_space<vmem>>, vector<16xf32>,
        %add3A_240 = arith.addf %add3A_234, %get3A_239 : vector<16xf32>
        %get3A_241 = arith.constant 736 : index
        %get3A_242 = tpu.vector_load %arg18[%get3A_241] {strides = array<i32>} : memref<1024xf32, #tpu.memory_space<vmem>>, vector<16xf32>,
        %add3A_243 = arith.addf %add3A_237, %get3A_242 : vector<16xf32>
        %get3A_244 = arith.constant 768 : index
        %get3A_245 = tpu.vector_load %arg17[%get3A_244] {strides = array<i32>} : memref<1024xf32, #tpu.memory_space<vmem>>, vector<16xf32>,
        %add3A_246 = arith.addf %add3A_240, %get3A_245 : vector<16xf32>
        %get3A_247 = arith.constant 768 : index
        %get3A_248 = tpu.vector_load %arg18[%get3A_247] {strides = array<i32>} : memref<1024xf32, #tpu.memory_space<vmem>>, vector<16xf32>,
        %add3A_249 = arith.addf %add3A_243, %get3A_248 : vector<16xf32>
        %get3A_250 = arith.constant 800 : index
        %get3A_251 = tpu.vector_load %arg17[%get3A_250] {strides = array<i32>} : memref<1024xf32, #tpu.memory_space<vmem>>, vector<16xf32>,
        %add3A_252 = arith.addf %add3A_246, %get3A_251 : vector<16xf32>
        %get3A_253 = arith.constant 800 : index
        %get3A_254 = tpu.vector_load %arg18[%get3A_253] {strides = array<i32>} : memref<1024xf32, #tpu.memory_space<vmem>>, vector<16xf32>,
        %add3A_255 = arith.addf %add3A_249, %get3A_254 : vector<16xf32>
        %get3A_256 = arith.constant 832 : index
        %get3A_257 = tpu.vector_load %arg17[%get3A_256] {strides = array<i32>} : memref<1024xf32, #tpu.memory_space<vmem>>, vector<16xf32>,
        %add3A_258 = arith.addf %add3A_252, %get3A_257 : vector<16xf32>
        %get3A_259 = arith.constant 832 : index
        %get3A_260 = tpu.vector_load %arg18[%get3A_259] {strides = array<i32>} : memref<1024xf32, #tpu.memory_space<vmem>>, vector<16xf32>,
        %add3A_261 = arith.addf %add3A_255, %get3A_260 : vector<16xf32>
        %get3A_262 = arith.constant 864 : index
        %get3A_263 = tpu.vector_load %arg17[%get3A_262] {strides = array<i32>} : memref<1024xf32, #tpu.memory_space<vmem>>, vector<16xf32>,
        %add3A_264 = arith.addf %add3A_258, %get3A_263 : vector<16xf32>
        %get3A_265 = arith.constant 864 : index
        %get3A_266 = tpu.vector_load %arg18[%get3A_265] {strides = array<i32>} : memref<1024xf32, #tpu.memory_space<vmem>>, vector<16xf32>,
        %add3A_267 = arith.addf %add3A_261, %get3A_266 : vector<16xf32>
        %get3A_268 = arith.constant 896 : index
        %get3A_269 = tpu.vector_load %arg17[%get3A_268] {strides = array<i32>} : memref<1024xf32, #tpu.memory_space<vmem>>, vector<16xf32>,
        %add3A_270 = arith.addf %add3A_264, %get3A_269 : vector<16xf32>
        %get3A_271 = arith.constant 896 : index
        %get3A_272 = tpu.vector_load %arg18[%get3A_271] {strides = array<i32>} : memref<1024xf32, #tpu.memory_space<vmem>>, vector<16xf32>,
        %add3A_273 = arith.addf %add3A_267, %get3A_272 : vector<16xf32>
        %get3A_274 = arith.constant 928 : index
        %get3A_275 = tpu.vector_load %arg17[%get3A_274] {strides = array<i32>} : memref<1024xf32, #tpu.memory_space<vmem>>, vector<16xf32>,
        %add3A_276 = arith.addf %add3A_270, %get3A_275 : vector<16xf32>
        %get3A_277 = arith.constant 928 : index
        %get3A_278 = tpu.vector_load %arg18[%get3A_277] {strides = array<i32>} : memref<1024xf32, #tpu.memory_space<vmem>>, vector<16xf32>,
        %add3A_279 = arith.addf %add3A_273, %get3A_278 : vector<16xf32>
        %get3A_280 = arith.constant 960 : index
        %get3A_281 = tpu.vector_load %arg17[%get3A_280] {strides = array<i32>} : memref<1024xf32, #tpu.memory_space<vmem>>, vector<16xf32>,
        %add3A_282 = arith.addf %add3A_276, %get3A_281 : vector<16xf32>
        %get3A_283 = arith.constant 960 : index
        %get3A_284 = tpu.vector_load %arg18[%get3A_283] {strides = array<i32>} : memref<1024xf32, #tpu.memory_space<vmem>>, vector<16xf32>,
        %add3A_285 = arith.addf %add3A_279, %get3A_284 : vector<16xf32>
        %get3A_286 = arith.constant 992 : index
        %get3A_287 = tpu.vector_load %arg17[%get3A_286] {strides = array<i32>} : memref<1024xf32, #tpu.memory_space<vmem>>, vector<16xf32>,
        %add3A_288 = arith.addf %add3A_282, %get3A_287 : vector<16xf32>
        %get3A_289 = arith.constant 992 : index
        %get3A_290 = tpu.vector_load %arg18[%get3A_289] {strides = array<i32>} : memref<1024xf32, #tpu.memory_space<vmem>>, vector<16xf32>,
        %add3A_291 = arith.addf %add3A_285, %get3A_290 : vector<16xf32>
        %add3A_292 = arith.constant 0 : i32
        %add3A_293 = vector.broadcast %add3A_292 : i32 to vector<16xi32>
        %add3A_294 = arith.addi %add3A_293, %iota3A : vector<16xi32>
        %eq3A_295 = arith.constant 0 : i32
        %eq3A_296 = vector.broadcast %eq3A_295 : i32 to vector<16xi32>
        %eq3A_297 = arith.cmpi eq, %add3A_294, %eq3A_296 : vector<16xi32>
        %le3A = arith.constant 16 : i32
        %le3A_298 = vector.broadcast %le3A : i32 to vector<16xi32>
        %le3A_299 = arith.cmpi sle, %add3A_294, %le3A_298 : vector<16xi32>
        %jit3A_300 = arith.constant 1.000000e+00 : f32
        %jit3A_301 = arith.constant 0.000000e+00 : f32
        %broadcast_in_dim3A_302 = vector.broadcast %jit3A_300 : f32 to vector<16xf32>
        %broadcast_in_dim3A_303 = vector.broadcast %jit3A_301 : f32 to vector<16xf32>
        %select_n3A_304 = arith.select %le3A_299, %broadcast_in_dim3A_302, %broadcast_in_dim3A_303 : vector<16xi1>, vector<16xf32>
        %jit3A_305 = arith.constant 0.761904776 : f32
        %broadcast_in_dim3A_306 = vector.broadcast %jit3A_305 : f32 to vector<16xf32>
        %select_n3A_307 = arith.select %eq3A_297, %broadcast_in_dim3A_306, %select_n3A_304 : vector<16xi1>, vector<16xf32>
        %mul3A_308 = arith.constant 1.280000e+02 : f32
        %mul3A_309 = vector.broadcast %mul3A_308 : f32 to vector<16xf32>
        %mul3A_310 = arith.mulf %add3A_291, %mul3A_309 : vector<16xf32>
        %max3A = arith.constant 1.000000e+00 : f32
        %max3A_311 = vector.broadcast %max3A : f32 to vector<16xf32>
        %max3A_312 = arith.maximumf %mul3A_310, %max3A_311 : vector<16xf32>
        %gt3A = arith.constant 0.000000e+00 : f32
        %gt3A_313 = vector.broadcast %gt3A : f32 to vector<16xf32>
        %gt3A_314 = arith.cmpf ogt, %add3A_291, %gt3A_313 : vector<16xf32>
        %mul3A_315 = arith.mulf %select_n3A_307, %add3A_288 : vector<16xf32>
        %div3A_316 = arith.divf %mul3A_315, %max3A_312 : vector<16xf32>
        %jit3A_317 = arith.constant 0.000000e+00 : f32
        %broadcast_in_dim3A_318 = vector.broadcast %jit3A_317 : f32 to vector<16xf32>
        %select_n3A_319 = arith.select %gt3A_314, %div3A_316, %broadcast_in_dim3A_318 : vector<16xi1>, vector<16xf32>
        %mul3A_320 = arith.constant 1.000000e+00 : f32
        %mul3A_321 = vector.broadcast %mul3A_320 : f32 to vector<16xf32>
        %mul3A_322 = arith.mulf %mul3A_321, %select_n3A_319 : vector<16xf32>
        %add3A_323 = arith.addf %broadcast_in_dim3A_96, %mul3A_322 : vector<16xf32>
        %broadcast_in_dim3A_324 = arith.constant 0.000000e+00 : f32
        %broadcast_in_dim3A_325 = vector.broadcast %broadcast_in_dim3A_324 : f32 to vector<16xf32>
        %broadcast_in_dim3A_326 = arith.constant 0.000000e+00 : f32
        %broadcast_in_dim3A_327 = vector.broadcast %broadcast_in_dim3A_326 : f32 to vector<16xf32>
        %get3A_328 = arith.constant 16 : index
        %get3A_329 = tpu.vector_load %arg17[%get3A_328] {strides = array<i32>} : memref<1024xf32, #tpu.memory_space<vmem>>, vector<16xf32>,
        %add3A_330 = arith.addf %broadcast_in_dim3A_325, %get3A_329 : vector<16xf32>
        %get3A_331 = arith.constant 16 : index
        %get3A_332 = tpu.vector_load %arg18[%get3A_331] {strides = array<i32>} : memref<1024xf32, #tpu.memory_space<vmem>>, vector<16xf32>,
        %add3A_333 = arith.addf %broadcast_in_dim3A_327, %get3A_332 : vector<16xf32>
        %get3A_334 = arith.constant 48 : index
        %get3A_335 = tpu.vector_load %arg17[%get3A_334] {strides = array<i32>} : memref<1024xf32, #tpu.memory_space<vmem>>, vector<16xf32>,
        %add3A_336 = arith.addf %add3A_330, %get3A_335 : vector<16xf32>
        %get3A_337 = arith.constant 48 : index
        %get3A_338 = tpu.vector_load %arg18[%get3A_337] {strides = array<i32>} : memref<1024xf32, #tpu.memory_space<vmem>>, vector<16xf32>,
        %add3A_339 = arith.addf %add3A_333, %get3A_338 : vector<16xf32>
        %get3A_340 = arith.constant 80 : index
        %get3A_341 = tpu.vector_load %arg17[%get3A_340] {strides = array<i32>} : memref<1024xf32, #tpu.memory_space<vmem>>, vector<16xf32>,
        %add3A_342 = arith.addf %add3A_336, %get3A_341 : vector<16xf32>
        %get3A_343 = arith.constant 80 : index
        %get3A_344 = tpu.vector_load %arg18[%get3A_343] {strides = array<i32>} : memref<1024xf32, #tpu.memory_space<vmem>>, vector<16xf32>,
        %add3A_345 = arith.addf %add3A_339, %get3A_344 : vector<16xf32>
        %get3A_346 = arith.constant 112 : index
        %get3A_347 = tpu.vector_load %arg17[%get3A_346] {strides = array<i32>} : memref<1024xf32, #tpu.memory_space<vmem>>, vector<16xf32>,
        %add3A_348 = arith.addf %add3A_342, %get3A_347 : vector<16xf32>
        %get3A_349 = arith.constant 112 : index
        %get3A_350 = tpu.vector_load %arg18[%get3A_349] {strides = array<i32>} : memref<1024xf32, #tpu.memory_space<vmem>>, vector<16xf32>,
        %add3A_351 = arith.addf %add3A_345, %get3A_350 : vector<16xf32>
        %get3A_352 = arith.constant 144 : index
        %get3A_353 = tpu.vector_load %arg17[%get3A_352] {strides = array<i32>} : memref<1024xf32, #tpu.memory_space<vmem>>, vector<16xf32>,
        %add3A_354 = arith.addf %add3A_348, %get3A_353 : vector<16xf32>
        %get3A_355 = arith.constant 144 : index
        %get3A_356 = tpu.vector_load %arg18[%get3A_355] {strides = array<i32>} : memref<1024xf32, #tpu.memory_space<vmem>>, vector<16xf32>,
        %add3A_357 = arith.addf %add3A_351, %get3A_356 : vector<16xf32>
        %get3A_358 = arith.constant 176 : index
        %get3A_359 = tpu.vector_load %arg17[%get3A_358] {strides = array<i32>} : memref<1024xf32, #tpu.memory_space<vmem>>, vector<16xf32>,
        %add3A_360 = arith.addf %add3A_354, %get3A_359 : vector<16xf32>
        %get3A_361 = arith.constant 176 : index
        %get3A_362 = tpu.vector_load %arg18[%get3A_361] {strides = array<i32>} : memref<1024xf32, #tpu.memory_space<vmem>>, vector<16xf32>,
        %add3A_363 = arith.addf %add3A_357, %get3A_362 : vector<16xf32>
        %get3A_364 = arith.constant 208 : index
        %get3A_365 = tpu.vector_load %arg17[%get3A_364] {strides = array<i32>} : memref<1024xf32, #tpu.memory_space<vmem>>, vector<16xf32>,
        %add3A_366 = arith.addf %add3A_360, %get3A_365 : vector<16xf32>
        %get3A_367 = arith.constant 208 : index
        %get3A_368 = tpu.vector_load %arg18[%get3A_367] {strides = array<i32>} : memref<1024xf32, #tpu.memory_space<vmem>>, vector<16xf32>,
        %add3A_369 = arith.addf %add3A_363, %get3A_368 : vector<16xf32>
        %get3A_370 = arith.constant 240 : index
        %get3A_371 = tpu.vector_load %arg17[%get3A_370] {strides = array<i32>} : memref<1024xf32, #tpu.memory_space<vmem>>, vector<16xf32>,
        %add3A_372 = arith.addf %add3A_366, %get3A_371 : vector<16xf32>
        %get3A_373 = arith.constant 240 : index
        %get3A_374 = tpu.vector_load %arg18[%get3A_373] {strides = array<i32>} : memref<1024xf32, #tpu.memory_space<vmem>>, vector<16xf32>,
        %add3A_375 = arith.addf %add3A_369, %get3A_374 : vector<16xf32>
        %get3A_376 = arith.constant 272 : index
        %get3A_377 = tpu.vector_load %arg17[%get3A_376] {strides = array<i32>} : memref<1024xf32, #tpu.memory_space<vmem>>, vector<16xf32>,
        %add3A_378 = arith.addf %add3A_372, %get3A_377 : vector<16xf32>
        %get3A_379 = arith.constant 272 : index
        %get3A_380 = tpu.vector_load %arg18[%get3A_379] {strides = array<i32>} : memref<1024xf32, #tpu.memory_space<vmem>>, vector<16xf32>,
        %add3A_381 = arith.addf %add3A_375, %get3A_380 : vector<16xf32>
        %get3A_382 = arith.constant 304 : index
        %get3A_383 = tpu.vector_load %arg17[%get3A_382] {strides = array<i32>} : memref<1024xf32, #tpu.memory_space<vmem>>, vector<16xf32>,
        %add3A_384 = arith.addf %add3A_378, %get3A_383 : vector<16xf32>
        %get3A_385 = arith.constant 304 : index
        %get3A_386 = tpu.vector_load %arg18[%get3A_385] {strides = array<i32>} : memref<1024xf32, #tpu.memory_space<vmem>>, vector<16xf32>,
        %add3A_387 = arith.addf %add3A_381, %get3A_386 : vector<16xf32>
        %get3A_388 = arith.constant 336 : index
        %get3A_389 = tpu.vector_load %arg17[%get3A_388] {strides = array<i32>} : memref<1024xf32, #tpu.memory_space<vmem>>, vector<16xf32>,
        %add3A_390 = arith.addf %add3A_384, %get3A_389 : vector<16xf32>
        %get3A_391 = arith.constant 336 : index
        %get3A_392 = tpu.vector_load %arg18[%get3A_391] {strides = array<i32>} : memref<1024xf32, #tpu.memory_space<vmem>>, vector<16xf32>,
        %add3A_393 = arith.addf %add3A_387, %get3A_392 : vector<16xf32>
        %get3A_394 = arith.constant 368 : index
        %get3A_395 = tpu.vector_load %arg17[%get3A_394] {strides = array<i32>} : memref<1024xf32, #tpu.memory_space<vmem>>, vector<16xf32>,
        %add3A_396 = arith.addf %add3A_390, %get3A_395 : vector<16xf32>
        %get3A_397 = arith.constant 368 : index
        %get3A_398 = tpu.vector_load %arg18[%get3A_397] {strides = array<i32>} : memref<1024xf32, #tpu.memory_space<vmem>>, vector<16xf32>,
        %add3A_399 = arith.addf %add3A_393, %get3A_398 : vector<16xf32>
        %get3A_400 = arith.constant 400 : index
        %get3A_401 = tpu.vector_load %arg17[%get3A_400] {strides = array<i32>} : memref<1024xf32, #tpu.memory_space<vmem>>, vector<16xf32>,
        %add3A_402 = arith.addf %add3A_396, %get3A_401 : vector<16xf32>
        %get3A_403 = arith.constant 400 : index
        %get3A_404 = tpu.vector_load %arg18[%get3A_403] {strides = array<i32>} : memref<1024xf32, #tpu.memory_space<vmem>>, vector<16xf32>,
        %add3A_405 = arith.addf %add3A_399, %get3A_404 : vector<16xf32>
        %get3A_406 = arith.constant 432 : index
        %get3A_407 = tpu.vector_load %arg17[%get3A_406] {strides = array<i32>} : memref<1024xf32, #tpu.memory_space<vmem>>, vector<16xf32>,
        %add3A_408 = arith.addf %add3A_402, %get3A_407 : vector<16xf32>
        %get3A_409 = arith.constant 432 : index
        %get3A_410 = tpu.vector_load %arg18[%get3A_409] {strides = array<i32>} : memref<1024xf32, #tpu.memory_space<vmem>>, vector<16xf32>,
        %add3A_411 = arith.addf %add3A_405, %get3A_410 : vector<16xf32>
        %get3A_412 = arith.constant 464 : index
        %get3A_413 = tpu.vector_load %arg17[%get3A_412] {strides = array<i32>} : memref<1024xf32, #tpu.memory_space<vmem>>, vector<16xf32>,
        %add3A_414 = arith.addf %add3A_408, %get3A_413 : vector<16xf32>
        %get3A_415 = arith.constant 464 : index
        %get3A_416 = tpu.vector_load %arg18[%get3A_415] {strides = array<i32>} : memref<1024xf32, #tpu.memory_space<vmem>>, vector<16xf32>,
        %add3A_417 = arith.addf %add3A_411, %get3A_416 : vector<16xf32>
        %get3A_418 = arith.constant 496 : index
        %get3A_419 = tpu.vector_load %arg17[%get3A_418] {strides = array<i32>} : memref<1024xf32, #tpu.memory_space<vmem>>, vector<16xf32>,
        %add3A_420 = arith.addf %add3A_414, %get3A_419 : vector<16xf32>
        %get3A_421 = arith.constant 496 : index
        %get3A_422 = tpu.vector_load %arg18[%get3A_421] {strides = array<i32>} : memref<1024xf32, #tpu.memory_space<vmem>>, vector<16xf32>,
        %add3A_423 = arith.addf %add3A_417, %get3A_422 : vector<16xf32>
        %get3A_424 = arith.constant 528 : index
        %get3A_425 = tpu.vector_load %arg17[%get3A_424] {strides = array<i32>} : memref<1024xf32, #tpu.memory_space<vmem>>, vector<16xf32>,
        %add3A_426 = arith.addf %add3A_420, %get3A_425 : vector<16xf32>
        %get3A_427 = arith.constant 528 : index
        %get3A_428 = tpu.vector_load %arg18[%get3A_427] {strides = array<i32>} : memref<1024xf32, #tpu.memory_space<vmem>>, vector<16xf32>,
        %add3A_429 = arith.addf %add3A_423, %get3A_428 : vector<16xf32>
        %get3A_430 = arith.constant 560 : index
        %get3A_431 = tpu.vector_load %arg17[%get3A_430] {strides = array<i32>} : memref<1024xf32, #tpu.memory_space<vmem>>, vector<16xf32>,
        %add3A_432 = arith.addf %add3A_426, %get3A_431 : vector<16xf32>
        %get3A_433 = arith.constant 560 : index
        %get3A_434 = tpu.vector_load %arg18[%get3A_433] {strides = array<i32>} : memref<1024xf32, #tpu.memory_space<vmem>>, vector<16xf32>,
        %add3A_435 = arith.addf %add3A_429, %get3A_434 : vector<16xf32>
        %get3A_436 = arith.constant 592 : index
        %get3A_437 = tpu.vector_load %arg17[%get3A_436] {strides = array<i32>} : memref<1024xf32, #tpu.memory_space<vmem>>, vector<16xf32>,
        %add3A_438 = arith.addf %add3A_432, %get3A_437 : vector<16xf32>
        %get3A_439 = arith.constant 592 : index
        %get3A_440 = tpu.vector_load %arg18[%get3A_439] {strides = array<i32>} : memref<1024xf32, #tpu.memory_space<vmem>>, vector<16xf32>,
        %add3A_441 = arith.addf %add3A_435, %get3A_440 : vector<16xf32>
        %get3A_442 = arith.constant 624 : index
        %get3A_443 = tpu.vector_load %arg17[%get3A_442] {strides = array<i32>} : memref<1024xf32, #tpu.memory_space<vmem>>, vector<16xf32>,
        %add3A_444 = arith.addf %add3A_438, %get3A_443 : vector<16xf32>
        %get3A_445 = arith.constant 624 : index
        %get3A_446 = tpu.vector_load %arg18[%get3A_445] {strides = array<i32>} : memref<1024xf32, #tpu.memory_space<vmem>>, vector<16xf32>,
        %add3A_447 = arith.addf %add3A_441, %get3A_446 : vector<16xf32>
        %get3A_448 = arith.constant 656 : index
        %get3A_449 = tpu.vector_load %arg17[%get3A_448] {strides = array<i32>} : memref<1024xf32, #tpu.memory_space<vmem>>, vector<16xf32>,
        %add3A_450 = arith.addf %add3A_444, %get3A_449 : vector<16xf32>
        %get3A_451 = arith.constant 656 : index
        %get3A_452 = tpu.vector_load %arg18[%get3A_451] {strides = array<i32>} : memref<1024xf32, #tpu.memory_space<vmem>>, vector<16xf32>,
        %add3A_453 = arith.addf %add3A_447, %get3A_452 : vector<16xf32>
        %get3A_454 = arith.constant 688 : index
        %get3A_455 = tpu.vector_load %arg17[%get3A_454] {strides = array<i32>} : memref<1024xf32, #tpu.memory_space<vmem>>, vector<16xf32>,
        %add3A_456 = arith.addf %add3A_450, %get3A_455 : vector<16xf32>
        %get3A_457 = arith.constant 688 : index
        %get3A_458 = tpu.vector_load %arg18[%get3A_457] {strides = array<i32>} : memref<1024xf32, #tpu.memory_space<vmem>>, vector<16xf32>,
        %add3A_459 = arith.addf %add3A_453, %get3A_458 : vector<16xf32>
        %get3A_460 = arith.constant 720 : index
        %get3A_461 = tpu.vector_load %arg17[%get3A_460] {strides = array<i32>} : memref<1024xf32, #tpu.memory_space<vmem>>, vector<16xf32>,
        %add3A_462 = arith.addf %add3A_456, %get3A_461 : vector<16xf32>
        %get3A_463 = arith.constant 720 : index
        %get3A_464 = tpu.vector_load %arg18[%get3A_463] {strides = array<i32>} : memref<1024xf32, #tpu.memory_space<vmem>>, vector<16xf32>,
        %add3A_465 = arith.addf %add3A_459, %get3A_464 : vector<16xf32>
        %get3A_466 = arith.constant 752 : index
        %get3A_467 = tpu.vector_load %arg17[%get3A_466] {strides = array<i32>} : memref<1024xf32, #tpu.memory_space<vmem>>, vector<16xf32>,
        %add3A_468 = arith.addf %add3A_462, %get3A_467 : vector<16xf32>
        %get3A_469 = arith.constant 752 : index
        %get3A_470 = tpu.vector_load %arg18[%get3A_469] {strides = array<i32>} : memref<1024xf32, #tpu.memory_space<vmem>>, vector<16xf32>,
        %add3A_471 = arith.addf %add3A_465, %get3A_470 : vector<16xf32>
        %get3A_472 = arith.constant 784 : index
        %get3A_473 = tpu.vector_load %arg17[%get3A_472] {strides = array<i32>} : memref<1024xf32, #tpu.memory_space<vmem>>, vector<16xf32>,
        %add3A_474 = arith.addf %add3A_468, %get3A_473 : vector<16xf32>
        %get3A_475 = arith.constant 784 : index
        %get3A_476 = tpu.vector_load %arg18[%get3A_475] {strides = array<i32>} : memref<1024xf32, #tpu.memory_space<vmem>>, vector<16xf32>,
        %add3A_477 = arith.addf %add3A_471, %get3A_476 : vector<16xf32>
        %get3A_478 = arith.constant 816 : index
        %get3A_479 = tpu.vector_load %arg17[%get3A_478] {strides = array<i32>} : memref<1024xf32, #tpu.memory_space<vmem>>, vector<16xf32>,
        %add3A_480 = arith.addf %add3A_474, %get3A_479 : vector<16xf32>
        %get3A_481 = arith.constant 816 : index
        %get3A_482 = tpu.vector_load %arg18[%get3A_481] {strides = array<i32>} : memref<1024xf32, #tpu.memory_space<vmem>>, vector<16xf32>,
        %add3A_483 = arith.addf %add3A_477, %get3A_482 : vector<16xf32>
        %get3A_484 = arith.constant 848 : index
        %get3A_485 = tpu.vector_load %arg17[%get3A_484] {strides = array<i32>} : memref<1024xf32, #tpu.memory_space<vmem>>, vector<16xf32>,
        %add3A_486 = arith.addf %add3A_480, %get3A_485 : vector<16xf32>
        %get3A_487 = arith.constant 848 : index
        %get3A_488 = tpu.vector_load %arg18[%get3A_487] {strides = array<i32>} : memref<1024xf32, #tpu.memory_space<vmem>>, vector<16xf32>,
        %add3A_489 = arith.addf %add3A_483, %get3A_488 : vector<16xf32>
        %get3A_490 = arith.constant 880 : index
        %get3A_491 = tpu.vector_load %arg17[%get3A_490] {strides = array<i32>} : memref<1024xf32, #tpu.memory_space<vmem>>, vector<16xf32>,
        %add3A_492 = arith.addf %add3A_486, %get3A_491 : vector<16xf32>
        %get3A_493 = arith.constant 880 : index
        %get3A_494 = tpu.vector_load %arg18[%get3A_493] {strides = array<i32>} : memref<1024xf32, #tpu.memory_space<vmem>>, vector<16xf32>,
        %add3A_495 = arith.addf %add3A_489, %get3A_494 : vector<16xf32>
        %get3A_496 = arith.constant 912 : index
        %get3A_497 = tpu.vector_load %arg17[%get3A_496] {strides = array<i32>} : memref<1024xf32, #tpu.memory_space<vmem>>, vector<16xf32>,
        %add3A_498 = arith.addf %add3A_492, %get3A_497 : vector<16xf32>
        %get3A_499 = arith.constant 912 : index
        %get3A_500 = tpu.vector_load %arg18[%get3A_499] {strides = array<i32>} : memref<1024xf32, #tpu.memory_space<vmem>>, vector<16xf32>,
        %add3A_501 = arith.addf %add3A_495, %get3A_500 : vector<16xf32>
        %get3A_502 = arith.constant 944 : index
        %get3A_503 = tpu.vector_load %arg17[%get3A_502] {strides = array<i32>} : memref<1024xf32, #tpu.memory_space<vmem>>, vector<16xf32>,
        %add3A_504 = arith.addf %add3A_498, %get3A_503 : vector<16xf32>
        %get3A_505 = arith.constant 944 : index
        %get3A_506 = tpu.vector_load %arg18[%get3A_505] {strides = array<i32>} : memref<1024xf32, #tpu.memory_space<vmem>>, vector<16xf32>,
        %add3A_507 = arith.addf %add3A_501, %get3A_506 : vector<16xf32>
        %get3A_508 = arith.constant 976 : index
        %get3A_509 = tpu.vector_load %arg17[%get3A_508] {strides = array<i32>} : memref<1024xf32, #tpu.memory_space<vmem>>, vector<16xf32>,
        %add3A_510 = arith.addf %add3A_504, %get3A_509 : vector<16xf32>
        %get3A_511 = arith.constant 976 : index
        %get3A_512 = tpu.vector_load %arg18[%get3A_511] {strides = array<i32>} : memref<1024xf32, #tpu.memory_space<vmem>>, vector<16xf32>,
        %add3A_513 = arith.addf %add3A_507, %get3A_512 : vector<16xf32>
        %get3A_514 = arith.constant 1008 : index
        %get3A_515 = tpu.vector_load %arg17[%get3A_514] {strides = array<i32>} : memref<1024xf32, #tpu.memory_space<vmem>>, vector<16xf32>,
        %add3A_516 = arith.addf %add3A_510, %get3A_515 : vector<16xf32>
        %get3A_517 = arith.constant 1008 : index
        %get3A_518 = tpu.vector_load %arg18[%get3A_517] {strides = array<i32>} : memref<1024xf32, #tpu.memory_space<vmem>>, vector<16xf32>,
        %add3A_519 = arith.addf %add3A_513, %get3A_518 : vector<16xf32>
        %add3A_520 = arith.constant 16 : i32
        %add3A_521 = vector.broadcast %add3A_520 : i32 to vector<16xi32>
        %add3A_522 = arith.addi %add3A_521, %iota3A : vector<16xi32>
        %eq3A_523 = arith.constant 0 : i32
        %eq3A_524 = vector.broadcast %eq3A_523 : i32 to vector<16xi32>
        %eq3A_525 = arith.cmpi eq, %add3A_522, %eq3A_524 : vector<16xi32>
        %le3A_526 = arith.constant 16 : i32
        %le3A_527 = vector.broadcast %le3A_526 : i32 to vector<16xi32>
        %le3A_528 = arith.cmpi sle, %add3A_522, %le3A_527 : vector<16xi32>
        %jit3A_529 = arith.constant 1.000000e+00 : f32
        %jit3A_530 = arith.constant 0.000000e+00 : f32
        %broadcast_in_dim3A_531 = vector.broadcast %jit3A_529 : f32 to vector<16xf32>
        %broadcast_in_dim3A_532 = vector.broadcast %jit3A_530 : f32 to vector<16xf32>
        %select_n3A_533 = arith.select %le3A_528, %broadcast_in_dim3A_531, %broadcast_in_dim3A_532 : vector<16xi1>, vector<16xf32>
        %jit3A_534 = arith.constant 0.761904776 : f32
        %broadcast_in_dim3A_535 = vector.broadcast %jit3A_534 : f32 to vector<16xf32>
        %select_n3A_536 = arith.select %eq3A_525, %broadcast_in_dim3A_535, %select_n3A_533 : vector<16xi1>, vector<16xf32>
        %mul3A_537 = arith.constant 1.280000e+02 : f32
        %mul3A_538 = vector.broadcast %mul3A_537 : f32 to vector<16xf32>
        %mul3A_539 = arith.mulf %add3A_519, %mul3A_538 : vector<16xf32>
        %max3A_540 = arith.constant 1.000000e+00 : f32
        %max3A_541 = vector.broadcast %max3A_540 : f32 to vector<16xf32>
        %max3A_542 = arith.maximumf %mul3A_539, %max3A_541 : vector<16xf32>
        %gt3A_543 = arith.constant 0.000000e+00 : f32
        %gt3A_544 = vector.broadcast %gt3A_543 : f32 to vector<16xf32>
        %gt3A_545 = arith.cmpf ogt, %add3A_519, %gt3A_544 : vector<16xf32>
        %mul3A_546 = arith.mulf %select_n3A_536, %add3A_516 : vector<16xf32>
        %div3A_547 = arith.divf %mul3A_546, %max3A_542 : vector<16xf32>
        %jit3A_548 = arith.constant 0.000000e+00 : f32
        %broadcast_in_dim3A_549 = vector.broadcast %jit3A_548 : f32 to vector<16xf32>
        %select_n3A_550 = arith.select %gt3A_545, %div3A_547, %broadcast_in_dim3A_549 : vector<16xi1>, vector<16xf32>
        %mul3A_551 = arith.constant 1.000000e+00 : f32
        %mul3A_552 = vector.broadcast %mul3A_551 : f32 to vector<16xf32>
        %mul3A_553 = arith.mulf %mul3A_552, %select_n3A_550 : vector<16xf32>
        %add3A_554 = arith.addf %add3A_323, %mul3A_553 : vector<16xf32>
        %broadcast_in_dim3A_555 = arith.constant 0.000000e+00 : f32
        %broadcast_in_dim3A_556 = vector.broadcast %broadcast_in_dim3A_555 : f32 to vector<16xf32>
        %broadcast_in_dim3A_557 = arith.constant 0.000000e+00 : f32
        %broadcast_in_dim3A_558 = vector.broadcast %broadcast_in_dim3A_557 : f32 to vector<16xf32>
        %get3A_559 = arith.constant 0 : i32
        %get3A_560 = arith.index_cast %get3A_559 : i32 to index
        %get3A_561 = arith.constant 32 : index
        %get3A_562 = tpu.vector_load %arg15[%get3A_560, %get3A_561] {strides = array<i32>} : memref<16x128xf32, #tpu.memory_space<vmem>>, vector<16xf32>,
        %add3A_563 = arith.addf %broadcast_in_dim3A_556, %get3A_562 : vector<16xf32>
        %get3A_564 = arith.constant 0 : i32
        %get3A_565 = arith.index_cast %get3A_564 : i32 to index
        %get3A_566 = arith.constant 32 : index
        %get3A_567 = tpu.vector_load %arg16[%get3A_565, %get3A_566] {strides = array<i32>} : memref<16x128xf32, #tpu.memory_space<vmem>>, vector<16xf32>,
        %add3A_568 = arith.addf %broadcast_in_dim3A_558, %get3A_567 : vector<16xf32>
        %get3A_569 = arith.constant 1 : i32
        %get3A_570 = arith.index_cast %get3A_569 : i32 to index
        %get3A_571 = arith.constant 32 : index
        %get3A_572 = tpu.vector_load %arg15[%get3A_570, %get3A_571] {strides = array<i32>} : memref<16x128xf32, #tpu.memory_space<vmem>>, vector<16xf32>,
        %add3A_573 = arith.addf %add3A_563, %get3A_572 : vector<16xf32>
        %get3A_574 = arith.constant 1 : i32
        %get3A_575 = arith.index_cast %get3A_574 : i32 to index
        %get3A_576 = arith.constant 32 : index
        %get3A_577 = tpu.vector_load %arg16[%get3A_575, %get3A_576] {strides = array<i32>} : memref<16x128xf32, #tpu.memory_space<vmem>>, vector<16xf32>,
        %add3A_578 = arith.addf %add3A_568, %get3A_577 : vector<16xf32>
        %get3A_579 = arith.constant 2 : i32
        %get3A_580 = arith.index_cast %get3A_579 : i32 to index
        %get3A_581 = arith.constant 32 : index
        %get3A_582 = tpu.vector_load %arg15[%get3A_580, %get3A_581] {strides = array<i32>} : memref<16x128xf32, #tpu.memory_space<vmem>>, vector<16xf32>,
        %add3A_583 = arith.addf %add3A_573, %get3A_582 : vector<16xf32>
        %get3A_584 = arith.constant 2 : i32
        %get3A_585 = arith.index_cast %get3A_584 : i32 to index
        %get3A_586 = arith.constant 32 : index
        %get3A_587 = tpu.vector_load %arg16[%get3A_585, %get3A_586] {strides = array<i32>} : memref<16x128xf32, #tpu.memory_space<vmem>>, vector<16xf32>,
        %add3A_588 = arith.addf %add3A_578, %get3A_587 : vector<16xf32>
        %get3A_589 = arith.constant 3 : i32
        %get3A_590 = arith.index_cast %get3A_589 : i32 to index
        %get3A_591 = arith.constant 32 : index
        %get3A_592 = tpu.vector_load %arg15[%get3A_590, %get3A_591] {strides = array<i32>} : memref<16x128xf32, #tpu.memory_space<vmem>>, vector<16xf32>,
        %add3A_593 = arith.addf %add3A_583, %get3A_592 : vector<16xf32>
        %get3A_594 = arith.constant 3 : i32
        %get3A_595 = arith.index_cast %get3A_594 : i32 to index
        %get3A_596 = arith.constant 32 : index
        %get3A_597 = tpu.vector_load %arg16[%get3A_595, %get3A_596] {strides = array<i32>} : memref<16x128xf32, #tpu.memory_space<vmem>>, vector<16xf32>,
        %add3A_598 = arith.addf %add3A_588, %get3A_597 : vector<16xf32>
        %get3A_599 = arith.constant 4 : i32
        %get3A_600 = arith.index_cast %get3A_599 : i32 to index
        %get3A_601 = arith.constant 32 : index
        %get3A_602 = tpu.vector_load %arg15[%get3A_600, %get3A_601] {strides = array<i32>} : memref<16x128xf32, #tpu.memory_space<vmem>>, vector<16xf32>,
        %add3A_603 = arith.addf %add3A_593, %get3A_602 : vector<16xf32>
        %get3A_604 = arith.constant 4 : i32
        %get3A_605 = arith.index_cast %get3A_604 : i32 to index
        %get3A_606 = arith.constant 32 : index
        %get3A_607 = tpu.vector_load %arg16[%get3A_605, %get3A_606] {strides = array<i32>} : memref<16x128xf32, #tpu.memory_space<vmem>>, vector<16xf32>,
        %add3A_608 = arith.addf %add3A_598, %get3A_607 : vector<16xf32>
        %get3A_609 = arith.constant 5 : i32
        %get3A_610 = arith.index_cast %get3A_609 : i32 to index
        %get3A_611 = arith.constant 32 : index
        %get3A_612 = tpu.vector_load %arg15[%get3A_610, %get3A_611] {strides = array<i32>} : memref<16x128xf32, #tpu.memory_space<vmem>>, vector<16xf32>,
        %add3A_613 = arith.addf %add3A_603, %get3A_612 : vector<16xf32>
        %get3A_614 = arith.constant 5 : i32
        %get3A_615 = arith.index_cast %get3A_614 : i32 to index
        %get3A_616 = arith.constant 32 : index
        %get3A_617 = tpu.vector_load %arg16[%get3A_615, %get3A_616] {strides = array<i32>} : memref<16x128xf32, #tpu.memory_space<vmem>>, vector<16xf32>,
        %add3A_618 = arith.addf %add3A_608, %get3A_617 : vector<16xf32>
        %get3A_619 = arith.constant 6 : i32
        %get3A_620 = arith.index_cast %get3A_619 : i32 to index
        %get3A_621 = arith.constant 32 : index
        %get3A_622 = tpu.vector_load %arg15[%get3A_620, %get3A_621] {strides = array<i32>} : memref<16x128xf32, #tpu.memory_space<vmem>>, vector<16xf32>,
        %add3A_623 = arith.addf %add3A_613, %get3A_622 : vector<16xf32>
        %get3A_624 = arith.constant 6 : i32
        %get3A_625 = arith.index_cast %get3A_624 : i32 to index
        %get3A_626 = arith.constant 32 : index
        %get3A_627 = tpu.vector_load %arg16[%get3A_625, %get3A_626] {strides = array<i32>} : memref<16x128xf32, #tpu.memory_space<vmem>>, vector<16xf32>,
        %add3A_628 = arith.addf %add3A_618, %get3A_627 : vector<16xf32>
        %get3A_629 = arith.constant 7 : i32
        %get3A_630 = arith.index_cast %get3A_629 : i32 to index
        %get3A_631 = arith.constant 32 : index
        %get3A_632 = tpu.vector_load %arg15[%get3A_630, %get3A_631] {strides = array<i32>} : memref<16x128xf32, #tpu.memory_space<vmem>>, vector<16xf32>,
        %add3A_633 = arith.addf %add3A_623, %get3A_632 : vector<16xf32>
        %get3A_634 = arith.constant 7 : i32
        %get3A_635 = arith.index_cast %get3A_634 : i32 to index
        %get3A_636 = arith.constant 32 : index
        %get3A_637 = tpu.vector_load %arg16[%get3A_635, %get3A_636] {strides = array<i32>} : memref<16x128xf32, #tpu.memory_space<vmem>>, vector<16xf32>,
        %add3A_638 = arith.addf %add3A_628, %get3A_637 : vector<16xf32>
        %get3A_639 = arith.constant 8 : i32
        %get3A_640 = arith.index_cast %get3A_639 : i32 to index
        %get3A_641 = arith.constant 32 : index
        %get3A_642 = tpu.vector_load %arg15[%get3A_640, %get3A_641] {strides = array<i32>} : memref<16x128xf32, #tpu.memory_space<vmem>>, vector<16xf32>,
        %add3A_643 = arith.addf %add3A_633, %get3A_642 : vector<16xf32>
        %get3A_644 = arith.constant 8 : i32
        %get3A_645 = arith.index_cast %get3A_644 : i32 to index
        %get3A_646 = arith.constant 32 : index
        %get3A_647 = tpu.vector_load %arg16[%get3A_645, %get3A_646] {strides = array<i32>} : memref<16x128xf32, #tpu.memory_space<vmem>>, vector<16xf32>,
        %add3A_648 = arith.addf %add3A_638, %get3A_647 : vector<16xf32>
        %get3A_649 = arith.constant 9 : i32
        %get3A_650 = arith.index_cast %get3A_649 : i32 to index
        %get3A_651 = arith.constant 32 : index
        %get3A_652 = tpu.vector_load %arg15[%get3A_650, %get3A_651] {strides = array<i32>} : memref<16x128xf32, #tpu.memory_space<vmem>>, vector<16xf32>,
        %add3A_653 = arith.addf %add3A_643, %get3A_652 : vector<16xf32>
        %get3A_654 = arith.constant 9 : i32
        %get3A_655 = arith.index_cast %get3A_654 : i32 to index
        %get3A_656 = arith.constant 32 : index
        %get3A_657 = tpu.vector_load %arg16[%get3A_655, %get3A_656] {strides = array<i32>} : memref<16x128xf32, #tpu.memory_space<vmem>>, vector<16xf32>,
        %add3A_658 = arith.addf %add3A_648, %get3A_657 : vector<16xf32>
        %get3A_659 = arith.constant 10 : i32
        %get3A_660 = arith.index_cast %get3A_659 : i32 to index
        %get3A_661 = arith.constant 32 : index
        %get3A_662 = tpu.vector_load %arg15[%get3A_660, %get3A_661] {strides = array<i32>} : memref<16x128xf32, #tpu.memory_space<vmem>>, vector<16xf32>,
        %add3A_663 = arith.addf %add3A_653, %get3A_662 : vector<16xf32>
        %get3A_664 = arith.constant 10 : i32
        %get3A_665 = arith.index_cast %get3A_664 : i32 to index
        %get3A_666 = arith.constant 32 : index
        %get3A_667 = tpu.vector_load %arg16[%get3A_665, %get3A_666] {strides = array<i32>} : memref<16x128xf32, #tpu.memory_space<vmem>>, vector<16xf32>,
        %add3A_668 = arith.addf %add3A_658, %get3A_667 : vector<16xf32>
        %get3A_669 = arith.constant 11 : i32
        %get3A_670 = arith.index_cast %get3A_669 : i32 to index
        %get3A_671 = arith.constant 32 : index
        %get3A_672 = tpu.vector_load %arg15[%get3A_670, %get3A_671] {strides = array<i32>} : memref<16x128xf32, #tpu.memory_space<vmem>>, vector<16xf32>,
        %add3A_673 = arith.addf %add3A_663, %get3A_672 : vector<16xf32>
        %get3A_674 = arith.constant 11 : i32
        %get3A_675 = arith.index_cast %get3A_674 : i32 to index
        %get3A_676 = arith.constant 32 : index
        %get3A_677 = tpu.vector_load %arg16[%get3A_675, %get3A_676] {strides = array<i32>} : memref<16x128xf32, #tpu.memory_space<vmem>>, vector<16xf32>,
        %add3A_678 = arith.addf %add3A_668, %get3A_677 : vector<16xf32>
        %get3A_679 = arith.constant 12 : i32
        %get3A_680 = arith.index_cast %get3A_679 : i32 to index
        %get3A_681 = arith.constant 32 : index
        %get3A_682 = tpu.vector_load %arg15[%get3A_680, %get3A_681] {strides = array<i32>} : memref<16x128xf32, #tpu.memory_space<vmem>>, vector<16xf32>,
        %add3A_683 = arith.addf %add3A_673, %get3A_682 : vector<16xf32>
        %get3A_684 = arith.constant 12 : i32
        %get3A_685 = arith.index_cast %get3A_684 : i32 to index
        %get3A_686 = arith.constant 32 : index
        %get3A_687 = tpu.vector_load %arg16[%get3A_685, %get3A_686] {strides = array<i32>} : memref<16x128xf32, #tpu.memory_space<vmem>>, vector<16xf32>,
        %add3A_688 = arith.addf %add3A_678, %get3A_687 : vector<16xf32>
        %get3A_689 = arith.constant 13 : i32
        %get3A_690 = arith.index_cast %get3A_689 : i32 to index
        %get3A_691 = arith.constant 32 : index
        %get3A_692 = tpu.vector_load %arg15[%get3A_690, %get3A_691] {strides = array<i32>} : memref<16x128xf32, #tpu.memory_space<vmem>>, vector<16xf32>,
        %add3A_693 = arith.addf %add3A_683, %get3A_692 : vector<16xf32>
        %get3A_694 = arith.constant 13 : i32
        %get3A_695 = arith.index_cast %get3A_694 : i32 to index
        %get3A_696 = arith.constant 32 : index
        %get3A_697 = tpu.vector_load %arg16[%get3A_695, %get3A_696] {strides = array<i32>} : memref<16x128xf32, #tpu.memory_space<vmem>>, vector<16xf32>,
        %add3A_698 = arith.addf %add3A_688, %get3A_697 : vector<16xf32>
        %get3A_699 = arith.constant 14 : i32
        %get3A_700 = arith.index_cast %get3A_699 : i32 to index
        %get3A_701 = arith.constant 32 : index
        %get3A_702 = tpu.vector_load %arg15[%get3A_700, %get3A_701] {strides = array<i32>} : memref<16x128xf32, #tpu.memory_space<vmem>>, vector<16xf32>,
        %add3A_703 = arith.addf %add3A_693, %get3A_702 : vector<16xf32>
        %get3A_704 = arith.constant 14 : i32
        %get3A_705 = arith.index_cast %get3A_704 : i32 to index
        %get3A_706 = arith.constant 32 : index
        %get3A_707 = tpu.vector_load %arg16[%get3A_705, %get3A_706] {strides = array<i32>} : memref<16x128xf32, #tpu.memory_space<vmem>>, vector<16xf32>,
        %add3A_708 = arith.addf %add3A_698, %get3A_707 : vector<16xf32>
        %get3A_709 = arith.constant 15 : i32
        %get3A_710 = arith.index_cast %get3A_709 : i32 to index
        %get3A_711 = arith.constant 32 : index
        %get3A_712 = tpu.vector_load %arg15[%get3A_710, %get3A_711] {strides = array<i32>} : memref<16x128xf32, #tpu.memory_space<vmem>>, vector<16xf32>,
        %add3A_713 = arith.addf %add3A_703, %get3A_712 : vector<16xf32>
        %get3A_714 = arith.constant 15 : i32
        %get3A_715 = arith.index_cast %get3A_714 : i32 to index
        %get3A_716 = arith.constant 32 : index
        %get3A_717 = tpu.vector_load %arg16[%get3A_715, %get3A_716] {strides = array<i32>} : memref<16x128xf32, #tpu.memory_space<vmem>>, vector<16xf32>,
        %add3A_718 = arith.addf %add3A_708, %get3A_717 : vector<16xf32>
        %add3A_719 = arith.constant 0 : i32
        %add3A_720 = vector.broadcast %add3A_719 : i32 to vector<16xi32>
        %add3A_721 = arith.addi %add3A_720, %iota3A : vector<16xi32>
        %eq3A_722 = arith.constant 0 : i32
        %eq3A_723 = vector.broadcast %eq3A_722 : i32 to vector<16xi32>
        %eq3A_724 = arith.cmpi eq, %add3A_721, %eq3A_723 : vector<16xi32>
        %le3A_725 = arith.constant 16 : i32
        %le3A_726 = vector.broadcast %le3A_725 : i32 to vector<16xi32>
        %le3A_727 = arith.cmpi sle, %add3A_721, %le3A_726 : vector<16xi32>
        %jit3A_728 = arith.constant 1.000000e+00 : f32
        %jit3A_729 = arith.constant 0.000000e+00 : f32
        %broadcast_in_dim3A_730 = vector.broadcast %jit3A_728 : f32 to vector<16xf32>
        %broadcast_in_dim3A_731 = vector.broadcast %jit3A_729 : f32 to vector<16xf32>
        %select_n3A_732 = arith.select %le3A_727, %broadcast_in_dim3A_730, %broadcast_in_dim3A_731 : vector<16xi1>, vector<16xf32>
        %jit3A_733 = arith.constant 0.761904776 : f32
        %broadcast_in_dim3A_734 = vector.broadcast %jit3A_733 : f32 to vector<16xf32>
        %select_n3A_735 = arith.select %eq3A_724, %broadcast_in_dim3A_734, %select_n3A_732 : vector<16xi1>, vector<16xf32>
        %mul3A_736 = arith.constant 2.560000e+02 : f32
        %mul3A_737 = vector.broadcast %mul3A_736 : f32 to vector<16xf32>
        %mul3A_738 = arith.mulf %add3A_718, %mul3A_737 : vector<16xf32>
        %max3A_739 = arith.constant 1.000000e+00 : f32
        %max3A_740 = vector.broadcast %max3A_739 : f32 to vector<16xf32>
        %max3A_741 = arith.maximumf %mul3A_738, %max3A_740 : vector<16xf32>
        %gt3A_742 = arith.constant 0.000000e+00 : f32
        %gt3A_743 = vector.broadcast %gt3A_742 : f32 to vector<16xf32>
        %gt3A_744 = arith.cmpf ogt, %add3A_718, %gt3A_743 : vector<16xf32>
        %mul3A_745 = arith.mulf %select_n3A_735, %add3A_713 : vector<16xf32>
        %div3A_746 = arith.divf %mul3A_745, %max3A_741 : vector<16xf32>
        %jit3A_747 = arith.constant 0.000000e+00 : f32
        %broadcast_in_dim3A_748 = vector.broadcast %jit3A_747 : f32 to vector<16xf32>
        %select_n3A_749 = arith.select %gt3A_744, %div3A_746, %broadcast_in_dim3A_748 : vector<16xi1>, vector<16xf32>
        %mul3A_750 = arith.constant 2.000000e+00 : f32
        %mul3A_751 = vector.broadcast %mul3A_750 : f32 to vector<16xf32>
        %mul3A_752 = arith.mulf %mul3A_751, %select_n3A_749 : vector<16xf32>
        %add3A_753 = arith.addf %add3A_554, %mul3A_752 : vector<16xf32>
        %broadcast_in_dim3A_754 = arith.constant 0.000000e+00 : f32
        %broadcast_in_dim3A_755 = vector.broadcast %broadcast_in_dim3A_754 : f32 to vector<16xf32>
        %broadcast_in_dim3A_756 = arith.constant 0.000000e+00 : f32
        %broadcast_in_dim3A_757 = vector.broadcast %broadcast_in_dim3A_756 : f32 to vector<16xf32>
        %get3A_758 = arith.constant 0 : i32
        %get3A_759 = arith.index_cast %get3A_758 : i32 to index
        %get3A_760 = arith.constant 48 : index
        %get3A_761 = tpu.vector_load %arg15[%get3A_759, %get3A_760] {strides = array<i32>} : memref<16x128xf32, #tpu.memory_space<vmem>>, vector<16xf32>,
        %add3A_762 = arith.addf %broadcast_in_dim3A_755, %get3A_761 : vector<16xf32>
        %get3A_763 = arith.constant 0 : i32
        %get3A_764 = arith.index_cast %get3A_763 : i32 to index
        %get3A_765 = arith.constant 48 : index
        %get3A_766 = tpu.vector_load %arg16[%get3A_764, %get3A_765] {strides = array<i32>} : memref<16x128xf32, #tpu.memory_space<vmem>>, vector<16xf32>,
        %add3A_767 = arith.addf %broadcast_in_dim3A_757, %get3A_766 : vector<16xf32>
        %get3A_768 = arith.constant 1 : i32
        %get3A_769 = arith.index_cast %get3A_768 : i32 to index
        %get3A_770 = arith.constant 48 : index
        %get3A_771 = tpu.vector_load %arg15[%get3A_769, %get3A_770] {strides = array<i32>} : memref<16x128xf32, #tpu.memory_space<vmem>>, vector<16xf32>,
        %add3A_772 = arith.addf %add3A_762, %get3A_771 : vector<16xf32>
        %get3A_773 = arith.constant 1 : i32
        %get3A_774 = arith.index_cast %get3A_773 : i32 to index
        %get3A_775 = arith.constant 48 : index
        %get3A_776 = tpu.vector_load %arg16[%get3A_774, %get3A_775] {strides = array<i32>} : memref<16x128xf32, #tpu.memory_space<vmem>>, vector<16xf32>,
        %add3A_777 = arith.addf %add3A_767, %get3A_776 : vector<16xf32>
        %get3A_778 = arith.constant 2 : i32
        %get3A_779 = arith.index_cast %get3A_778 : i32 to index
        %get3A_780 = arith.constant 48 : index
        %get3A_781 = tpu.vector_load %arg15[%get3A_779, %get3A_780] {strides = array<i32>} : memref<16x128xf32, #tpu.memory_space<vmem>>, vector<16xf32>,
        %add3A_782 = arith.addf %add3A_772, %get3A_781 : vector<16xf32>
        %get3A_783 = arith.constant 2 : i32
        %get3A_784 = arith.index_cast %get3A_783 : i32 to index
        %get3A_785 = arith.constant 48 : index
        %get3A_786 = tpu.vector_load %arg16[%get3A_784, %get3A_785] {strides = array<i32>} : memref<16x128xf32, #tpu.memory_space<vmem>>, vector<16xf32>,
        %add3A_787 = arith.addf %add3A_777, %get3A_786 : vector<16xf32>
        %get3A_788 = arith.constant 3 : i32
        %get3A_789 = arith.index_cast %get3A_788 : i32 to index
        %get3A_790 = arith.constant 48 : index
        %get3A_791 = tpu.vector_load %arg15[%get3A_789, %get3A_790] {strides = array<i32>} : memref<16x128xf32, #tpu.memory_space<vmem>>, vector<16xf32>,
        %add3A_792 = arith.addf %add3A_782, %get3A_791 : vector<16xf32>
        %get3A_793 = arith.constant 3 : i32
        %get3A_794 = arith.index_cast %get3A_793 : i32 to index
        %get3A_795 = arith.constant 48 : index
        %get3A_796 = tpu.vector_load %arg16[%get3A_794, %get3A_795] {strides = array<i32>} : memref<16x128xf32, #tpu.memory_space<vmem>>, vector<16xf32>,
        %add3A_797 = arith.addf %add3A_787, %get3A_796 : vector<16xf32>
        %get3A_798 = arith.constant 4 : i32
        %get3A_799 = arith.index_cast %get3A_798 : i32 to index
        %get3A_800 = arith.constant 48 : index
        %get3A_801 = tpu.vector_load %arg15[%get3A_799, %get3A_800] {strides = array<i32>} : memref<16x128xf32, #tpu.memory_space<vmem>>, vector<16xf32>,
        %add3A_802 = arith.addf %add3A_792, %get3A_801 : vector<16xf32>
        %get3A_803 = arith.constant 4 : i32
        %get3A_804 = arith.index_cast %get3A_803 : i32 to index
        %get3A_805 = arith.constant 48 : index
        %get3A_806 = tpu.vector_load %arg16[%get3A_804, %get3A_805] {strides = array<i32>} : memref<16x128xf32, #tpu.memory_space<vmem>>, vector<16xf32>,
        %add3A_807 = arith.addf %add3A_797, %get3A_806 : vector<16xf32>
        %get3A_808 = arith.constant 5 : i32
        %get3A_809 = arith.index_cast %get3A_808 : i32 to index
        %get3A_810 = arith.constant 48 : index
        %get3A_811 = tpu.vector_load %arg15[%get3A_809, %get3A_810] {strides = array<i32>} : memref<16x128xf32, #tpu.memory_space<vmem>>, vector<16xf32>,
        %add3A_812 = arith.addf %add3A_802, %get3A_811 : vector<16xf32>
        %get3A_813 = arith.constant 5 : i32
        %get3A_814 = arith.index_cast %get3A_813 : i32 to index
        %get3A_815 = arith.constant 48 : index
        %get3A_816 = tpu.vector_load %arg16[%get3A_814, %get3A_815] {strides = array<i32>} : memref<16x128xf32, #tpu.memory_space<vmem>>, vector<16xf32>,
        %add3A_817 = arith.addf %add3A_807, %get3A_816 : vector<16xf32>
        %get3A_818 = arith.constant 6 : i32
        %get3A_819 = arith.index_cast %get3A_818 : i32 to index
        %get3A_820 = arith.constant 48 : index
        %get3A_821 = tpu.vector_load %arg15[%get3A_819, %get3A_820] {strides = array<i32>} : memref<16x128xf32, #tpu.memory_space<vmem>>, vector<16xf32>,
        %add3A_822 = arith.addf %add3A_812, %get3A_821 : vector<16xf32>
        %get3A_823 = arith.constant 6 : i32
        %get3A_824 = arith.index_cast %get3A_823 : i32 to index
        %get3A_825 = arith.constant 48 : index
        %get3A_826 = tpu.vector_load %arg16[%get3A_824, %get3A_825] {strides = array<i32>} : memref<16x128xf32, #tpu.memory_space<vmem>>, vector<16xf32>,
        %add3A_827 = arith.addf %add3A_817, %get3A_826 : vector<16xf32>
        %get3A_828 = arith.constant 7 : i32
        %get3A_829 = arith.index_cast %get3A_828 : i32 to index
        %get3A_830 = arith.constant 48 : index
        %get3A_831 = tpu.vector_load %arg15[%get3A_829, %get3A_830] {strides = array<i32>} : memref<16x128xf32, #tpu.memory_space<vmem>>, vector<16xf32>,
        %add3A_832 = arith.addf %add3A_822, %get3A_831 : vector<16xf32>
        %get3A_833 = arith.constant 7 : i32
        %get3A_834 = arith.index_cast %get3A_833 : i32 to index
        %get3A_835 = arith.constant 48 : index
        %get3A_836 = tpu.vector_load %arg16[%get3A_834, %get3A_835] {strides = array<i32>} : memref<16x128xf32, #tpu.memory_space<vmem>>, vector<16xf32>,
        %add3A_837 = arith.addf %add3A_827, %get3A_836 : vector<16xf32>
        %get3A_838 = arith.constant 8 : i32
        %get3A_839 = arith.index_cast %get3A_838 : i32 to index
        %get3A_840 = arith.constant 48 : index
        %get3A_841 = tpu.vector_load %arg15[%get3A_839, %get3A_840] {strides = array<i32>} : memref<16x128xf32, #tpu.memory_space<vmem>>, vector<16xf32>,
        %add3A_842 = arith.addf %add3A_832, %get3A_841 : vector<16xf32>
        %get3A_843 = arith.constant 8 : i32
        %get3A_844 = arith.index_cast %get3A_843 : i32 to index
        %get3A_845 = arith.constant 48 : index
        %get3A_846 = tpu.vector_load %arg16[%get3A_844, %get3A_845] {strides = array<i32>} : memref<16x128xf32, #tpu.memory_space<vmem>>, vector<16xf32>,
        %add3A_847 = arith.addf %add3A_837, %get3A_846 : vector<16xf32>
        %get3A_848 = arith.constant 9 : i32
        %get3A_849 = arith.index_cast %get3A_848 : i32 to index
        %get3A_850 = arith.constant 48 : index
        %get3A_851 = tpu.vector_load %arg15[%get3A_849, %get3A_850] {strides = array<i32>} : memref<16x128xf32, #tpu.memory_space<vmem>>, vector<16xf32>,
        %add3A_852 = arith.addf %add3A_842, %get3A_851 : vector<16xf32>
        %get3A_853 = arith.constant 9 : i32
        %get3A_854 = arith.index_cast %get3A_853 : i32 to index
        %get3A_855 = arith.constant 48 : index
        %get3A_856 = tpu.vector_load %arg16[%get3A_854, %get3A_855] {strides = array<i32>} : memref<16x128xf32, #tpu.memory_space<vmem>>, vector<16xf32>,
        %add3A_857 = arith.addf %add3A_847, %get3A_856 : vector<16xf32>
        %get3A_858 = arith.constant 10 : i32
        %get3A_859 = arith.index_cast %get3A_858 : i32 to index
        %get3A_860 = arith.constant 48 : index
        %get3A_861 = tpu.vector_load %arg15[%get3A_859, %get3A_860] {strides = array<i32>} : memref<16x128xf32, #tpu.memory_space<vmem>>, vector<16xf32>,
        %add3A_862 = arith.addf %add3A_852, %get3A_861 : vector<16xf32>
        %get3A_863 = arith.constant 10 : i32
        %get3A_864 = arith.index_cast %get3A_863 : i32 to index
        %get3A_865 = arith.constant 48 : index
        %get3A_866 = tpu.vector_load %arg16[%get3A_864, %get3A_865] {strides = array<i32>} : memref<16x128xf32, #tpu.memory_space<vmem>>, vector<16xf32>,
        %add3A_867 = arith.addf %add3A_857, %get3A_866 : vector<16xf32>
        %get3A_868 = arith.constant 11 : i32
        %get3A_869 = arith.index_cast %get3A_868 : i32 to index
        %get3A_870 = arith.constant 48 : index
        %get3A_871 = tpu.vector_load %arg15[%get3A_869, %get3A_870] {strides = array<i32>} : memref<16x128xf32, #tpu.memory_space<vmem>>, vector<16xf32>,
        %add3A_872 = arith.addf %add3A_862, %get3A_871 : vector<16xf32>
        %get3A_873 = arith.constant 11 : i32
        %get3A_874 = arith.index_cast %get3A_873 : i32 to index
        %get3A_875 = arith.constant 48 : index
        %get3A_876 = tpu.vector_load %arg16[%get3A_874, %get3A_875] {strides = array<i32>} : memref<16x128xf32, #tpu.memory_space<vmem>>, vector<16xf32>,
        %add3A_877 = arith.addf %add3A_867, %get3A_876 : vector<16xf32>
        %get3A_878 = arith.constant 12 : i32
        %get3A_879 = arith.index_cast %get3A_878 : i32 to index
        %get3A_880 = arith.constant 48 : index
        %get3A_881 = tpu.vector_load %arg15[%get3A_879, %get3A_880] {strides = array<i32>} : memref<16x128xf32, #tpu.memory_space<vmem>>, vector<16xf32>,
        %add3A_882 = arith.addf %add3A_872, %get3A_881 : vector<16xf32>
        %get3A_883 = arith.constant 12 : i32
        %get3A_884 = arith.index_cast %get3A_883 : i32 to index
        %get3A_885 = arith.constant 48 : index
        %get3A_886 = tpu.vector_load %arg16[%get3A_884, %get3A_885] {strides = array<i32>} : memref<16x128xf32, #tpu.memory_space<vmem>>, vector<16xf32>,
        %add3A_887 = arith.addf %add3A_877, %get3A_886 : vector<16xf32>
        %get3A_888 = arith.constant 13 : i32
        %get3A_889 = arith.index_cast %get3A_888 : i32 to index
        %get3A_890 = arith.constant 48 : index
        %get3A_891 = tpu.vector_load %arg15[%get3A_889, %get3A_890] {strides = array<i32>} : memref<16x128xf32, #tpu.memory_space<vmem>>, vector<16xf32>,
        %add3A_892 = arith.addf %add3A_882, %get3A_891 : vector<16xf32>
        %get3A_893 = arith.constant 13 : i32
        %get3A_894 = arith.index_cast %get3A_893 : i32 to index
        %get3A_895 = arith.constant 48 : index
        %get3A_896 = tpu.vector_load %arg16[%get3A_894, %get3A_895] {strides = array<i32>} : memref<16x128xf32, #tpu.memory_space<vmem>>, vector<16xf32>,
        %add3A_897 = arith.addf %add3A_887, %get3A_896 : vector<16xf32>
        %get3A_898 = arith.constant 14 : i32
        %get3A_899 = arith.index_cast %get3A_898 : i32 to index
        %get3A_900 = arith.constant 48 : index
        %get3A_901 = tpu.vector_load %arg15[%get3A_899, %get3A_900] {strides = array<i32>} : memref<16x128xf32, #tpu.memory_space<vmem>>, vector<16xf32>,
        %add3A_902 = arith.addf %add3A_892, %get3A_901 : vector<16xf32>
        %get3A_903 = arith.constant 14 : i32
        %get3A_904 = arith.index_cast %get3A_903 : i32 to index
        %get3A_905 = arith.constant 48 : index
        %get3A_906 = tpu.vector_load %arg16[%get3A_904, %get3A_905] {strides = array<i32>} : memref<16x128xf32, #tpu.memory_space<vmem>>, vector<16xf32>,
        %add3A_907 = arith.addf %add3A_897, %get3A_906 : vector<16xf32>
        %get3A_908 = arith.constant 15 : i32
        %get3A_909 = arith.index_cast %get3A_908 : i32 to index
        %get3A_910 = arith.constant 48 : index
        %get3A_911 = tpu.vector_load %arg15[%get3A_909, %get3A_910] {strides = array<i32>} : memref<16x128xf32, #tpu.memory_space<vmem>>, vector<16xf32>,
        %add3A_912 = arith.addf %add3A_902, %get3A_911 : vector<16xf32>
        %get3A_913 = arith.constant 15 : i32
        %get3A_914 = arith.index_cast %get3A_913 : i32 to index
        %get3A_915 = arith.constant 48 : index
        %get3A_916 = tpu.vector_load %arg16[%get3A_914, %get3A_915] {strides = array<i32>} : memref<16x128xf32, #tpu.memory_space<vmem>>, vector<16xf32>,
        %add3A_917 = arith.addf %add3A_907, %get3A_916 : vector<16xf32>
        %add3A_918 = arith.constant 16 : i32
        %add3A_919 = vector.broadcast %add3A_918 : i32 to vector<16xi32>
        %add3A_920 = arith.addi %add3A_919, %iota3A : vector<16xi32>
        %eq3A_921 = arith.constant 0 : i32
        %eq3A_922 = vector.broadcast %eq3A_921 : i32 to vector<16xi32>
        %eq3A_923 = arith.cmpi eq, %add3A_920, %eq3A_922 : vector<16xi32>
        %le3A_924 = arith.constant 16 : i32
        %le3A_925 = vector.broadcast %le3A_924 : i32 to vector<16xi32>
        %le3A_926 = arith.cmpi sle, %add3A_920, %le3A_925 : vector<16xi32>
        %jit3A_927 = arith.constant 1.000000e+00 : f32
        %jit3A_928 = arith.constant 0.000000e+00 : f32
        %broadcast_in_dim3A_929 = vector.broadcast %jit3A_927 : f32 to vector<16xf32>
        %broadcast_in_dim3A_930 = vector.broadcast %jit3A_928 : f32 to vector<16xf32>
        %select_n3A_931 = arith.select %le3A_926, %broadcast_in_dim3A_929, %broadcast_in_dim3A_930 : vector<16xi1>, vector<16xf32>
        %jit3A_932 = arith.constant 0.761904776 : f32
        %broadcast_in_dim3A_933 = vector.broadcast %jit3A_932 : f32 to vector<16xf32>
        %select_n3A_934 = arith.select %eq3A_923, %broadcast_in_dim3A_933, %select_n3A_931 : vector<16xi1>, vector<16xf32>
        %mul3A_935 = arith.constant 2.560000e+02 : f32
        %mul3A_936 = vector.broadcast %mul3A_935 : f32 to vector<16xf32>
        %mul3A_937 = arith.mulf %add3A_917, %mul3A_936 : vector<16xf32>
        %max3A_938 = arith.constant 1.000000e+00 : f32
        %max3A_939 = vector.broadcast %max3A_938 : f32 to vector<16xf32>
        %max3A_940 = arith.maximumf %mul3A_937, %max3A_939 : vector<16xf32>
        %gt3A_941 = arith.constant 0.000000e+00 : f32
        %gt3A_942 = vector.broadcast %gt3A_941 : f32 to vector<16xf32>
        %gt3A_943 = arith.cmpf ogt, %add3A_917, %gt3A_942 : vector<16xf32>
        %mul3A_944 = arith.mulf %select_n3A_934, %add3A_912 : vector<16xf32>
        %div3A_945 = arith.divf %mul3A_944, %max3A_940 : vector<16xf32>
        %jit3A_946 = arith.constant 0.000000e+00 : f32
        %broadcast_in_dim3A_947 = vector.broadcast %jit3A_946 : f32 to vector<16xf32>
        %select_n3A_948 = arith.select %gt3A_943, %div3A_945, %broadcast_in_dim3A_947 : vector<16xi1>, vector<16xf32>
        %mul3A_949 = arith.constant 2.000000e+00 : f32
        %mul3A_950 = vector.broadcast %mul3A_949 : f32 to vector<16xf32>
        %mul3A_951 = arith.mulf %mul3A_950, %select_n3A_948 : vector<16xf32>
        %add3A_952 = arith.addf %add3A_753, %mul3A_951 : vector<16xf32>
        %broadcast_in_dim3A_953 = arith.constant 0.000000e+00 : f32
        %broadcast_in_dim3A_954 = vector.broadcast %broadcast_in_dim3A_953 : f32 to vector<16xf32>
        %broadcast_in_dim3A_955 = arith.constant 0.000000e+00 : f32
        %broadcast_in_dim3A_956 = vector.broadcast %broadcast_in_dim3A_955 : f32 to vector<16xf32>
        %get3A_957 = arith.constant 0 : i32
        %get3A_958 = arith.index_cast %get3A_957 : i32 to index
        %get3A_959 = arith.constant 64 : index
        %get3A_960 = tpu.vector_load %arg15[%get3A_958, %get3A_959] {strides = array<i32>} : memref<16x128xf32, #tpu.memory_space<vmem>>, vector<16xf32>,
        %add3A_961 = arith.addf %broadcast_in_dim3A_954, %get3A_960 : vector<16xf32>
        %get3A_962 = arith.constant 0 : i32
        %get3A_963 = arith.index_cast %get3A_962 : i32 to index
        %get3A_964 = arith.constant 64 : index
        %get3A_965 = tpu.vector_load %arg16[%get3A_963, %get3A_964] {strides = array<i32>} : memref<16x128xf32, #tpu.memory_space<vmem>>, vector<16xf32>,
        %add3A_966 = arith.addf %broadcast_in_dim3A_956, %get3A_965 : vector<16xf32>
        %get3A_967 = arith.constant 1 : i32
        %get3A_968 = arith.index_cast %get3A_967 : i32 to index
        %get3A_969 = arith.constant 64 : index
        %get3A_970 = tpu.vector_load %arg15[%get3A_968, %get3A_969] {strides = array<i32>} : memref<16x128xf32, #tpu.memory_space<vmem>>, vector<16xf32>,
        %add3A_971 = arith.addf %add3A_961, %get3A_970 : vector<16xf32>
        %get3A_972 = arith.constant 1 : i32
        %get3A_973 = arith.index_cast %get3A_972 : i32 to index
        %get3A_974 = arith.constant 64 : index
        %get3A_975 = tpu.vector_load %arg16[%get3A_973, %get3A_974] {strides = array<i32>} : memref<16x128xf32, #tpu.memory_space<vmem>>, vector<16xf32>,
        %add3A_976 = arith.addf %add3A_966, %get3A_975 : vector<16xf32>
        %get3A_977 = arith.constant 2 : i32
        %get3A_978 = arith.index_cast %get3A_977 : i32 to index
        %get3A_979 = arith.constant 64 : index
        %get3A_980 = tpu.vector_load %arg15[%get3A_978, %get3A_979] {strides = array<i32>} : memref<16x128xf32, #tpu.memory_space<vmem>>, vector<16xf32>,
        %add3A_981 = arith.addf %add3A_971, %get3A_980 : vector<16xf32>
        %get3A_982 = arith.constant 2 : i32
        %get3A_983 = arith.index_cast %get3A_982 : i32 to index
        %get3A_984 = arith.constant 64 : index
        %get3A_985 = tpu.vector_load %arg16[%get3A_983, %get3A_984] {strides = array<i32>} : memref<16x128xf32, #tpu.memory_space<vmem>>, vector<16xf32>,
        %add3A_986 = arith.addf %add3A_976, %get3A_985 : vector<16xf32>
        %get3A_987 = arith.constant 3 : i32
        %get3A_988 = arith.index_cast %get3A_987 : i32 to index
        %get3A_989 = arith.constant 64 : index
        %get3A_990 = tpu.vector_load %arg15[%get3A_988, %get3A_989] {strides = array<i32>} : memref<16x128xf32, #tpu.memory_space<vmem>>, vector<16xf32>,
        %add3A_991 = arith.addf %add3A_981, %get3A_990 : vector<16xf32>
        %get3A_992 = arith.constant 3 : i32
        %get3A_993 = arith.index_cast %get3A_992 : i32 to index
        %get3A_994 = arith.constant 64 : index
        %get3A_995 = tpu.vector_load %arg16[%get3A_993, %get3A_994] {strides = array<i32>} : memref<16x128xf32, #tpu.memory_space<vmem>>, vector<16xf32>,
        %add3A_996 = arith.addf %add3A_986, %get3A_995 : vector<16xf32>
        %get3A_997 = arith.constant 4 : i32
        %get3A_998 = arith.index_cast %get3A_997 : i32 to index
        %get3A_999 = arith.constant 64 : index
        %get3A_1000 = tpu.vector_load %arg15[%get3A_998, %get3A_999] {strides = array<i32>} : memref<16x128xf32, #tpu.memory_space<vmem>>, vector<16xf32>,
        %add3A_1001 = arith.addf %add3A_991, %get3A_1000 : vector<16xf32>
        %get3A_1002 = arith.constant 4 : i32
        %get3A_1003 = arith.index_cast %get3A_1002 : i32 to index
        %get3A_1004 = arith.constant 64 : index
        %get3A_1005 = tpu.vector_load %arg16[%get3A_1003, %get3A_1004] {strides = array<i32>} : memref<16x128xf32, #tpu.memory_space<vmem>>, vector<16xf32>,
        %add3A_1006 = arith.addf %add3A_996, %get3A_1005 : vector<16xf32>
        %get3A_1007 = arith.constant 5 : i32
        %get3A_1008 = arith.index_cast %get3A_1007 : i32 to index
        %get3A_1009 = arith.constant 64 : index
        %get3A_1010 = tpu.vector_load %arg15[%get3A_1008, %get3A_1009] {strides = array<i32>} : memref<16x128xf32, #tpu.memory_space<vmem>>, vector<16xf32>,
        %add3A_1011 = arith.addf %add3A_1001, %get3A_1010 : vector<16xf32>
        %get3A_1012 = arith.constant 5 : i32
        %get3A_1013 = arith.index_cast %get3A_1012 : i32 to index
        %get3A_1014 = arith.constant 64 : index
        %get3A_1015 = tpu.vector_load %arg16[%get3A_1013, %get3A_1014] {strides = array<i32>} : memref<16x128xf32, #tpu.memory_space<vmem>>, vector<16xf32>,
        %add3A_1016 = arith.addf %add3A_1006, %get3A_1015 : vector<16xf32>
        %get3A_1017 = arith.constant 6 : i32
        %get3A_1018 = arith.index_cast %get3A_1017 : i32 to index
        %get3A_1019 = arith.constant 64 : index
        %get3A_1020 = tpu.vector_load %arg15[%get3A_1018, %get3A_1019] {strides = array<i32>} : memref<16x128xf32, #tpu.memory_space<vmem>>, vector<16xf32>,
        %add3A_1021 = arith.addf %add3A_1011, %get3A_1020 : vector<16xf32>
        %get3A_1022 = arith.constant 6 : i32
        %get3A_1023 = arith.index_cast %get3A_1022 : i32 to index
        %get3A_1024 = arith.constant 64 : index
        %get3A_1025 = tpu.vector_load %arg16[%get3A_1023, %get3A_1024] {strides = array<i32>} : memref<16x128xf32, #tpu.memory_space<vmem>>, vector<16xf32>,
        %add3A_1026 = arith.addf %add3A_1016, %get3A_1025 : vector<16xf32>
        %get3A_1027 = arith.constant 7 : i32
        %get3A_1028 = arith.index_cast %get3A_1027 : i32 to index
        %get3A_1029 = arith.constant 64 : index
        %get3A_1030 = tpu.vector_load %arg15[%get3A_1028, %get3A_1029] {strides = array<i32>} : memref<16x128xf32, #tpu.memory_space<vmem>>, vector<16xf32>,
        %add3A_1031 = arith.addf %add3A_1021, %get3A_1030 : vector<16xf32>
        %get3A_1032 = arith.constant 7 : i32
        %get3A_1033 = arith.index_cast %get3A_1032 : i32 to index
        %get3A_1034 = arith.constant 64 : index
        %get3A_1035 = tpu.vector_load %arg16[%get3A_1033, %get3A_1034] {strides = array<i32>} : memref<16x128xf32, #tpu.memory_space<vmem>>, vector<16xf32>,
        %add3A_1036 = arith.addf %add3A_1026, %get3A_1035 : vector<16xf32>
        %get3A_1037 = arith.constant 8 : i32
        %get3A_1038 = arith.index_cast %get3A_1037 : i32 to index
        %get3A_1039 = arith.constant 64 : index
        %get3A_1040 = tpu.vector_load %arg15[%get3A_1038, %get3A_1039] {strides = array<i32>} : memref<16x128xf32, #tpu.memory_space<vmem>>, vector<16xf32>,
        %add3A_1041 = arith.addf %add3A_1031, %get3A_1040 : vector<16xf32>
        %get3A_1042 = arith.constant 8 : i32
        %get3A_1043 = arith.index_cast %get3A_1042 : i32 to index
        %get3A_1044 = arith.constant 64 : index
        %get3A_1045 = tpu.vector_load %arg16[%get3A_1043, %get3A_1044] {strides = array<i32>} : memref<16x128xf32, #tpu.memory_space<vmem>>, vector<16xf32>,
        %add3A_1046 = arith.addf %add3A_1036, %get3A_1045 : vector<16xf32>
        %get3A_1047 = arith.constant 9 : i32
        %get3A_1048 = arith.index_cast %get3A_1047 : i32 to index
        %get3A_1049 = arith.constant 64 : index
        %get3A_1050 = tpu.vector_load %arg15[%get3A_1048, %get3A_1049] {strides = array<i32>} : memref<16x128xf32, #tpu.memory_space<vmem>>, vector<16xf32>,
        %add3A_1051 = arith.addf %add3A_1041, %get3A_1050 : vector<16xf32>
        %get3A_1052 = arith.constant 9 : i32
        %get3A_1053 = arith.index_cast %get3A_1052 : i32 to index
        %get3A_1054 = arith.constant 64 : index
        %get3A_1055 = tpu.vector_load %arg16[%get3A_1053, %get3A_1054] {strides = array<i32>} : memref<16x128xf32, #tpu.memory_space<vmem>>, vector<16xf32>,
        %add3A_1056 = arith.addf %add3A_1046, %get3A_1055 : vector<16xf32>
        %get3A_1057 = arith.constant 10 : i32
        %get3A_1058 = arith.index_cast %get3A_1057 : i32 to index
        %get3A_1059 = arith.constant 64 : index
        %get3A_1060 = tpu.vector_load %arg15[%get3A_1058, %get3A_1059] {strides = array<i32>} : memref<16x128xf32, #tpu.memory_space<vmem>>, vector<16xf32>,
        %add3A_1061 = arith.addf %add3A_1051, %get3A_1060 : vector<16xf32>
        %get3A_1062 = arith.constant 10 : i32
        %get3A_1063 = arith.index_cast %get3A_1062 : i32 to index
        %get3A_1064 = arith.constant 64 : index
        %get3A_1065 = tpu.vector_load %arg16[%get3A_1063, %get3A_1064] {strides = array<i32>} : memref<16x128xf32, #tpu.memory_space<vmem>>, vector<16xf32>,
        %add3A_1066 = arith.addf %add3A_1056, %get3A_1065 : vector<16xf32>
        %get3A_1067 = arith.constant 11 : i32
        %get3A_1068 = arith.index_cast %get3A_1067 : i32 to index
        %get3A_1069 = arith.constant 64 : index
        %get3A_1070 = tpu.vector_load %arg15[%get3A_1068, %get3A_1069] {strides = array<i32>} : memref<16x128xf32, #tpu.memory_space<vmem>>, vector<16xf32>,
        %add3A_1071 = arith.addf %add3A_1061, %get3A_1070 : vector<16xf32>
        %get3A_1072 = arith.constant 11 : i32
        %get3A_1073 = arith.index_cast %get3A_1072 : i32 to index
        %get3A_1074 = arith.constant 64 : index
        %get3A_1075 = tpu.vector_load %arg16[%get3A_1073, %get3A_1074] {strides = array<i32>} : memref<16x128xf32, #tpu.memory_space<vmem>>, vector<16xf32>,
        %add3A_1076 = arith.addf %add3A_1066, %get3A_1075 : vector<16xf32>
        %get3A_1077 = arith.constant 12 : i32
        %get3A_1078 = arith.index_cast %get3A_1077 : i32 to index
        %get3A_1079 = arith.constant 64 : index
        %get3A_1080 = tpu.vector_load %arg15[%get3A_1078, %get3A_1079] {strides = array<i32>} : memref<16x128xf32, #tpu.memory_space<vmem>>, vector<16xf32>,
        %add3A_1081 = arith.addf %add3A_1071, %get3A_1080 : vector<16xf32>
        %get3A_1082 = arith.constant 12 : i32
        %get3A_1083 = arith.index_cast %get3A_1082 : i32 to index
        %get3A_1084 = arith.constant 64 : index
        %get3A_1085 = tpu.vector_load %arg16[%get3A_1083, %get3A_1084] {strides = array<i32>} : memref<16x128xf32, #tpu.memory_space<vmem>>, vector<16xf32>,
        %add3A_1086 = arith.addf %add3A_1076, %get3A_1085 : vector<16xf32>
        %get3A_1087 = arith.constant 13 : i32
        %get3A_1088 = arith.index_cast %get3A_1087 : i32 to index
        %get3A_1089 = arith.constant 64 : index
        %get3A_1090 = tpu.vector_load %arg15[%get3A_1088, %get3A_1089] {strides = array<i32>} : memref<16x128xf32, #tpu.memory_space<vmem>>, vector<16xf32>,
        %add3A_1091 = arith.addf %add3A_1081, %get3A_1090 : vector<16xf32>
        %get3A_1092 = arith.constant 13 : i32
        %get3A_1093 = arith.index_cast %get3A_1092 : i32 to index
        %get3A_1094 = arith.constant 64 : index
        %get3A_1095 = tpu.vector_load %arg16[%get3A_1093, %get3A_1094] {strides = array<i32>} : memref<16x128xf32, #tpu.memory_space<vmem>>, vector<16xf32>,
        %add3A_1096 = arith.addf %add3A_1086, %get3A_1095 : vector<16xf32>
        %get3A_1097 = arith.constant 14 : i32
        %get3A_1098 = arith.index_cast %get3A_1097 : i32 to index
        %get3A_1099 = arith.constant 64 : index
        %get3A_1100 = tpu.vector_load %arg15[%get3A_1098, %get3A_1099] {strides = array<i32>} : memref<16x128xf32, #tpu.memory_space<vmem>>, vector<16xf32>,
        %add3A_1101 = arith.addf %add3A_1091, %get3A_1100 : vector<16xf32>
        %get3A_1102 = arith.constant 14 : i32
        %get3A_1103 = arith.index_cast %get3A_1102 : i32 to index
        %get3A_1104 = arith.constant 64 : index
        %get3A_1105 = tpu.vector_load %arg16[%get3A_1103, %get3A_1104] {strides = array<i32>} : memref<16x128xf32, #tpu.memory_space<vmem>>, vector<16xf32>,
        %add3A_1106 = arith.addf %add3A_1096, %get3A_1105 : vector<16xf32>
        %get3A_1107 = arith.constant 15 : i32
        %get3A_1108 = arith.index_cast %get3A_1107 : i32 to index
        %get3A_1109 = arith.constant 64 : index
        %get3A_1110 = tpu.vector_load %arg15[%get3A_1108, %get3A_1109] {strides = array<i32>} : memref<16x128xf32, #tpu.memory_space<vmem>>, vector<16xf32>,
        %add3A_1111 = arith.addf %add3A_1101, %get3A_1110 : vector<16xf32>
        %get3A_1112 = arith.constant 15 : i32
        %get3A_1113 = arith.index_cast %get3A_1112 : i32 to index
        %get3A_1114 = arith.constant 64 : index
        %get3A_1115 = tpu.vector_load %arg16[%get3A_1113, %get3A_1114] {strides = array<i32>} : memref<16x128xf32, #tpu.memory_space<vmem>>, vector<16xf32>,
        %add3A_1116 = arith.addf %add3A_1106, %get3A_1115 : vector<16xf32>
        %add3A_1117 = arith.constant 0 : i32
        %add3A_1118 = vector.broadcast %add3A_1117 : i32 to vector<16xi32>
        %add3A_1119 = arith.addi %add3A_1118, %iota3A : vector<16xi32>
        %eq3A_1120 = arith.constant 0 : i32
        %eq3A_1121 = vector.broadcast %eq3A_1120 : i32 to vector<16xi32>
        %eq3A_1122 = arith.cmpi eq, %add3A_1119, %eq3A_1121 : vector<16xi32>
        %le3A_1123 = arith.constant 16 : i32
        %le3A_1124 = vector.broadcast %le3A_1123 : i32 to vector<16xi32>
        %le3A_1125 = arith.cmpi sle, %add3A_1119, %le3A_1124 : vector<16xi32>
        %jit3A_1126 = arith.constant 1.000000e+00 : f32
        %jit3A_1127 = arith.constant 0.000000e+00 : f32
        %broadcast_in_dim3A_1128 = vector.broadcast %jit3A_1126 : f32 to vector<16xf32>
        %broadcast_in_dim3A_1129 = vector.broadcast %jit3A_1127 : f32 to vector<16xf32>
        %select_n3A_1130 = arith.select %le3A_1125, %broadcast_in_dim3A_1128, %broadcast_in_dim3A_1129 : vector<16xi1>, vector<16xf32>
        %jit3A_1131 = arith.constant 0.761904776 : f32
        %broadcast_in_dim3A_1132 = vector.broadcast %jit3A_1131 : f32 to vector<16xf32>
        %select_n3A_1133 = arith.select %eq3A_1122, %broadcast_in_dim3A_1132, %select_n3A_1130 : vector<16xi1>, vector<16xf32>
        %mul3A_1134 = arith.constant 5.120000e+02 : f32
        %mul3A_1135 = vector.broadcast %mul3A_1134 : f32 to vector<16xf32>
        %mul3A_1136 = arith.mulf %add3A_1116, %mul3A_1135 : vector<16xf32>
        %max3A_1137 = arith.constant 1.000000e+00 : f32
        %max3A_1138 = vector.broadcast %max3A_1137 : f32 to vector<16xf32>
        %max3A_1139 = arith.maximumf %mul3A_1136, %max3A_1138 : vector<16xf32>
        %gt3A_1140 = arith.constant 0.000000e+00 : f32
        %gt3A_1141 = vector.broadcast %gt3A_1140 : f32 to vector<16xf32>
        %gt3A_1142 = arith.cmpf ogt, %add3A_1116, %gt3A_1141 : vector<16xf32>
        %mul3A_1143 = arith.mulf %select_n3A_1133, %add3A_1111 : vector<16xf32>
        %div3A_1144 = arith.divf %mul3A_1143, %max3A_1139 : vector<16xf32>
        %jit3A_1145 = arith.constant 0.000000e+00 : f32
        %broadcast_in_dim3A_1146 = vector.broadcast %jit3A_1145 : f32 to vector<16xf32>
        %select_n3A_1147 = arith.select %gt3A_1142, %div3A_1144, %broadcast_in_dim3A_1146 : vector<16xi1>, vector<16xf32>
        %mul3A_1148 = arith.constant 3.000000e+00 : f32
        %mul3A_1149 = vector.broadcast %mul3A_1148 : f32 to vector<16xf32>
        %mul3A_1150 = arith.mulf %mul3A_1149, %select_n3A_1147 : vector<16xf32>
        %add3A_1151 = arith.addf %add3A_952, %mul3A_1150 : vector<16xf32>
        %broadcast_in_dim3A_1152 = arith.constant 0.000000e+00 : f32
        %broadcast_in_dim3A_1153 = vector.broadcast %broadcast_in_dim3A_1152 : f32 to vector<16xf32>
        %broadcast_in_dim3A_1154 = arith.constant 0.000000e+00 : f32
        %broadcast_in_dim3A_1155 = vector.broadcast %broadcast_in_dim3A_1154 : f32 to vector<16xf32>
        %get3A_1156 = arith.constant 0 : i32
        %get3A_1157 = arith.index_cast %get3A_1156 : i32 to index
        %get3A_1158 = arith.constant 80 : index
        %get3A_1159 = tpu.vector_load %arg15[%get3A_1157, %get3A_1158] {strides = array<i32>} : memref<16x128xf32, #tpu.memory_space<vmem>>, vector<16xf32>,
        %add3A_1160 = arith.addf %broadcast_in_dim3A_1153, %get3A_1159 : vector<16xf32>
        %get3A_1161 = arith.constant 0 : i32
        %get3A_1162 = arith.index_cast %get3A_1161 : i32 to index
        %get3A_1163 = arith.constant 80 : index
        %get3A_1164 = tpu.vector_load %arg16[%get3A_1162, %get3A_1163] {strides = array<i32>} : memref<16x128xf32, #tpu.memory_space<vmem>>, vector<16xf32>,
        %add3A_1165 = arith.addf %broadcast_in_dim3A_1155, %get3A_1164 : vector<16xf32>
        %get3A_1166 = arith.constant 1 : i32
        %get3A_1167 = arith.index_cast %get3A_1166 : i32 to index
        %get3A_1168 = arith.constant 80 : index
        %get3A_1169 = tpu.vector_load %arg15[%get3A_1167, %get3A_1168] {strides = array<i32>} : memref<16x128xf32, #tpu.memory_space<vmem>>, vector<16xf32>,
        %add3A_1170 = arith.addf %add3A_1160, %get3A_1169 : vector<16xf32>
        %get3A_1171 = arith.constant 1 : i32
        %get3A_1172 = arith.index_cast %get3A_1171 : i32 to index
        %get3A_1173 = arith.constant 80 : index
        %get3A_1174 = tpu.vector_load %arg16[%get3A_1172, %get3A_1173] {strides = array<i32>} : memref<16x128xf32, #tpu.memory_space<vmem>>, vector<16xf32>,
        %add3A_1175 = arith.addf %add3A_1165, %get3A_1174 : vector<16xf32>
        %get3A_1176 = arith.constant 2 : i32
        %get3A_1177 = arith.index_cast %get3A_1176 : i32 to index
        %get3A_1178 = arith.constant 80 : index
        %get3A_1179 = tpu.vector_load %arg15[%get3A_1177, %get3A_1178] {strides = array<i32>} : memref<16x128xf32, #tpu.memory_space<vmem>>, vector<16xf32>,
        %add3A_1180 = arith.addf %add3A_1170, %get3A_1179 : vector<16xf32>
        %get3A_1181 = arith.constant 2 : i32
        %get3A_1182 = arith.index_cast %get3A_1181 : i32 to index
        %get3A_1183 = arith.constant 80 : index
        %get3A_1184 = tpu.vector_load %arg16[%get3A_1182, %get3A_1183] {strides = array<i32>} : memref<16x128xf32, #tpu.memory_space<vmem>>, vector<16xf32>,
        %add3A_1185 = arith.addf %add3A_1175, %get3A_1184 : vector<16xf32>
        %get3A_1186 = arith.constant 3 : i32
        %get3A_1187 = arith.index_cast %get3A_1186 : i32 to index
        %get3A_1188 = arith.constant 80 : index
        %get3A_1189 = tpu.vector_load %arg15[%get3A_1187, %get3A_1188] {strides = array<i32>} : memref<16x128xf32, #tpu.memory_space<vmem>>, vector<16xf32>,
        %add3A_1190 = arith.addf %add3A_1180, %get3A_1189 : vector<16xf32>
        %get3A_1191 = arith.constant 3 : i32
        %get3A_1192 = arith.index_cast %get3A_1191 : i32 to index
        %get3A_1193 = arith.constant 80 : index
        %get3A_1194 = tpu.vector_load %arg16[%get3A_1192, %get3A_1193] {strides = array<i32>} : memref<16x128xf32, #tpu.memory_space<vmem>>, vector<16xf32>,
        %add3A_1195 = arith.addf %add3A_1185, %get3A_1194 : vector<16xf32>
        %get3A_1196 = arith.constant 4 : i32
        %get3A_1197 = arith.index_cast %get3A_1196 : i32 to index
        %get3A_1198 = arith.constant 80 : index
        %get3A_1199 = tpu.vector_load %arg15[%get3A_1197, %get3A_1198] {strides = array<i32>} : memref<16x128xf32, #tpu.memory_space<vmem>>, vector<16xf32>,
        %add3A_1200 = arith.addf %add3A_1190, %get3A_1199 : vector<16xf32>
        %get3A_1201 = arith.constant 4 : i32
        %get3A_1202 = arith.index_cast %get3A_1201 : i32 to index
        %get3A_1203 = arith.constant 80 : index
        %get3A_1204 = tpu.vector_load %arg16[%get3A_1202, %get3A_1203] {strides = array<i32>} : memref<16x128xf32, #tpu.memory_space<vmem>>, vector<16xf32>,
        %add3A_1205 = arith.addf %add3A_1195, %get3A_1204 : vector<16xf32>
        %get3A_1206 = arith.constant 5 : i32
        %get3A_1207 = arith.index_cast %get3A_1206 : i32 to index
        %get3A_1208 = arith.constant 80 : index
        %get3A_1209 = tpu.vector_load %arg15[%get3A_1207, %get3A_1208] {strides = array<i32>} : memref<16x128xf32, #tpu.memory_space<vmem>>, vector<16xf32>,
        %add3A_1210 = arith.addf %add3A_1200, %get3A_1209 : vector<16xf32>
        %get3A_1211 = arith.constant 5 : i32
        %get3A_1212 = arith.index_cast %get3A_1211 : i32 to index
        %get3A_1213 = arith.constant 80 : index
        %get3A_1214 = tpu.vector_load %arg16[%get3A_1212, %get3A_1213] {strides = array<i32>} : memref<16x128xf32, #tpu.memory_space<vmem>>, vector<16xf32>,
        %add3A_1215 = arith.addf %add3A_1205, %get3A_1214 : vector<16xf32>
        %get3A_1216 = arith.constant 6 : i32
        %get3A_1217 = arith.index_cast %get3A_1216 : i32 to index
        %get3A_1218 = arith.constant 80 : index
        %get3A_1219 = tpu.vector_load %arg15[%get3A_1217, %get3A_1218] {strides = array<i32>} : memref<16x128xf32, #tpu.memory_space<vmem>>, vector<16xf32>,
        %add3A_1220 = arith.addf %add3A_1210, %get3A_1219 : vector<16xf32>
        %get3A_1221 = arith.constant 6 : i32
        %get3A_1222 = arith.index_cast %get3A_1221 : i32 to index
        %get3A_1223 = arith.constant 80 : index
        %get3A_1224 = tpu.vector_load %arg16[%get3A_1222, %get3A_1223] {strides = array<i32>} : memref<16x128xf32, #tpu.memory_space<vmem>>, vector<16xf32>,
        %add3A_1225 = arith.addf %add3A_1215, %get3A_1224 : vector<16xf32>
        %get3A_1226 = arith.constant 7 : i32
        %get3A_1227 = arith.index_cast %get3A_1226 : i32 to index
        %get3A_1228 = arith.constant 80 : index
        %get3A_1229 = tpu.vector_load %arg15[%get3A_1227, %get3A_1228] {strides = array<i32>} : memref<16x128xf32, #tpu.memory_space<vmem>>, vector<16xf32>,
        %add3A_1230 = arith.addf %add3A_1220, %get3A_1229 : vector<16xf32>
        %get3A_1231 = arith.constant 7 : i32
        %get3A_1232 = arith.index_cast %get3A_1231 : i32 to index
        %get3A_1233 = arith.constant 80 : index
        %get3A_1234 = tpu.vector_load %arg16[%get3A_1232, %get3A_1233] {strides = array<i32>} : memref<16x128xf32, #tpu.memory_space<vmem>>, vector<16xf32>,
        %add3A_1235 = arith.addf %add3A_1225, %get3A_1234 : vector<16xf32>
        %get3A_1236 = arith.constant 8 : i32
        %get3A_1237 = arith.index_cast %get3A_1236 : i32 to index
        %get3A_1238 = arith.constant 80 : index
        %get3A_1239 = tpu.vector_load %arg15[%get3A_1237, %get3A_1238] {strides = array<i32>} : memref<16x128xf32, #tpu.memory_space<vmem>>, vector<16xf32>,
        %add3A_1240 = arith.addf %add3A_1230, %get3A_1239 : vector<16xf32>
        %get3A_1241 = arith.constant 8 : i32
        %get3A_1242 = arith.index_cast %get3A_1241 : i32 to index
        %get3A_1243 = arith.constant 80 : index
        %get3A_1244 = tpu.vector_load %arg16[%get3A_1242, %get3A_1243] {strides = array<i32>} : memref<16x128xf32, #tpu.memory_space<vmem>>, vector<16xf32>,
        %add3A_1245 = arith.addf %add3A_1235, %get3A_1244 : vector<16xf32>
        %get3A_1246 = arith.constant 9 : i32
        %get3A_1247 = arith.index_cast %get3A_1246 : i32 to index
        %get3A_1248 = arith.constant 80 : index
        %get3A_1249 = tpu.vector_load %arg15[%get3A_1247, %get3A_1248] {strides = array<i32>} : memref<16x128xf32, #tpu.memory_space<vmem>>, vector<16xf32>,
        %add3A_1250 = arith.addf %add3A_1240, %get3A_1249 : vector<16xf32>
        %get3A_1251 = arith.constant 9 : i32
        %get3A_1252 = arith.index_cast %get3A_1251 : i32 to index
        %get3A_1253 = arith.constant 80 : index
        %get3A_1254 = tpu.vector_load %arg16[%get3A_1252, %get3A_1253] {strides = array<i32>} : memref<16x128xf32, #tpu.memory_space<vmem>>, vector<16xf32>,
        %add3A_1255 = arith.addf %add3A_1245, %get3A_1254 : vector<16xf32>
        %get3A_1256 = arith.constant 10 : i32
        %get3A_1257 = arith.index_cast %get3A_1256 : i32 to index
        %get3A_1258 = arith.constant 80 : index
        %get3A_1259 = tpu.vector_load %arg15[%get3A_1257, %get3A_1258] {strides = array<i32>} : memref<16x128xf32, #tpu.memory_space<vmem>>, vector<16xf32>,
        %add3A_1260 = arith.addf %add3A_1250, %get3A_1259 : vector<16xf32>
        %get3A_1261 = arith.constant 10 : i32
        %get3A_1262 = arith.index_cast %get3A_1261 : i32 to index
        %get3A_1263 = arith.constant 80 : index
        %get3A_1264 = tpu.vector_load %arg16[%get3A_1262, %get3A_1263] {strides = array<i32>} : memref<16x128xf32, #tpu.memory_space<vmem>>, vector<16xf32>,
        %add3A_1265 = arith.addf %add3A_1255, %get3A_1264 : vector<16xf32>
        %get3A_1266 = arith.constant 11 : i32
        %get3A_1267 = arith.index_cast %get3A_1266 : i32 to index
        %get3A_1268 = arith.constant 80 : index
        %get3A_1269 = tpu.vector_load %arg15[%get3A_1267, %get3A_1268] {strides = array<i32>} : memref<16x128xf32, #tpu.memory_space<vmem>>, vector<16xf32>,
        %add3A_1270 = arith.addf %add3A_1260, %get3A_1269 : vector<16xf32>
        %get3A_1271 = arith.constant 11 : i32
        %get3A_1272 = arith.index_cast %get3A_1271 : i32 to index
        %get3A_1273 = arith.constant 80 : index
        %get3A_1274 = tpu.vector_load %arg16[%get3A_1272, %get3A_1273] {strides = array<i32>} : memref<16x128xf32, #tpu.memory_space<vmem>>, vector<16xf32>,
        %add3A_1275 = arith.addf %add3A_1265, %get3A_1274 : vector<16xf32>
        %get3A_1276 = arith.constant 12 : i32
        %get3A_1277 = arith.index_cast %get3A_1276 : i32 to index
        %get3A_1278 = arith.constant 80 : index
        %get3A_1279 = tpu.vector_load %arg15[%get3A_1277, %get3A_1278] {strides = array<i32>} : memref<16x128xf32, #tpu.memory_space<vmem>>, vector<16xf32>,
        %add3A_1280 = arith.addf %add3A_1270, %get3A_1279 : vector<16xf32>
        %get3A_1281 = arith.constant 12 : i32
        %get3A_1282 = arith.index_cast %get3A_1281 : i32 to index
        %get3A_1283 = arith.constant 80 : index
        %get3A_1284 = tpu.vector_load %arg16[%get3A_1282, %get3A_1283] {strides = array<i32>} : memref<16x128xf32, #tpu.memory_space<vmem>>, vector<16xf32>,
        %add3A_1285 = arith.addf %add3A_1275, %get3A_1284 : vector<16xf32>
        %get3A_1286 = arith.constant 13 : i32
        %get3A_1287 = arith.index_cast %get3A_1286 : i32 to index
        %get3A_1288 = arith.constant 80 : index
        %get3A_1289 = tpu.vector_load %arg15[%get3A_1287, %get3A_1288] {strides = array<i32>} : memref<16x128xf32, #tpu.memory_space<vmem>>, vector<16xf32>,
        %add3A_1290 = arith.addf %add3A_1280, %get3A_1289 : vector<16xf32>
        %get3A_1291 = arith.constant 13 : i32
        %get3A_1292 = arith.index_cast %get3A_1291 : i32 to index
        %get3A_1293 = arith.constant 80 : index
        %get3A_1294 = tpu.vector_load %arg16[%get3A_1292, %get3A_1293] {strides = array<i32>} : memref<16x128xf32, #tpu.memory_space<vmem>>, vector<16xf32>,
        %add3A_1295 = arith.addf %add3A_1285, %get3A_1294 : vector<16xf32>
        %get3A_1296 = arith.constant 14 : i32
        %get3A_1297 = arith.index_cast %get3A_1296 : i32 to index
        %get3A_1298 = arith.constant 80 : index
        %get3A_1299 = tpu.vector_load %arg15[%get3A_1297, %get3A_1298] {strides = array<i32>} : memref<16x128xf32, #tpu.memory_space<vmem>>, vector<16xf32>,
        %add3A_1300 = arith.addf %add3A_1290, %get3A_1299 : vector<16xf32>
        %get3A_1301 = arith.constant 14 : i32
        %get3A_1302 = arith.index_cast %get3A_1301 : i32 to index
        %get3A_1303 = arith.constant 80 : index
        %get3A_1304 = tpu.vector_load %arg16[%get3A_1302, %get3A_1303] {strides = array<i32>} : memref<16x128xf32, #tpu.memory_space<vmem>>, vector<16xf32>,
        %add3A_1305 = arith.addf %add3A_1295, %get3A_1304 : vector<16xf32>
        %get3A_1306 = arith.constant 15 : i32
        %get3A_1307 = arith.index_cast %get3A_1306 : i32 to index
        %get3A_1308 = arith.constant 80 : index
        %get3A_1309 = tpu.vector_load %arg15[%get3A_1307, %get3A_1308] {strides = array<i32>} : memref<16x128xf32, #tpu.memory_space<vmem>>, vector<16xf32>,
        %add3A_1310 = arith.addf %add3A_1300, %get3A_1309 : vector<16xf32>
        %get3A_1311 = arith.constant 15 : i32
        %get3A_1312 = arith.index_cast %get3A_1311 : i32 to index
        %get3A_1313 = arith.constant 80 : index
        %get3A_1314 = tpu.vector_load %arg16[%get3A_1312, %get3A_1313] {strides = array<i32>} : memref<16x128xf32, #tpu.memory_space<vmem>>, vector<16xf32>,
        %add3A_1315 = arith.addf %add3A_1305, %get3A_1314 : vector<16xf32>
        %add3A_1316 = arith.constant 16 : i32
        %add3A_1317 = vector.broadcast %add3A_1316 : i32 to vector<16xi32>
        %add3A_1318 = arith.addi %add3A_1317, %iota3A : vector<16xi32>
        %eq3A_1319 = arith.constant 0 : i32
        %eq3A_1320 = vector.broadcast %eq3A_1319 : i32 to vector<16xi32>
        %eq3A_1321 = arith.cmpi eq, %add3A_1318, %eq3A_1320 : vector<16xi32>
        %le3A_1322 = arith.constant 16 : i32
        %le3A_1323 = vector.broadcast %le3A_1322 : i32 to vector<16xi32>
        %le3A_1324 = arith.cmpi sle, %add3A_1318, %le3A_1323 : vector<16xi32>
        %jit3A_1325 = arith.constant 1.000000e+00 : f32
        %jit3A_1326 = arith.constant 0.000000e+00 : f32
        %broadcast_in_dim3A_1327 = vector.broadcast %jit3A_1325 : f32 to vector<16xf32>
        %broadcast_in_dim3A_1328 = vector.broadcast %jit3A_1326 : f32 to vector<16xf32>
        %select_n3A_1329 = arith.select %le3A_1324, %broadcast_in_dim3A_1327, %broadcast_in_dim3A_1328 : vector<16xi1>, vector<16xf32>
        %jit3A_1330 = arith.constant 0.761904776 : f32
        %broadcast_in_dim3A_1331 = vector.broadcast %jit3A_1330 : f32 to vector<16xf32>
        %select_n3A_1332 = arith.select %eq3A_1321, %broadcast_in_dim3A_1331, %select_n3A_1329 : vector<16xi1>, vector<16xf32>
        %mul3A_1333 = arith.constant 5.120000e+02 : f32
        %mul3A_1334 = vector.broadcast %mul3A_1333 : f32 to vector<16xf32>
        %mul3A_1335 = arith.mulf %add3A_1315, %mul3A_1334 : vector<16xf32>
        %max3A_1336 = arith.constant 1.000000e+00 : f32
        %max3A_1337 = vector.broadcast %max3A_1336 : f32 to vector<16xf32>
        %max3A_1338 = arith.maximumf %mul3A_1335, %max3A_1337 : vector<16xf32>
        %gt3A_1339 = arith.constant 0.000000e+00 : f32
        %gt3A_1340 = vector.broadcast %gt3A_1339 : f32 to vector<16xf32>
        %gt3A_1341 = arith.cmpf ogt, %add3A_1315, %gt3A_1340 : vector<16xf32>
        %mul3A_1342 = arith.mulf %select_n3A_1332, %add3A_1310 : vector<16xf32>
        %div3A_1343 = arith.divf %mul3A_1342, %max3A_1338 : vector<16xf32>
        %jit3A_1344 = arith.constant 0.000000e+00 : f32
        %broadcast_in_dim3A_1345 = vector.broadcast %jit3A_1344 : f32 to vector<16xf32>
        %select_n3A_1346 = arith.select %gt3A_1341, %div3A_1343, %broadcast_in_dim3A_1345 : vector<16xi1>, vector<16xf32>
        %mul3A_1347 = arith.constant 3.000000e+00 : f32
        %mul3A_1348 = vector.broadcast %mul3A_1347 : f32 to vector<16xf32>
        %mul3A_1349 = arith.mulf %mul3A_1348, %select_n3A_1346 : vector<16xf32>
        %add3A_1350 = arith.addf %add3A_1151, %mul3A_1349 : vector<16xf32>
        %broadcast_in_dim3A_1351 = arith.constant 0.000000e+00 : f32
        %broadcast_in_dim3A_1352 = vector.broadcast %broadcast_in_dim3A_1351 : f32 to vector<16xf32>
        %broadcast_in_dim3A_1353 = arith.constant 0.000000e+00 : f32
        %broadcast_in_dim3A_1354 = vector.broadcast %broadcast_in_dim3A_1353 : f32 to vector<16xf32>
        %get3A_1355 = arith.constant 0 : i32
        %get3A_1356 = arith.index_cast %get3A_1355 : i32 to index
        %get3A_1357 = arith.constant 96 : index
        %get3A_1358 = tpu.vector_load %arg15[%get3A_1356, %get3A_1357] {strides = array<i32>} : memref<16x128xf32, #tpu.memory_space<vmem>>, vector<16xf32>,
        %add3A_1359 = arith.addf %broadcast_in_dim3A_1352, %get3A_1358 : vector<16xf32>
        %get3A_1360 = arith.constant 0 : i32
        %get3A_1361 = arith.index_cast %get3A_1360 : i32 to index
        %get3A_1362 = arith.constant 96 : index
        %get3A_1363 = tpu.vector_load %arg16[%get3A_1361, %get3A_1362] {strides = array<i32>} : memref<16x128xf32, #tpu.memory_space<vmem>>, vector<16xf32>,
        %add3A_1364 = arith.addf %broadcast_in_dim3A_1354, %get3A_1363 : vector<16xf32>
        %get3A_1365 = arith.constant 1 : i32
        %get3A_1366 = arith.index_cast %get3A_1365 : i32 to index
        %get3A_1367 = arith.constant 96 : index
        %get3A_1368 = tpu.vector_load %arg15[%get3A_1366, %get3A_1367] {strides = array<i32>} : memref<16x128xf32, #tpu.memory_space<vmem>>, vector<16xf32>,
        %add3A_1369 = arith.addf %add3A_1359, %get3A_1368 : vector<16xf32>
        %get3A_1370 = arith.constant 1 : i32
        %get3A_1371 = arith.index_cast %get3A_1370 : i32 to index
        %get3A_1372 = arith.constant 96 : index
        %get3A_1373 = tpu.vector_load %arg16[%get3A_1371, %get3A_1372] {strides = array<i32>} : memref<16x128xf32, #tpu.memory_space<vmem>>, vector<16xf32>,
        %add3A_1374 = arith.addf %add3A_1364, %get3A_1373 : vector<16xf32>
        %get3A_1375 = arith.constant 2 : i32
        %get3A_1376 = arith.index_cast %get3A_1375 : i32 to index
        %get3A_1377 = arith.constant 96 : index
        %get3A_1378 = tpu.vector_load %arg15[%get3A_1376, %get3A_1377] {strides = array<i32>} : memref<16x128xf32, #tpu.memory_space<vmem>>, vector<16xf32>,
        %add3A_1379 = arith.addf %add3A_1369, %get3A_1378 : vector<16xf32>
        %get3A_1380 = arith.constant 2 : i32
        %get3A_1381 = arith.index_cast %get3A_1380 : i32 to index
        %get3A_1382 = arith.constant 96 : index
        %get3A_1383 = tpu.vector_load %arg16[%get3A_1381, %get3A_1382] {strides = array<i32>} : memref<16x128xf32, #tpu.memory_space<vmem>>, vector<16xf32>,
        %add3A_1384 = arith.addf %add3A_1374, %get3A_1383 : vector<16xf32>
        %get3A_1385 = arith.constant 3 : i32
        %get3A_1386 = arith.index_cast %get3A_1385 : i32 to index
        %get3A_1387 = arith.constant 96 : index
        %get3A_1388 = tpu.vector_load %arg15[%get3A_1386, %get3A_1387] {strides = array<i32>} : memref<16x128xf32, #tpu.memory_space<vmem>>, vector<16xf32>,
        %add3A_1389 = arith.addf %add3A_1379, %get3A_1388 : vector<16xf32>
        %get3A_1390 = arith.constant 3 : i32
        %get3A_1391 = arith.index_cast %get3A_1390 : i32 to index
        %get3A_1392 = arith.constant 96 : index
        %get3A_1393 = tpu.vector_load %arg16[%get3A_1391, %get3A_1392] {strides = array<i32>} : memref<16x128xf32, #tpu.memory_space<vmem>>, vector<16xf32>,
        %add3A_1394 = arith.addf %add3A_1384, %get3A_1393 : vector<16xf32>
        %get3A_1395 = arith.constant 4 : i32
        %get3A_1396 = arith.index_cast %get3A_1395 : i32 to index
        %get3A_1397 = arith.constant 96 : index
        %get3A_1398 = tpu.vector_load %arg15[%get3A_1396, %get3A_1397] {strides = array<i32>} : memref<16x128xf32, #tpu.memory_space<vmem>>, vector<16xf32>,
        %add3A_1399 = arith.addf %add3A_1389, %get3A_1398 : vector<16xf32>
        %get3A_1400 = arith.constant 4 : i32
        %get3A_1401 = arith.index_cast %get3A_1400 : i32 to index
        %get3A_1402 = arith.constant 96 : index
        %get3A_1403 = tpu.vector_load %arg16[%get3A_1401, %get3A_1402] {strides = array<i32>} : memref<16x128xf32, #tpu.memory_space<vmem>>, vector<16xf32>,
        %add3A_1404 = arith.addf %add3A_1394, %get3A_1403 : vector<16xf32>
        %get3A_1405 = arith.constant 5 : i32
        %get3A_1406 = arith.index_cast %get3A_1405 : i32 to index
        %get3A_1407 = arith.constant 96 : index
        %get3A_1408 = tpu.vector_load %arg15[%get3A_1406, %get3A_1407] {strides = array<i32>} : memref<16x128xf32, #tpu.memory_space<vmem>>, vector<16xf32>,
        %add3A_1409 = arith.addf %add3A_1399, %get3A_1408 : vector<16xf32>
        %get3A_1410 = arith.constant 5 : i32
        %get3A_1411 = arith.index_cast %get3A_1410 : i32 to index
        %get3A_1412 = arith.constant 96 : index
        %get3A_1413 = tpu.vector_load %arg16[%get3A_1411, %get3A_1412] {strides = array<i32>} : memref<16x128xf32, #tpu.memory_space<vmem>>, vector<16xf32>,
        %add3A_1414 = arith.addf %add3A_1404, %get3A_1413 : vector<16xf32>
        %get3A_1415 = arith.constant 6 : i32
        %get3A_1416 = arith.index_cast %get3A_1415 : i32 to index
        %get3A_1417 = arith.constant 96 : index
        %get3A_1418 = tpu.vector_load %arg15[%get3A_1416, %get3A_1417] {strides = array<i32>} : memref<16x128xf32, #tpu.memory_space<vmem>>, vector<16xf32>,
        %add3A_1419 = arith.addf %add3A_1409, %get3A_1418 : vector<16xf32>
        %get3A_1420 = arith.constant 6 : i32
        %get3A_1421 = arith.index_cast %get3A_1420 : i32 to index
        %get3A_1422 = arith.constant 96 : index
        %get3A_1423 = tpu.vector_load %arg16[%get3A_1421, %get3A_1422] {strides = array<i32>} : memref<16x128xf32, #tpu.memory_space<vmem>>, vector<16xf32>,
        %add3A_1424 = arith.addf %add3A_1414, %get3A_1423 : vector<16xf32>
        %get3A_1425 = arith.constant 7 : i32
        %get3A_1426 = arith.index_cast %get3A_1425 : i32 to index
        %get3A_1427 = arith.constant 96 : index
        %get3A_1428 = tpu.vector_load %arg15[%get3A_1426, %get3A_1427] {strides = array<i32>} : memref<16x128xf32, #tpu.memory_space<vmem>>, vector<16xf32>,
        %add3A_1429 = arith.addf %add3A_1419, %get3A_1428 : vector<16xf32>
        %get3A_1430 = arith.constant 7 : i32
        %get3A_1431 = arith.index_cast %get3A_1430 : i32 to index
        %get3A_1432 = arith.constant 96 : index
        %get3A_1433 = tpu.vector_load %arg16[%get3A_1431, %get3A_1432] {strides = array<i32>} : memref<16x128xf32, #tpu.memory_space<vmem>>, vector<16xf32>,
        %add3A_1434 = arith.addf %add3A_1424, %get3A_1433 : vector<16xf32>
        %get3A_1435 = arith.constant 8 : i32
        %get3A_1436 = arith.index_cast %get3A_1435 : i32 to index
        %get3A_1437 = arith.constant 96 : index
        %get3A_1438 = tpu.vector_load %arg15[%get3A_1436, %get3A_1437] {strides = array<i32>} : memref<16x128xf32, #tpu.memory_space<vmem>>, vector<16xf32>,
        %add3A_1439 = arith.addf %add3A_1429, %get3A_1438 : vector<16xf32>
        %get3A_1440 = arith.constant 8 : i32
        %get3A_1441 = arith.index_cast %get3A_1440 : i32 to index
        %get3A_1442 = arith.constant 96 : index
        %get3A_1443 = tpu.vector_load %arg16[%get3A_1441, %get3A_1442] {strides = array<i32>} : memref<16x128xf32, #tpu.memory_space<vmem>>, vector<16xf32>,
        %add3A_1444 = arith.addf %add3A_1434, %get3A_1443 : vector<16xf32>
        %get3A_1445 = arith.constant 9 : i32
        %get3A_1446 = arith.index_cast %get3A_1445 : i32 to index
        %get3A_1447 = arith.constant 96 : index
        %get3A_1448 = tpu.vector_load %arg15[%get3A_1446, %get3A_1447] {strides = array<i32>} : memref<16x128xf32, #tpu.memory_space<vmem>>, vector<16xf32>,
        %add3A_1449 = arith.addf %add3A_1439, %get3A_1448 : vector<16xf32>
        %get3A_1450 = arith.constant 9 : i32
        %get3A_1451 = arith.index_cast %get3A_1450 : i32 to index
        %get3A_1452 = arith.constant 96 : index
        %get3A_1453 = tpu.vector_load %arg16[%get3A_1451, %get3A_1452] {strides = array<i32>} : memref<16x128xf32, #tpu.memory_space<vmem>>, vector<16xf32>,
        %add3A_1454 = arith.addf %add3A_1444, %get3A_1453 : vector<16xf32>
        %get3A_1455 = arith.constant 10 : i32
        %get3A_1456 = arith.index_cast %get3A_1455 : i32 to index
        %get3A_1457 = arith.constant 96 : index
        %get3A_1458 = tpu.vector_load %arg15[%get3A_1456, %get3A_1457] {strides = array<i32>} : memref<16x128xf32, #tpu.memory_space<vmem>>, vector<16xf32>,
        %add3A_1459 = arith.addf %add3A_1449, %get3A_1458 : vector<16xf32>
        %get3A_1460 = arith.constant 10 : i32
        %get3A_1461 = arith.index_cast %get3A_1460 : i32 to index
        %get3A_1462 = arith.constant 96 : index
        %get3A_1463 = tpu.vector_load %arg16[%get3A_1461, %get3A_1462] {strides = array<i32>} : memref<16x128xf32, #tpu.memory_space<vmem>>, vector<16xf32>,
        %add3A_1464 = arith.addf %add3A_1454, %get3A_1463 : vector<16xf32>
        %get3A_1465 = arith.constant 11 : i32
        %get3A_1466 = arith.index_cast %get3A_1465 : i32 to index
        %get3A_1467 = arith.constant 96 : index
        %get3A_1468 = tpu.vector_load %arg15[%get3A_1466, %get3A_1467] {strides = array<i32>} : memref<16x128xf32, #tpu.memory_space<vmem>>, vector<16xf32>,
        %add3A_1469 = arith.addf %add3A_1459, %get3A_1468 : vector<16xf32>
        %get3A_1470 = arith.constant 11 : i32
        %get3A_1471 = arith.index_cast %get3A_1470 : i32 to index
        %get3A_1472 = arith.constant 96 : index
        %get3A_1473 = tpu.vector_load %arg16[%get3A_1471, %get3A_1472] {strides = array<i32>} : memref<16x128xf32, #tpu.memory_space<vmem>>, vector<16xf32>,
        %add3A_1474 = arith.addf %add3A_1464, %get3A_1473 : vector<16xf32>
        %get3A_1475 = arith.constant 12 : i32
        %get3A_1476 = arith.index_cast %get3A_1475 : i32 to index
        %get3A_1477 = arith.constant 96 : index
        %get3A_1478 = tpu.vector_load %arg15[%get3A_1476, %get3A_1477] {strides = array<i32>} : memref<16x128xf32, #tpu.memory_space<vmem>>, vector<16xf32>,
        %add3A_1479 = arith.addf %add3A_1469, %get3A_1478 : vector<16xf32>
        %get3A_1480 = arith.constant 12 : i32
        %get3A_1481 = arith.index_cast %get3A_1480 : i32 to index
        %get3A_1482 = arith.constant 96 : index
        %get3A_1483 = tpu.vector_load %arg16[%get3A_1481, %get3A_1482] {strides = array<i32>} : memref<16x128xf32, #tpu.memory_space<vmem>>, vector<16xf32>,
        %add3A_1484 = arith.addf %add3A_1474, %get3A_1483 : vector<16xf32>
        %get3A_1485 = arith.constant 13 : i32
        %get3A_1486 = arith.index_cast %get3A_1485 : i32 to index
        %get3A_1487 = arith.constant 96 : index
        %get3A_1488 = tpu.vector_load %arg15[%get3A_1486, %get3A_1487] {strides = array<i32>} : memref<16x128xf32, #tpu.memory_space<vmem>>, vector<16xf32>,
        %add3A_1489 = arith.addf %add3A_1479, %get3A_1488 : vector<16xf32>
        %get3A_1490 = arith.constant 13 : i32
        %get3A_1491 = arith.index_cast %get3A_1490 : i32 to index
        %get3A_1492 = arith.constant 96 : index
        %get3A_1493 = tpu.vector_load %arg16[%get3A_1491, %get3A_1492] {strides = array<i32>} : memref<16x128xf32, #tpu.memory_space<vmem>>, vector<16xf32>,
        %add3A_1494 = arith.addf %add3A_1484, %get3A_1493 : vector<16xf32>
        %get3A_1495 = arith.constant 14 : i32
        %get3A_1496 = arith.index_cast %get3A_1495 : i32 to index
        %get3A_1497 = arith.constant 96 : index
        %get3A_1498 = tpu.vector_load %arg15[%get3A_1496, %get3A_1497] {strides = array<i32>} : memref<16x128xf32, #tpu.memory_space<vmem>>, vector<16xf32>,
        %add3A_1499 = arith.addf %add3A_1489, %get3A_1498 : vector<16xf32>
        %get3A_1500 = arith.constant 14 : i32
        %get3A_1501 = arith.index_cast %get3A_1500 : i32 to index
        %get3A_1502 = arith.constant 96 : index
        %get3A_1503 = tpu.vector_load %arg16[%get3A_1501, %get3A_1502] {strides = array<i32>} : memref<16x128xf32, #tpu.memory_space<vmem>>, vector<16xf32>,
        %add3A_1504 = arith.addf %add3A_1494, %get3A_1503 : vector<16xf32>
        %get3A_1505 = arith.constant 15 : i32
        %get3A_1506 = arith.index_cast %get3A_1505 : i32 to index
        %get3A_1507 = arith.constant 96 : index
        %get3A_1508 = tpu.vector_load %arg15[%get3A_1506, %get3A_1507] {strides = array<i32>} : memref<16x128xf32, #tpu.memory_space<vmem>>, vector<16xf32>,
        %add3A_1509 = arith.addf %add3A_1499, %get3A_1508 : vector<16xf32>
        %get3A_1510 = arith.constant 15 : i32
        %get3A_1511 = arith.index_cast %get3A_1510 : i32 to index
        %get3A_1512 = arith.constant 96 : index
        %get3A_1513 = tpu.vector_load %arg16[%get3A_1511, %get3A_1512] {strides = array<i32>} : memref<16x128xf32, #tpu.memory_space<vmem>>, vector<16xf32>,
        %add3A_1514 = arith.addf %add3A_1504, %get3A_1513 : vector<16xf32>
        %add3A_1515 = arith.constant 0 : i32
        %add3A_1516 = vector.broadcast %add3A_1515 : i32 to vector<16xi32>
        %add3A_1517 = arith.addi %add3A_1516, %iota3A : vector<16xi32>
        %eq3A_1518 = arith.constant 0 : i32
        %eq3A_1519 = vector.broadcast %eq3A_1518 : i32 to vector<16xi32>
        %eq3A_1520 = arith.cmpi eq, %add3A_1517, %eq3A_1519 : vector<16xi32>
        %le3A_1521 = arith.constant 16 : i32
        %le3A_1522 = vector.broadcast %le3A_1521 : i32 to vector<16xi32>
        %le3A_1523 = arith.cmpi sle, %add3A_1517, %le3A_1522 : vector<16xi32>
        %jit3A_1524 = arith.constant 1.000000e+00 : f32
        %jit3A_1525 = arith.constant 0.000000e+00 : f32
        %broadcast_in_dim3A_1526 = vector.broadcast %jit3A_1524 : f32 to vector<16xf32>
        %broadcast_in_dim3A_1527 = vector.broadcast %jit3A_1525 : f32 to vector<16xf32>
        %select_n3A_1528 = arith.select %le3A_1523, %broadcast_in_dim3A_1526, %broadcast_in_dim3A_1527 : vector<16xi1>, vector<16xf32>
        %jit3A_1529 = arith.constant 0.761904776 : f32
        %broadcast_in_dim3A_1530 = vector.broadcast %jit3A_1529 : f32 to vector<16xf32>
        %select_n3A_1531 = arith.select %eq3A_1520, %broadcast_in_dim3A_1530, %select_n3A_1528 : vector<16xi1>, vector<16xf32>
        %mul3A_1532 = arith.constant 5.120000e+02 : f32
        %mul3A_1533 = vector.broadcast %mul3A_1532 : f32 to vector<16xf32>
        %mul3A_1534 = arith.mulf %add3A_1514, %mul3A_1533 : vector<16xf32>
        %max3A_1535 = arith.constant 1.000000e+00 : f32
        %max3A_1536 = vector.broadcast %max3A_1535 : f32 to vector<16xf32>
        %max3A_1537 = arith.maximumf %mul3A_1534, %max3A_1536 : vector<16xf32>
        %gt3A_1538 = arith.constant 0.000000e+00 : f32
        %gt3A_1539 = vector.broadcast %gt3A_1538 : f32 to vector<16xf32>
        %gt3A_1540 = arith.cmpf ogt, %add3A_1514, %gt3A_1539 : vector<16xf32>
        %mul3A_1541 = arith.mulf %select_n3A_1531, %add3A_1509 : vector<16xf32>
        %div3A_1542 = arith.divf %mul3A_1541, %max3A_1537 : vector<16xf32>
        %jit3A_1543 = arith.constant 0.000000e+00 : f32
        %broadcast_in_dim3A_1544 = vector.broadcast %jit3A_1543 : f32 to vector<16xf32>
        %select_n3A_1545 = arith.select %gt3A_1540, %div3A_1542, %broadcast_in_dim3A_1544 : vector<16xi1>, vector<16xf32>
        %mul3A_1546 = arith.constant 4.000000e+00 : f32
        %mul3A_1547 = vector.broadcast %mul3A_1546 : f32 to vector<16xf32>
        %mul3A_1548 = arith.mulf %mul3A_1547, %select_n3A_1545 : vector<16xf32>
        %add3A_1549 = arith.addf %add3A_1350, %mul3A_1548 : vector<16xf32>
        %broadcast_in_dim3A_1550 = arith.constant 0.000000e+00 : f32
        %broadcast_in_dim3A_1551 = vector.broadcast %broadcast_in_dim3A_1550 : f32 to vector<16xf32>
        %broadcast_in_dim3A_1552 = arith.constant 0.000000e+00 : f32
        %broadcast_in_dim3A_1553 = vector.broadcast %broadcast_in_dim3A_1552 : f32 to vector<16xf32>
        %get3A_1554 = arith.constant 0 : i32
        %get3A_1555 = arith.index_cast %get3A_1554 : i32 to index
        %get3A_1556 = arith.constant 112 : index
        %get3A_1557 = tpu.vector_load %arg15[%get3A_1555, %get3A_1556] {strides = array<i32>} : memref<16x128xf32, #tpu.memory_space<vmem>>, vector<16xf32>,
        %add3A_1558 = arith.addf %broadcast_in_dim3A_1551, %get3A_1557 : vector<16xf32>
        %get3A_1559 = arith.constant 0 : i32
        %get3A_1560 = arith.index_cast %get3A_1559 : i32 to index
        %get3A_1561 = arith.constant 112 : index
        %get3A_1562 = tpu.vector_load %arg16[%get3A_1560, %get3A_1561] {strides = array<i32>} : memref<16x128xf32, #tpu.memory_space<vmem>>, vector<16xf32>,
        %add3A_1563 = arith.addf %broadcast_in_dim3A_1553, %get3A_1562 : vector<16xf32>
        %get3A_1564 = arith.constant 1 : i32
        %get3A_1565 = arith.index_cast %get3A_1564 : i32 to index
        %get3A_1566 = arith.constant 112 : index
        %get3A_1567 = tpu.vector_load %arg15[%get3A_1565, %get3A_1566] {strides = array<i32>} : memref<16x128xf32, #tpu.memory_space<vmem>>, vector<16xf32>,
        %add3A_1568 = arith.addf %add3A_1558, %get3A_1567 : vector<16xf32>
        %get3A_1569 = arith.constant 1 : i32
        %get3A_1570 = arith.index_cast %get3A_1569 : i32 to index
        %get3A_1571 = arith.constant 112 : index
        %get3A_1572 = tpu.vector_load %arg16[%get3A_1570, %get3A_1571] {strides = array<i32>} : memref<16x128xf32, #tpu.memory_space<vmem>>, vector<16xf32>,
        %add3A_1573 = arith.addf %add3A_1563, %get3A_1572 : vector<16xf32>
        %get3A_1574 = arith.constant 2 : i32
        %get3A_1575 = arith.index_cast %get3A_1574 : i32 to index
        %get3A_1576 = arith.constant 112 : index
        %get3A_1577 = tpu.vector_load %arg15[%get3A_1575, %get3A_1576] {strides = array<i32>} : memref<16x128xf32, #tpu.memory_space<vmem>>, vector<16xf32>,
        %add3A_1578 = arith.addf %add3A_1568, %get3A_1577 : vector<16xf32>
        %get3A_1579 = arith.constant 2 : i32
        %get3A_1580 = arith.index_cast %get3A_1579 : i32 to index
        %get3A_1581 = arith.constant 112 : index
        %get3A_1582 = tpu.vector_load %arg16[%get3A_1580, %get3A_1581] {strides = array<i32>} : memref<16x128xf32, #tpu.memory_space<vmem>>, vector<16xf32>,
        %add3A_1583 = arith.addf %add3A_1573, %get3A_1582 : vector<16xf32>
        %get3A_1584 = arith.constant 3 : i32
        %get3A_1585 = arith.index_cast %get3A_1584 : i32 to index
        %get3A_1586 = arith.constant 112 : index
        %get3A_1587 = tpu.vector_load %arg15[%get3A_1585, %get3A_1586] {strides = array<i32>} : memref<16x128xf32, #tpu.memory_space<vmem>>, vector<16xf32>,
        %add3A_1588 = arith.addf %add3A_1578, %get3A_1587 : vector<16xf32>
        %get3A_1589 = arith.constant 3 : i32
        %get3A_1590 = arith.index_cast %get3A_1589 : i32 to index
        %get3A_1591 = arith.constant 112 : index
        %get3A_1592 = tpu.vector_load %arg16[%get3A_1590, %get3A_1591] {strides = array<i32>} : memref<16x128xf32, #tpu.memory_space<vmem>>, vector<16xf32>,
        %add3A_1593 = arith.addf %add3A_1583, %get3A_1592 : vector<16xf32>
        %get3A_1594 = arith.constant 4 : i32
        %get3A_1595 = arith.index_cast %get3A_1594 : i32 to index
        %get3A_1596 = arith.constant 112 : index
        %get3A_1597 = tpu.vector_load %arg15[%get3A_1595, %get3A_1596] {strides = array<i32>} : memref<16x128xf32, #tpu.memory_space<vmem>>, vector<16xf32>,
        %add3A_1598 = arith.addf %add3A_1588, %get3A_1597 : vector<16xf32>
        %get3A_1599 = arith.constant 4 : i32
        %get3A_1600 = arith.index_cast %get3A_1599 : i32 to index
        %get3A_1601 = arith.constant 112 : index
        %get3A_1602 = tpu.vector_load %arg16[%get3A_1600, %get3A_1601] {strides = array<i32>} : memref<16x128xf32, #tpu.memory_space<vmem>>, vector<16xf32>,
        %add3A_1603 = arith.addf %add3A_1593, %get3A_1602 : vector<16xf32>
        %get3A_1604 = arith.constant 5 : i32
        %get3A_1605 = arith.index_cast %get3A_1604 : i32 to index
        %get3A_1606 = arith.constant 112 : index
        %get3A_1607 = tpu.vector_load %arg15[%get3A_1605, %get3A_1606] {strides = array<i32>} : memref<16x128xf32, #tpu.memory_space<vmem>>, vector<16xf32>,
        %add3A_1608 = arith.addf %add3A_1598, %get3A_1607 : vector<16xf32>
        %get3A_1609 = arith.constant 5 : i32
        %get3A_1610 = arith.index_cast %get3A_1609 : i32 to index
        %get3A_1611 = arith.constant 112 : index
        %get3A_1612 = tpu.vector_load %arg16[%get3A_1610, %get3A_1611] {strides = array<i32>} : memref<16x128xf32, #tpu.memory_space<vmem>>, vector<16xf32>,
        %add3A_1613 = arith.addf %add3A_1603, %get3A_1612 : vector<16xf32>
        %get3A_1614 = arith.constant 6 : i32
        %get3A_1615 = arith.index_cast %get3A_1614 : i32 to index
        %get3A_1616 = arith.constant 112 : index
        %get3A_1617 = tpu.vector_load %arg15[%get3A_1615, %get3A_1616] {strides = array<i32>} : memref<16x128xf32, #tpu.memory_space<vmem>>, vector<16xf32>,
        %add3A_1618 = arith.addf %add3A_1608, %get3A_1617 : vector<16xf32>
        %get3A_1619 = arith.constant 6 : i32
        %get3A_1620 = arith.index_cast %get3A_1619 : i32 to index
        %get3A_1621 = arith.constant 112 : index
        %get3A_1622 = tpu.vector_load %arg16[%get3A_1620, %get3A_1621] {strides = array<i32>} : memref<16x128xf32, #tpu.memory_space<vmem>>, vector<16xf32>,
        %add3A_1623 = arith.addf %add3A_1613, %get3A_1622 : vector<16xf32>
        %get3A_1624 = arith.constant 7 : i32
        %get3A_1625 = arith.index_cast %get3A_1624 : i32 to index
        %get3A_1626 = arith.constant 112 : index
        %get3A_1627 = tpu.vector_load %arg15[%get3A_1625, %get3A_1626] {strides = array<i32>} : memref<16x128xf32, #tpu.memory_space<vmem>>, vector<16xf32>,
        %add3A_1628 = arith.addf %add3A_1618, %get3A_1627 : vector<16xf32>
        %get3A_1629 = arith.constant 7 : i32
        %get3A_1630 = arith.index_cast %get3A_1629 : i32 to index
        %get3A_1631 = arith.constant 112 : index
        %get3A_1632 = tpu.vector_load %arg16[%get3A_1630, %get3A_1631] {strides = array<i32>} : memref<16x128xf32, #tpu.memory_space<vmem>>, vector<16xf32>,
        %add3A_1633 = arith.addf %add3A_1623, %get3A_1632 : vector<16xf32>
        %get3A_1634 = arith.constant 8 : i32
        %get3A_1635 = arith.index_cast %get3A_1634 : i32 to index
        %get3A_1636 = arith.constant 112 : index
        %get3A_1637 = tpu.vector_load %arg15[%get3A_1635, %get3A_1636] {strides = array<i32>} : memref<16x128xf32, #tpu.memory_space<vmem>>, vector<16xf32>,
        %add3A_1638 = arith.addf %add3A_1628, %get3A_1637 : vector<16xf32>
        %get3A_1639 = arith.constant 8 : i32
        %get3A_1640 = arith.index_cast %get3A_1639 : i32 to index
        %get3A_1641 = arith.constant 112 : index
        %get3A_1642 = tpu.vector_load %arg16[%get3A_1640, %get3A_1641] {strides = array<i32>} : memref<16x128xf32, #tpu.memory_space<vmem>>, vector<16xf32>,
        %add3A_1643 = arith.addf %add3A_1633, %get3A_1642 : vector<16xf32>
        %get3A_1644 = arith.constant 9 : i32
        %get3A_1645 = arith.index_cast %get3A_1644 : i32 to index
        %get3A_1646 = arith.constant 112 : index
        %get3A_1647 = tpu.vector_load %arg15[%get3A_1645, %get3A_1646] {strides = array<i32>} : memref<16x128xf32, #tpu.memory_space<vmem>>, vector<16xf32>,
        %add3A_1648 = arith.addf %add3A_1638, %get3A_1647 : vector<16xf32>
        %get3A_1649 = arith.constant 9 : i32
        %get3A_1650 = arith.index_cast %get3A_1649 : i32 to index
        %get3A_1651 = arith.constant 112 : index
        %get3A_1652 = tpu.vector_load %arg16[%get3A_1650, %get3A_1651] {strides = array<i32>} : memref<16x128xf32, #tpu.memory_space<vmem>>, vector<16xf32>,
        %add3A_1653 = arith.addf %add3A_1643, %get3A_1652 : vector<16xf32>
        %get3A_1654 = arith.constant 10 : i32
        %get3A_1655 = arith.index_cast %get3A_1654 : i32 to index
        %get3A_1656 = arith.constant 112 : index
        %get3A_1657 = tpu.vector_load %arg15[%get3A_1655, %get3A_1656] {strides = array<i32>} : memref<16x128xf32, #tpu.memory_space<vmem>>, vector<16xf32>,
        %add3A_1658 = arith.addf %add3A_1648, %get3A_1657 : vector<16xf32>
        %get3A_1659 = arith.constant 10 : i32
        %get3A_1660 = arith.index_cast %get3A_1659 : i32 to index
        %get3A_1661 = arith.constant 112 : index
        %get3A_1662 = tpu.vector_load %arg16[%get3A_1660, %get3A_1661] {strides = array<i32>} : memref<16x128xf32, #tpu.memory_space<vmem>>, vector<16xf32>,
        %add3A_1663 = arith.addf %add3A_1653, %get3A_1662 : vector<16xf32>
        %get3A_1664 = arith.constant 11 : i32
        %get3A_1665 = arith.index_cast %get3A_1664 : i32 to index
        %get3A_1666 = arith.constant 112 : index
        %get3A_1667 = tpu.vector_load %arg15[%get3A_1665, %get3A_1666] {strides = array<i32>} : memref<16x128xf32, #tpu.memory_space<vmem>>, vector<16xf32>,
        %add3A_1668 = arith.addf %add3A_1658, %get3A_1667 : vector<16xf32>
        %get3A_1669 = arith.constant 11 : i32
        %get3A_1670 = arith.index_cast %get3A_1669 : i32 to index
        %get3A_1671 = arith.constant 112 : index
        %get3A_1672 = tpu.vector_load %arg16[%get3A_1670, %get3A_1671] {strides = array<i32>} : memref<16x128xf32, #tpu.memory_space<vmem>>, vector<16xf32>,
        %add3A_1673 = arith.addf %add3A_1663, %get3A_1672 : vector<16xf32>
        %get3A_1674 = arith.constant 12 : i32
        %get3A_1675 = arith.index_cast %get3A_1674 : i32 to index
        %get3A_1676 = arith.constant 112 : index
        %get3A_1677 = tpu.vector_load %arg15[%get3A_1675, %get3A_1676] {strides = array<i32>} : memref<16x128xf32, #tpu.memory_space<vmem>>, vector<16xf32>,
        %add3A_1678 = arith.addf %add3A_1668, %get3A_1677 : vector<16xf32>
        %get3A_1679 = arith.constant 12 : i32
        %get3A_1680 = arith.index_cast %get3A_1679 : i32 to index
        %get3A_1681 = arith.constant 112 : index
        %get3A_1682 = tpu.vector_load %arg16[%get3A_1680, %get3A_1681] {strides = array<i32>} : memref<16x128xf32, #tpu.memory_space<vmem>>, vector<16xf32>,
        %add3A_1683 = arith.addf %add3A_1673, %get3A_1682 : vector<16xf32>
        %get3A_1684 = arith.constant 13 : i32
        %get3A_1685 = arith.index_cast %get3A_1684 : i32 to index
        %get3A_1686 = arith.constant 112 : index
        %get3A_1687 = tpu.vector_load %arg15[%get3A_1685, %get3A_1686] {strides = array<i32>} : memref<16x128xf32, #tpu.memory_space<vmem>>, vector<16xf32>,
        %add3A_1688 = arith.addf %add3A_1678, %get3A_1687 : vector<16xf32>
        %get3A_1689 = arith.constant 13 : i32
        %get3A_1690 = arith.index_cast %get3A_1689 : i32 to index
        %get3A_1691 = arith.constant 112 : index
        %get3A_1692 = tpu.vector_load %arg16[%get3A_1690, %get3A_1691] {strides = array<i32>} : memref<16x128xf32, #tpu.memory_space<vmem>>, vector<16xf32>,
        %add3A_1693 = arith.addf %add3A_1683, %get3A_1692 : vector<16xf32>
        %get3A_1694 = arith.constant 14 : i32
        %get3A_1695 = arith.index_cast %get3A_1694 : i32 to index
        %get3A_1696 = arith.constant 112 : index
        %get3A_1697 = tpu.vector_load %arg15[%get3A_1695, %get3A_1696] {strides = array<i32>} : memref<16x128xf32, #tpu.memory_space<vmem>>, vector<16xf32>,
        %add3A_1698 = arith.addf %add3A_1688, %get3A_1697 : vector<16xf32>
        %get3A_1699 = arith.constant 14 : i32
        %get3A_1700 = arith.index_cast %get3A_1699 : i32 to index
        %get3A_1701 = arith.constant 112 : index
        %get3A_1702 = tpu.vector_load %arg16[%get3A_1700, %get3A_1701] {strides = array<i32>} : memref<16x128xf32, #tpu.memory_space<vmem>>, vector<16xf32>,
        %add3A_1703 = arith.addf %add3A_1693, %get3A_1702 : vector<16xf32>
        %get3A_1704 = arith.constant 15 : i32
        %get3A_1705 = arith.index_cast %get3A_1704 : i32 to index
        %get3A_1706 = arith.constant 112 : index
        %get3A_1707 = tpu.vector_load %arg15[%get3A_1705, %get3A_1706] {strides = array<i32>} : memref<16x128xf32, #tpu.memory_space<vmem>>, vector<16xf32>,
        %add3A_1708 = arith.addf %add3A_1698, %get3A_1707 : vector<16xf32>
        %get3A_1709 = arith.constant 15 : i32
        %get3A_1710 = arith.index_cast %get3A_1709 : i32 to index
        %get3A_1711 = arith.constant 112 : index
        %get3A_1712 = tpu.vector_load %arg16[%get3A_1710, %get3A_1711] {strides = array<i32>} : memref<16x128xf32, #tpu.memory_space<vmem>>, vector<16xf32>,
        %add3A_1713 = arith.addf %add3A_1703, %get3A_1712 : vector<16xf32>
        %add3A_1714 = arith.constant 16 : i32
        %add3A_1715 = vector.broadcast %add3A_1714 : i32 to vector<16xi32>
        %add3A_1716 = arith.addi %add3A_1715, %iota3A : vector<16xi32>
        %eq3A_1717 = arith.constant 0 : i32
        %eq3A_1718 = vector.broadcast %eq3A_1717 : i32 to vector<16xi32>
        %eq3A_1719 = arith.cmpi eq, %add3A_1716, %eq3A_1718 : vector<16xi32>
        %le3A_1720 = arith.constant 16 : i32
        %le3A_1721 = vector.broadcast %le3A_1720 : i32 to vector<16xi32>
        %le3A_1722 = arith.cmpi sle, %add3A_1716, %le3A_1721 : vector<16xi32>
        %jit3A_1723 = arith.constant 1.000000e+00 : f32
        %jit3A_1724 = arith.constant 0.000000e+00 : f32
        %broadcast_in_dim3A_1725 = vector.broadcast %jit3A_1723 : f32 to vector<16xf32>
        %broadcast_in_dim3A_1726 = vector.broadcast %jit3A_1724 : f32 to vector<16xf32>
        %select_n3A_1727 = arith.select %le3A_1722, %broadcast_in_dim3A_1725, %broadcast_in_dim3A_1726 : vector<16xi1>, vector<16xf32>
        %jit3A_1728 = arith.constant 0.761904776 : f32
        %broadcast_in_dim3A_1729 = vector.broadcast %jit3A_1728 : f32 to vector<16xf32>
        %select_n3A_1730 = arith.select %eq3A_1719, %broadcast_in_dim3A_1729, %select_n3A_1727 : vector<16xi1>, vector<16xf32>
        %mul3A_1731 = arith.constant 5.120000e+02 : f32
        %mul3A_1732 = vector.broadcast %mul3A_1731 : f32 to vector<16xf32>
        %mul3A_1733 = arith.mulf %add3A_1713, %mul3A_1732 : vector<16xf32>
        %max3A_1734 = arith.constant 1.000000e+00 : f32
        %max3A_1735 = vector.broadcast %max3A_1734 : f32 to vector<16xf32>
        %max3A_1736 = arith.maximumf %mul3A_1733, %max3A_1735 : vector<16xf32>
        %gt3A_1737 = arith.constant 0.000000e+00 : f32
        %gt3A_1738 = vector.broadcast %gt3A_1737 : f32 to vector<16xf32>
        %gt3A_1739 = arith.cmpf ogt, %add3A_1713, %gt3A_1738 : vector<16xf32>
        %mul3A_1740 = arith.mulf %select_n3A_1730, %add3A_1708 : vector<16xf32>
        %div3A_1741 = arith.divf %mul3A_1740, %max3A_1736 : vector<16xf32>
        %jit3A_1742 = arith.constant 0.000000e+00 : f32
        %broadcast_in_dim3A_1743 = vector.broadcast %jit3A_1742 : f32 to vector<16xf32>
        %select_n3A_1744 = arith.select %gt3A_1739, %div3A_1741, %broadcast_in_dim3A_1743 : vector<16xi1>, vector<16xf32>
        %mul3A_1745 = arith.constant 4.000000e+00 : f32
        %mul3A_1746 = vector.broadcast %mul3A_1745 : f32 to vector<16xf32>
        %mul3A_1747 = arith.mulf %mul3A_1746, %select_n3A_1744 : vector<16xf32>
        %add3A_1748 = arith.addf %add3A_1549, %mul3A_1747 : vector<16xf32>
        %reduce_sum3A = arith.constant true
        %reduce_sum3A_1749 = vector.broadcast %reduce_sum3A : i1 to vector<16xi1>
        %reduce_sum3A_1750 = tpu.scan <sum>, %add3A_1748 masked %reduce_sum3A_1749 : vector<16xf32>, vector<16xi1> -> vector<16xf32>
        %reduce_sum3A_1751 = vector.extract %reduce_sum3A_1750[15] : f32 from vector<16xf32>
        %mul3A_1752 = arith.constant 2.500000e-01 : f32
        %mul3A_1753 = arith.mulf %reduce_sum3A_1751, %mul3A_1752 : f32
        %broadcast_in_dim3A_1754 = vector.broadcast %mul3A_1753 : f32 to vector<16xf32>
        %swap3A_1755 = arith.constant 0 : index
        %swap3A_1756 = tpu.vector_load %arg19[%swap3A_1755] {strides = array<i32>} : memref<16xf32, #tpu.memory_space<vmem>>, vector<16xf32>,
        tpu.vector_store %arg19[%swap3A_1755], %broadcast_in_dim3A_1754 {strides = array<i32>} : memref<16xf32, #tpu.memory_space<vmem>>, vector<16xf32>,
        "tpu.region"() ({
          %run_scoped3A = tpu.sem_alloc : memref<!tpu.dma_semaphore, #tpu.memory_space<semaphore_mem>>
          tpu.enqueue_dma source(%arg19 : memref<16xf32, #tpu.memory_space<vmem>>) target(%arg8 : memref<16xf32, #tpu.memory_space<hbm>>) target_semaphore(%run_scoped3A : memref<!tpu.dma_semaphore, #tpu.memory_space<semaphore_mem>>)
          tpu.wait_dma2 semaphore(%run_scoped3A : memref<!tpu.dma_semaphore, #tpu.memory_space<semaphore_mem>>) src(%arg19 : memref<16xf32, #tpu.memory_space<vmem>>) dst(%arg8 : memref<16xf32, #tpu.memory_space<hbm>>)
          tpu.yield
        }) : () -> ()
      } else {
      }
    } else {
    }
    return
  }
}

#map = affine_map<(d0, d1) -> (0, 0)>
#map1 = affine_map<(d0, d1) -> (0)>
module attributes {stable_mosaic.version = 14 : i64} {
  func.func @_bin0_kernel(%arg0: i32, %arg1: i32, %arg2: memref<4x65536xi32, #tpu.memory_space<hbm>>, %arg3: memref<4x16384xf32, #tpu.memory_space<hbm>>, %arg4: memref<1024xf32, #tpu.memory_space<hbm>>, %arg5: memref<1024xf32, #tpu.memory_space<hbm>>, %arg6: memref<8192xi32, #tpu.memory_space<vmem>>, %arg7: memref<2048xf32, #tpu.memory_space<vmem>>, %arg8: memref<32xf32, #tpu.memory_space<vmem>>, %arg9: memref<32xf32, #tpu.memory_space<vmem>>) attributes {dimension_semantics = [#tpu.dimension_semantics<core_parallel>, #tpu.dimension_semantics<subcore_parallel>], iteration_bounds = array<i64: 2, 16>, scalar_prefetch = 0 : i64, scratch_operands = 4 : i64, tpu.core_type = #tpu.core_type<sc_vector_subcore>, window_params = [{transform_indices = #map}, {transform_indices = #map}, {transform_indices = #map1}, {transform_indices = #map1}]} {
    %mul3A = arith.constant 2 : i32
    %mul3A_0 = arith.muli %arg1, %mul3A : i32
    %add3A = arith.addi %mul3A_0, %arg0 : i32
    %jit3A = arith.constant 8 : i32
    %div3A = arith.divsi %add3A, %jit3A : i32
    %sign3A = arith.constant 0 : i32
    %sign3A_1 = arith.cmpi sgt, %add3A, %sign3A : i32
    %sign3A_2 = arith.extui %sign3A_1 : i1 to i32
    %sign3A_3 = arith.constant 0 : i32
    %sign3A_4 = arith.cmpi slt, %add3A, %sign3A_3 : i32
    %sign3A_5 = arith.extui %sign3A_4 : i1 to i32
    %sign3A_6 = arith.subi %sign3A_2, %sign3A_5 : i32
    %sign3A_7 = arith.constant 0 : i32
    %sign3A_8 = arith.cmpi sgt, %jit3A, %sign3A_7 : i32
    %sign3A_9 = arith.extui %sign3A_8 : i1 to i32
    %sign3A_10 = arith.constant 0 : i32
    %sign3A_11 = arith.cmpi slt, %jit3A, %sign3A_10 : i32
    %sign3A_12 = arith.extui %sign3A_11 : i1 to i32
    %sign3A_13 = arith.subi %sign3A_9, %sign3A_12 : i32
    %ne3A = arith.cmpi ne, %sign3A_6, %sign3A_13 : i32
    %rem3A = arith.remsi %add3A, %jit3A : i32
    %ne3A_14 = arith.constant 0 : i32
    %ne3A_15 = arith.cmpi ne, %rem3A, %ne3A_14 : i32
    %and3A = arith.andi %ne3A, %ne3A_15 : i1
    %sub3A = arith.constant 1 : i32
    %sub3A_16 = arith.subi %div3A, %sub3A : i32
    %select_n3A = arith.select %and3A, %sub3A_16, %div3A : i32
    %jit3A_17 = arith.constant 8 : i32
    %eq3A = arith.constant 0 : i32
    %eq3A_18 = arith.cmpi eq, %jit3A_17, %eq3A : i32
    %jit3A_19 = arith.constant 1 : i32
    %select_n3A_20 = arith.select %eq3A_18, %jit3A_19, %jit3A_17 : i32
    %rem3A_21 = arith.remsi %add3A, %select_n3A_20 : i32
    %ne3A_22 = arith.constant 0 : i32
    %ne3A_23 = arith.cmpi ne, %rem3A_21, %ne3A_22 : i32
    %lt3A = arith.constant 0 : i32
    %lt3A_24 = arith.cmpi slt, %rem3A_21, %lt3A : i32
    %lt3A_25 = arith.constant 0 : i32
    %lt3A_26 = arith.cmpi slt, %select_n3A_20, %lt3A_25 : i32
    %ne3A_27 = arith.xori %lt3A_24, %lt3A_26 : i1
    %and3A_28 = arith.andi %ne3A_27, %ne3A_23 : i1
    %add3A_29 = arith.addi %rem3A_21, %select_n3A_20 : i32
    %select_n3A_30 = arith.select %and3A_28, %add3A_29, %rem3A_21 : i32
    %broadcast_in_dim3A = arith.constant 0.000000e+00 : f32
    %broadcast_in_dim3A_31 = vector.broadcast %broadcast_in_dim3A : f32 to vector<16xf32>
    %broadcast_in_dim3A_32 = arith.constant 1.000000e+00 : f32
    %broadcast_in_dim3A_33 = vector.broadcast %broadcast_in_dim3A_32 : f32 to vector<16xf32>
    %iota3A = tpu.iota {dimensions = array<i32: 0>} : vector<16xi32>
    %swap3A = arith.constant 0 : index
    %swap3A_34 = tpu.vector_load %arg8[%swap3A] {strides = array<i32>} : memref<32xf32, #tpu.memory_space<vmem>>, vector<16xf32>,
    tpu.vector_store %arg8[%swap3A], %broadcast_in_dim3A_31 {strides = array<i32>} : memref<32xf32, #tpu.memory_space<vmem>>, vector<16xf32>,
    %swap3A_35 = arith.constant 16 : index
    %swap3A_36 = tpu.vector_load %arg8[%swap3A_35] {strides = array<i32>} : memref<32xf32, #tpu.memory_space<vmem>>, vector<16xf32>,
    tpu.vector_store %arg8[%swap3A_35], %broadcast_in_dim3A_31 {strides = array<i32>} : memref<32xf32, #tpu.memory_space<vmem>>, vector<16xf32>,
    %swap3A_37 = arith.constant 0 : index
    %swap3A_38 = tpu.vector_load %arg9[%swap3A_37] {strides = array<i32>} : memref<32xf32, #tpu.memory_space<vmem>>, vector<16xf32>,
    tpu.vector_store %arg9[%swap3A_37], %broadcast_in_dim3A_31 {strides = array<i32>} : memref<32xf32, #tpu.memory_space<vmem>>, vector<16xf32>,
    %swap3A_39 = arith.constant 16 : index
    %swap3A_40 = tpu.vector_load %arg9[%swap3A_39] {strides = array<i32>} : memref<32xf32, #tpu.memory_space<vmem>>, vector<16xf32>,
    tpu.vector_store %arg9[%swap3A_39], %broadcast_in_dim3A_31 {strides = array<i32>} : memref<32xf32, #tpu.memory_space<vmem>>, vector<16xf32>,
    %mul3A_41 = arith.constant 8192 : i32
    %mul3A_42 = arith.muli %select_n3A_30, %mul3A_41 : i32
    "tpu.region"() ({
      %run_scoped3A = tpu.sem_alloc : memref<!tpu.dma_semaphore, #tpu.memory_space<semaphore_mem>>
      %dma_start3A = tpu.memref_slice %arg2[%select_n3A, %mul3A_42] : memref<4x65536xi32, #tpu.memory_space<hbm>> -> memref<1x8192xi32, #tpu.memory_space<hbm>>
      %dma_start3A_54 = tpu.memref_squeeze %dma_start3A : memref<1x8192xi32, #tpu.memory_space<hbm>> -> memref<8192xi32, #tpu.memory_space<hbm>>
      %dma_start3A_55 = tpu.memref_slice %arg2[%select_n3A, %mul3A_42] : memref<4x65536xi32, #tpu.memory_space<hbm>> -> memref<1x8192xi32, #tpu.memory_space<hbm>>
      %dma_start3A_56 = tpu.memref_squeeze %dma_start3A_55 : memref<1x8192xi32, #tpu.memory_space<hbm>> -> memref<8192xi32, #tpu.memory_space<hbm>>
      tpu.enqueue_dma source(%dma_start3A_56 : memref<8192xi32, #tpu.memory_space<hbm>>) target(%arg6 : memref<8192xi32, #tpu.memory_space<vmem>>) target_semaphore(%run_scoped3A : memref<!tpu.dma_semaphore, #tpu.memory_space<semaphore_mem>>)
      %dma_wait3A = tpu.memref_slice %arg2[%select_n3A, %mul3A_42] : memref<4x65536xi32, #tpu.memory_space<hbm>> -> memref<1x8192xi32, #tpu.memory_space<hbm>>
      %dma_wait3A_57 = tpu.memref_squeeze %dma_wait3A : memref<1x8192xi32, #tpu.memory_space<hbm>> -> memref<8192xi32, #tpu.memory_space<hbm>>
      %dma_wait3A_58 = tpu.memref_slice %arg2[%select_n3A, %mul3A_42] : memref<4x65536xi32, #tpu.memory_space<hbm>> -> memref<1x8192xi32, #tpu.memory_space<hbm>>
      %dma_wait3A_59 = tpu.memref_squeeze %dma_wait3A_58 : memref<1x8192xi32, #tpu.memory_space<hbm>> -> memref<8192xi32, #tpu.memory_space<hbm>>
      tpu.wait_dma2 semaphore(%run_scoped3A : memref<!tpu.dma_semaphore, #tpu.memory_space<semaphore_mem>>) src(%dma_wait3A_59 : memref<8192xi32, #tpu.memory_space<hbm>>) dst(%arg6 : memref<8192xi32, #tpu.memory_space<vmem>>)
      tpu.yield
    }) : () -> ()
    %mul3A_43 = arith.constant 2048 : i32
    %mul3A_44 = arith.muli %select_n3A_30, %mul3A_43 : i32
    "tpu.region"() ({
      %run_scoped3A = tpu.sem_alloc : memref<!tpu.dma_semaphore, #tpu.memory_space<semaphore_mem>>
      %dma_start3A = tpu.memref_slice %arg3[%select_n3A, %mul3A_44] : memref<4x16384xf32, #tpu.memory_space<hbm>> -> memref<1x2048xf32, #tpu.memory_space<hbm>>
      %dma_start3A_54 = tpu.memref_squeeze %dma_start3A : memref<1x2048xf32, #tpu.memory_space<hbm>> -> memref<2048xf32, #tpu.memory_space<hbm>>
      %dma_start3A_55 = tpu.memref_slice %arg3[%select_n3A, %mul3A_44] : memref<4x16384xf32, #tpu.memory_space<hbm>> -> memref<1x2048xf32, #tpu.memory_space<hbm>>
      %dma_start3A_56 = tpu.memref_squeeze %dma_start3A_55 : memref<1x2048xf32, #tpu.memory_space<hbm>> -> memref<2048xf32, #tpu.memory_space<hbm>>
      tpu.enqueue_dma source(%dma_start3A_56 : memref<2048xf32, #tpu.memory_space<hbm>>) target(%arg7 : memref<2048xf32, #tpu.memory_space<vmem>>) target_semaphore(%run_scoped3A : memref<!tpu.dma_semaphore, #tpu.memory_space<semaphore_mem>>)
      %dma_wait3A = tpu.memref_slice %arg3[%select_n3A, %mul3A_44] : memref<4x16384xf32, #tpu.memory_space<hbm>> -> memref<1x2048xf32, #tpu.memory_space<hbm>>
      %dma_wait3A_57 = tpu.memref_squeeze %dma_wait3A : memref<1x2048xf32, #tpu.memory_space<hbm>> -> memref<2048xf32, #tpu.memory_space<hbm>>
      %dma_wait3A_58 = tpu.memref_slice %arg3[%select_n3A, %mul3A_44] : memref<4x16384xf32, #tpu.memory_space<hbm>> -> memref<1x2048xf32, #tpu.memory_space<hbm>>
      %dma_wait3A_59 = tpu.memref_squeeze %dma_wait3A_58 : memref<1x2048xf32, #tpu.memory_space<hbm>> -> memref<2048xf32, #tpu.memory_space<hbm>>
      tpu.wait_dma2 semaphore(%run_scoped3A : memref<!tpu.dma_semaphore, #tpu.memory_space<semaphore_mem>>) src(%dma_wait3A_59 : memref<2048xf32, #tpu.memory_space<hbm>>) dst(%arg7 : memref<2048xf32, #tpu.memory_space<vmem>>)
      tpu.yield
    }) : () -> ()
    %scan3A = arith.constant 0 : i32
    %scan3A_45 = arith.constant 0 : i32
    %scan3A_46 = arith.constant 128 : i32
    %scan3A_47 = arith.addi %scan3A_45, %scan3A_46 : i32
    %scan3A_48 = arith.constant 1 : i32
    scf.for %scan3A_54 = %scan3A_45 to %scan3A_47 step %scan3A_48  : i32 {
      %mul3A_55 = arith.constant 16 : i32
      %mul3A_56 = arith.muli %scan3A_54, %mul3A_55 : i32
      %add3A_57 = vector.broadcast %mul3A_56 : i32 to vector<16xi32>
      %add3A_58 = arith.addi %add3A_57, %iota3A : vector<16xi32>
      %shift_right_arithmetic3A = arith.constant 7 : i32
      %shift_right_arithmetic3A_59 = vector.broadcast %shift_right_arithmetic3A : i32 to vector<16xi32>
      %shift_right_arithmetic3A_60 = arith.shrsi %add3A_58, %shift_right_arithmetic3A_59 : vector<16xi32>
      %shift_left3A = arith.constant 9 : i32
      %shift_left3A_61 = vector.broadcast %shift_left3A : i32 to vector<16xi32>
      %shift_left3A_62 = arith.shli %shift_right_arithmetic3A_60, %shift_left3A_61 : vector<16xi32>
      %and3A_63 = arith.constant 127 : i32
      %and3A_64 = vector.broadcast %and3A_63 : i32 to vector<16xi32>
      %and3A_65 = arith.andi %add3A_58, %and3A_64 : vector<16xi32>
      %shift_left3A_66 = arith.constant 2 : i32
      %shift_left3A_67 = vector.broadcast %shift_left3A_66 : i32 to vector<16xi32>
      %shift_left3A_68 = arith.shli %and3A_65, %shift_left3A_67 : vector<16xi32>
      %add3A_69 = arith.addi %shift_left3A_62, %shift_left3A_68 : vector<16xi32>
      %gather3A = tpu.vector_load_idx %arg6[%add3A_69] : memref<8192xi32, #tpu.memory_space<vmem>>[vector<16xi32>], vector<16xi32>,
      %mul3A_70 = arith.constant 16 : i32
      %mul3A_71 = arith.muli %scan3A_54, %mul3A_70 : i32
      %get3A = arith.index_cast %mul3A_71 : i32 to index
      %get3A_72 = tpu.vector_load %arg7[%get3A] {strides = array<i32>} : memref<2048xf32, #tpu.memory_space<vmem>>, vector<16xf32>,
      tpu.vector_store_idx %arg8[%gather3A], %get3A_72 {add = true} : memref<32xf32, #tpu.memory_space<vmem>>[vector<16xi32>], vector<16xf32>,
      tpu.vector_store_idx %arg9[%gather3A], %broadcast_in_dim3A_33 {add = true} : memref<32xf32, #tpu.memory_space<vmem>>[vector<16xi32>], vector<16xf32>,
    }
    %scan3A_49 = arith.constant 128 : i32
    %mul3A_50 = arith.constant 32 : i32
    %mul3A_51 = arith.muli %add3A, %mul3A_50 : i32
    "tpu.region"() ({
      %run_scoped3A = tpu.sem_alloc : memref<!tpu.dma_semaphore, #tpu.memory_space<semaphore_mem>>
      %dma_start3A = tpu.memref_slice %arg4[%mul3A_51] : memref<1024xf32, #tpu.memory_space<hbm>> -> memref<32xf32, #tpu.memory_space<hbm>>
      %dma_start3A_54 = tpu.memref_slice %arg4[%mul3A_51] : memref<1024xf32, #tpu.memory_space<hbm>> -> memref<32xf32, #tpu.memory_space<hbm>>
      tpu.enqueue_dma source(%arg8 : memref<32xf32, #tpu.memory_space<vmem>>) target(%dma_start3A_54 : memref<32xf32, #tpu.memory_space<hbm>>) target_semaphore(%run_scoped3A : memref<!tpu.dma_semaphore, #tpu.memory_space<semaphore_mem>>)
      %dma_wait3A = tpu.memref_slice %arg4[%mul3A_51] : memref<1024xf32, #tpu.memory_space<hbm>> -> memref<32xf32, #tpu.memory_space<hbm>>
      %dma_wait3A_55 = tpu.memref_slice %arg4[%mul3A_51] : memref<1024xf32, #tpu.memory_space<hbm>> -> memref<32xf32, #tpu.memory_space<hbm>>
      tpu.wait_dma2 semaphore(%run_scoped3A : memref<!tpu.dma_semaphore, #tpu.memory_space<semaphore_mem>>) src(%arg8 : memref<32xf32, #tpu.memory_space<vmem>>) dst(%dma_wait3A_55 : memref<32xf32, #tpu.memory_space<hbm>>)
      tpu.yield
    }) : () -> ()
    %mul3A_52 = arith.constant 32 : i32
    %mul3A_53 = arith.muli %add3A, %mul3A_52 : i32
    "tpu.region"() ({
      %run_scoped3A = tpu.sem_alloc : memref<!tpu.dma_semaphore, #tpu.memory_space<semaphore_mem>>
      %dma_start3A = tpu.memref_slice %arg5[%mul3A_53] : memref<1024xf32, #tpu.memory_space<hbm>> -> memref<32xf32, #tpu.memory_space<hbm>>
      %dma_start3A_54 = tpu.memref_slice %arg5[%mul3A_53] : memref<1024xf32, #tpu.memory_space<hbm>> -> memref<32xf32, #tpu.memory_space<hbm>>
      tpu.enqueue_dma source(%arg9 : memref<32xf32, #tpu.memory_space<vmem>>) target(%dma_start3A_54 : memref<32xf32, #tpu.memory_space<hbm>>) target_semaphore(%run_scoped3A : memref<!tpu.dma_semaphore, #tpu.memory_space<semaphore_mem>>)
      %dma_wait3A = tpu.memref_slice %arg5[%mul3A_53] : memref<1024xf32, #tpu.memory_space<hbm>> -> memref<32xf32, #tpu.memory_space<hbm>>
      %dma_wait3A_55 = tpu.memref_slice %arg5[%mul3A_53] : memref<1024xf32, #tpu.memory_space<hbm>> -> memref<32xf32, #tpu.memory_space<hbm>>
      tpu.wait_dma2 semaphore(%run_scoped3A : memref<!tpu.dma_semaphore, #tpu.memory_space<semaphore_mem>>) src(%arg9 : memref<32xf32, #tpu.memory_space<vmem>>) dst(%dma_wait3A_55 : memref<32xf32, #tpu.memory_space<hbm>>)
      tpu.yield
    }) : () -> ()
    return
  }
}

module attributes {stable_mosaic.version = 14 : i64} {
  func.func @_dsum_cl_body(%arg0: i32, %arg1: i32, %arg2: memref<1x4096x256xf32, #tpu.memory_space<vmem>>, %arg3: memref<1x4096x256xf32, #tpu.memory_space<vmem>>, %arg4: memref<1x1x4096xf32, #tpu.memory_space<vmem>>) attributes {dimension_semantics = [#tpu.dimension_semantics<parallel>, #tpu.dimension_semantics<parallel>], iteration_bounds = array<i64: 4, 1>, scalar_prefetch = 0 : i64, scratch_operands = 0 : i64, tpu.core_type = #tpu.core_type<tc>, window_params = [{transform_indices = @transform_0, window_bounds = array<i64: 1, 4096, 256>}, {transform_indices = @transform_1, window_bounds = array<i64: 1, 4096, 256>}, {transform_indices = @transform_2, window_bounds = array<i64: 1, 1, 4096>}]} {
    %get3A = arith.constant 0 : index
    %get3A_0 = arith.constant 0 : index
    %get3A_1 = arith.constant 0 : index
    %get3A_2 = vector.load %arg2[%get3A, %get3A_0, %get3A_1] : memref<1x4096x256xf32, #tpu.memory_space<vmem>>, vector<1x4096x256xf32>
    %get3A_3 = arith.constant 0 : index
    %get3A_4 = arith.constant 0 : index
    %get3A_5 = arith.constant 0 : index
    %get3A_6 = vector.load %arg3[%get3A_3, %get3A_4, %get3A_5] : memref<1x4096x256xf32, #tpu.memory_space<vmem>>, vector<1x4096x256xf32>
    %sub3A = arith.subf %get3A_2, %get3A_6 : vector<1x4096x256xf32>
    %mul3A = arith.mulf %sub3A, %sub3A : vector<1x4096x256xf32>
    %reduce_sum3A = arith.constant dense<0.000000e+00> : vector<1x4096xf32>
    %reduce_sum3A_7 = vector.multi_reduction <add>, %mul3A, %reduce_sum3A [2] : vector<1x4096x256xf32> to vector<1x4096xf32>
    %swap3A = arith.constant 0 : index
    %swap3A_8 = arith.constant 0 : index
    %swap3A_9 = arith.constant 0 : index
    %swap3A_10 = vector.load %arg4[%swap3A, %swap3A_8, %swap3A_9] : memref<1x1x4096xf32, #tpu.memory_space<vmem>>, vector<1x1x4096xf32>
    %swap3A_11 = vector.shape_cast %swap3A_10 : vector<1x1x4096xf32> to vector<1x4096xf32>
    %swap3A_12 = vector.shape_cast %reduce_sum3A_7 : vector<1x4096xf32> to vector<1x1x4096xf32>
    tpu.vector_store %arg4[%swap3A, %swap3A_8, %swap3A_9], %swap3A_12 {strides = array<i32>} : memref<1x1x4096xf32, #tpu.memory_space<vmem>>, vector<1x1x4096xf32>,
    return
  }
  func.func @transform_0(%arg0: i32, %arg1: i32) -> (i32, i32, i32) {
    %c0_i32 = arith.constant 0 : i32
    %c0_i32_0 = arith.constant 0 : i32
    return %arg0, %arg1, %c0_i32 : i32, i32, i32
  }
  func.func @transform_1(%arg0: i32, %arg1: i32) -> (i32, i32, i32) {
    %c0_i32 = arith.constant 0 : i32
    %c0_i32_0 = arith.constant 0 : i32
    return %arg0, %arg1, %c0_i32 : i32, i32, i32
  }
  func.func @transform_2(%arg0: i32, %arg1: i32) -> (i32, i32, i32) {
    %c0_i32 = arith.constant 0 : i32
    %c0_i32_0 = arith.constant 0 : i32
    return %arg0, %c0_i32, %arg1 : i32, i32, i32
  }
}

module attributes {stable_mosaic.version = 14 : i64} {
  func.func @_pseudo_body(%arg0: i32, %arg1: i32, %arg2: memref<1x16x64x512xf32, #tpu.memory_space<vmem>>, %arg3: memref<1x64x512xi32, #tpu.memory_space<vmem>>, %arg4: memref<1x1x16x512xi32, #tpu.memory_space<vmem>>) attributes {dimension_semantics = [#tpu.dimension_semantics<parallel>, #tpu.dimension_semantics<parallel>], iteration_bounds = array<i64: 4, 8>, scalar_prefetch = 0 : i64, scratch_operands = 0 : i64, tpu.core_type = #tpu.core_type<tc>, window_params = [{transform_indices = @transform_0, window_bounds = array<i64: 1, 16, 64, 512>}, {transform_indices = @transform_1, window_bounds = array<i64: 1, 64, 512>}, {transform_indices = @transform_2, window_bounds = array<i64: 1, 1, 16, 512>}]} {
    %get3A = arith.constant 0 : index
    %get3A_0 = arith.constant 0 : index
    %get3A_1 = arith.constant 0 : index
    %get3A_2 = arith.constant 0 : index
    %get3A_3 = vector.load %arg2[%get3A, %get3A_0, %get3A_1, %get3A_2] : memref<1x16x64x512xf32, #tpu.memory_space<vmem>>, vector<1x16x1x512xf32>
    %get3A_4 = vector.shape_cast %get3A_3 : vector<1x16x1x512xf32> to vector<16x1x512xf32>
    %get3A_5 = arith.constant 0 : index
    %get3A_6 = arith.constant 0 : index
    %get3A_7 = arith.constant 4 : index
    %get3A_8 = arith.constant 0 : index
    %get3A_9 = vector.load %arg2[%get3A_5, %get3A_6, %get3A_7, %get3A_8] : memref<1x16x64x512xf32, #tpu.memory_space<vmem>>, vector<1x16x1x512xf32>
    %get3A_10 = vector.shape_cast %get3A_9 : vector<1x16x1x512xf32> to vector<16x1x512xf32>
    %get3A_11 = arith.constant 0 : index
    %get3A_12 = arith.constant 0 : index
    %get3A_13 = arith.constant 8 : index
    %get3A_14 = arith.constant 0 : index
    %get3A_15 = vector.load %arg2[%get3A_11, %get3A_12, %get3A_13, %get3A_14] : memref<1x16x64x512xf32, #tpu.memory_space<vmem>>, vector<1x16x1x512xf32>
    %get3A_16 = vector.shape_cast %get3A_15 : vector<1x16x1x512xf32> to vector<16x1x512xf32>
    %get3A_17 = arith.constant 0 : index
    %get3A_18 = arith.constant 0 : index
    %get3A_19 = arith.constant 12 : index
    %get3A_20 = arith.constant 0 : index
    %get3A_21 = vector.load %arg2[%get3A_17, %get3A_18, %get3A_19, %get3A_20] : memref<1x16x64x512xf32, #tpu.memory_space<vmem>>, vector<1x16x1x512xf32>
    %get3A_22 = vector.shape_cast %get3A_21 : vector<1x16x1x512xf32> to vector<16x1x512xf32>
    %get3A_23 = arith.constant 0 : index
    %get3A_24 = arith.constant 0 : index
    %get3A_25 = arith.constant 16 : index
    %get3A_26 = arith.constant 0 : index
    %get3A_27 = vector.load %arg2[%get3A_23, %get3A_24, %get3A_25, %get3A_26] : memref<1x16x64x512xf32, #tpu.memory_space<vmem>>, vector<1x16x1x512xf32>
    %get3A_28 = vector.shape_cast %get3A_27 : vector<1x16x1x512xf32> to vector<16x1x512xf32>
    %get3A_29 = arith.constant 0 : index
    %get3A_30 = arith.constant 0 : index
    %get3A_31 = arith.constant 20 : index
    %get3A_32 = arith.constant 0 : index
    %get3A_33 = vector.load %arg2[%get3A_29, %get3A_30, %get3A_31, %get3A_32] : memref<1x16x64x512xf32, #tpu.memory_space<vmem>>, vector<1x16x1x512xf32>
    %get3A_34 = vector.shape_cast %get3A_33 : vector<1x16x1x512xf32> to vector<16x1x512xf32>
    %get3A_35 = arith.constant 0 : index
    %get3A_36 = arith.constant 0 : index
    %get3A_37 = arith.constant 24 : index
    %get3A_38 = arith.constant 0 : index
    %get3A_39 = vector.load %arg2[%get3A_35, %get3A_36, %get3A_37, %get3A_38] : memref<1x16x64x512xf32, #tpu.memory_space<vmem>>, vector<1x16x1x512xf32>
    %get3A_40 = vector.shape_cast %get3A_39 : vector<1x16x1x512xf32> to vector<16x1x512xf32>
    %get3A_41 = arith.constant 0 : index
    %get3A_42 = arith.constant 0 : index
    %get3A_43 = arith.constant 28 : index
    %get3A_44 = arith.constant 0 : index
    %get3A_45 = vector.load %arg2[%get3A_41, %get3A_42, %get3A_43, %get3A_44] : memref<1x16x64x512xf32, #tpu.memory_space<vmem>>, vector<1x16x1x512xf32>
    %get3A_46 = vector.shape_cast %get3A_45 : vector<1x16x1x512xf32> to vector<16x1x512xf32>
    %get3A_47 = arith.constant 0 : index
    %get3A_48 = arith.constant 0 : index
    %get3A_49 = arith.constant 32 : index
    %get3A_50 = arith.constant 0 : index
    %get3A_51 = vector.load %arg2[%get3A_47, %get3A_48, %get3A_49, %get3A_50] : memref<1x16x64x512xf32, #tpu.memory_space<vmem>>, vector<1x16x1x512xf32>
    %get3A_52 = vector.shape_cast %get3A_51 : vector<1x16x1x512xf32> to vector<16x1x512xf32>
    %get3A_53 = arith.constant 0 : index
    %get3A_54 = arith.constant 0 : index
    %get3A_55 = arith.constant 36 : index
    %get3A_56 = arith.constant 0 : index
    %get3A_57 = vector.load %arg2[%get3A_53, %get3A_54, %get3A_55, %get3A_56] : memref<1x16x64x512xf32, #tpu.memory_space<vmem>>, vector<1x16x1x512xf32>
    %get3A_58 = vector.shape_cast %get3A_57 : vector<1x16x1x512xf32> to vector<16x1x512xf32>
    %get3A_59 = arith.constant 0 : index
    %get3A_60 = arith.constant 0 : index
    %get3A_61 = arith.constant 40 : index
    %get3A_62 = arith.constant 0 : index
    %get3A_63 = vector.load %arg2[%get3A_59, %get3A_60, %get3A_61, %get3A_62] : memref<1x16x64x512xf32, #tpu.memory_space<vmem>>, vector<1x16x1x512xf32>
    %get3A_64 = vector.shape_cast %get3A_63 : vector<1x16x1x512xf32> to vector<16x1x512xf32>
    %get3A_65 = arith.constant 0 : index
    %get3A_66 = arith.constant 0 : index
    %get3A_67 = arith.constant 44 : index
    %get3A_68 = arith.constant 0 : index
    %get3A_69 = vector.load %arg2[%get3A_65, %get3A_66, %get3A_67, %get3A_68] : memref<1x16x64x512xf32, #tpu.memory_space<vmem>>, vector<1x16x1x512xf32>
    %get3A_70 = vector.shape_cast %get3A_69 : vector<1x16x1x512xf32> to vector<16x1x512xf32>
    %get3A_71 = arith.constant 0 : index
    %get3A_72 = arith.constant 0 : index
    %get3A_73 = arith.constant 48 : index
    %get3A_74 = arith.constant 0 : index
    %get3A_75 = vector.load %arg2[%get3A_71, %get3A_72, %get3A_73, %get3A_74] : memref<1x16x64x512xf32, #tpu.memory_space<vmem>>, vector<1x16x1x512xf32>
    %get3A_76 = vector.shape_cast %get3A_75 : vector<1x16x1x512xf32> to vector<16x1x512xf32>
    %get3A_77 = arith.constant 0 : index
    %get3A_78 = arith.constant 0 : index
    %get3A_79 = arith.constant 52 : index
    %get3A_80 = arith.constant 0 : index
    %get3A_81 = vector.load %arg2[%get3A_77, %get3A_78, %get3A_79, %get3A_80] : memref<1x16x64x512xf32, #tpu.memory_space<vmem>>, vector<1x16x1x512xf32>
    %get3A_82 = vector.shape_cast %get3A_81 : vector<1x16x1x512xf32> to vector<16x1x512xf32>
    %get3A_83 = arith.constant 0 : index
    %get3A_84 = arith.constant 0 : index
    %get3A_85 = arith.constant 56 : index
    %get3A_86 = arith.constant 0 : index
    %get3A_87 = vector.load %arg2[%get3A_83, %get3A_84, %get3A_85, %get3A_86] : memref<1x16x64x512xf32, #tpu.memory_space<vmem>>, vector<1x16x1x512xf32>
    %get3A_88 = vector.shape_cast %get3A_87 : vector<1x16x1x512xf32> to vector<16x1x512xf32>
    %get3A_89 = arith.constant 0 : index
    %get3A_90 = arith.constant 0 : index
    %get3A_91 = arith.constant 60 : index
    %get3A_92 = arith.constant 0 : index
    %get3A_93 = vector.load %arg2[%get3A_89, %get3A_90, %get3A_91, %get3A_92] : memref<1x16x64x512xf32, #tpu.memory_space<vmem>>, vector<1x16x1x512xf32>
    %get3A_94 = vector.shape_cast %get3A_93 : vector<1x16x1x512xf32> to vector<16x1x512xf32>
    %concatenate3A = tpu.concatenate %get3A_4, %get3A_10, %get3A_16, %get3A_22, %get3A_28, %get3A_34, %get3A_40, %get3A_46, %get3A_52, %get3A_58, %get3A_64, %get3A_70, %get3A_76, %get3A_82, %get3A_88, %get3A_94 in 1 : vector<16x1x512xf32>, vector<16x1x512xf32>, vector<16x1x512xf32>, vector<16x1x512xf32>, vector<16x1x512xf32>, vector<16x1x512xf32>, vector<16x1x512xf32>, vector<16x1x512xf32>, vector<16x1x512xf32>, vector<16x1x512xf32>, vector<16x1x512xf32>, vector<16x1x512xf32>, vector<16x1x512xf32>, vector<16x1x512xf32>, vector<16x1x512xf32>, vector<16x1x512xf32> -> vector<16x16x512xf32>
    %lt3A = arith.constant 5.000000e-01 : f32
    %lt3A_95 = vector.broadcast %lt3A : f32 to vector<16x16x512xf32>
    %lt3A_96 = arith.cmpf olt, %concatenate3A, %lt3A_95 : vector<16x16x512xf32>
    %jit3A = arith.constant 0.000000e+00 : f32
    %broadcast_in_dim3A = vector.broadcast %jit3A : f32 to vector<16x16x512xf32>
    %select_n3A = arith.select %lt3A_96, %broadcast_in_dim3A, %concatenate3A : vector<16x16x512xi1>, vector<16x16x512xf32>
    %slice3A = vector.extract_strided_slice %select_n3A {offsets = [0, 0, 0], sizes = [1, 16, 512], strides = [1, 1, 1]} : vector<16x16x512xf32> to vector<1x16x512xf32>
    %squeeze3A = vector.shape_cast %slice3A : vector<1x16x512xf32> to vector<16x512xf32>
    %broadcast_in_dim3A_97 = arith.constant 0 : i32
    %broadcast_in_dim3A_98 = vector.broadcast %broadcast_in_dim3A_97 : i32 to vector<16x512xi32>
    %slice3A_99 = vector.extract_strided_slice %select_n3A {offsets = [1, 0, 0], sizes = [1, 16, 512], strides = [1, 1, 1]} : vector<16x16x512xf32> to vector<1x16x512xf32>
    %squeeze3A_100 = vector.shape_cast %slice3A_99 : vector<1x16x512xf32> to vector<16x512xf32>
    %gt3A = arith.cmpf ogt, %squeeze3A_100, %squeeze3A : vector<16x512xf32>
    %slice3A_101 = vector.extract_strided_slice %select_n3A {offsets = [1, 0, 0], sizes = [1, 16, 512], strides = [1, 1, 1]} : vector<16x16x512xf32> to vector<1x16x512xf32>
    %squeeze3A_102 = vector.shape_cast %slice3A_101 : vector<1x16x512xf32> to vector<16x512xf32>
    %select_n3A_103 = arith.select %gt3A, %squeeze3A_102, %squeeze3A : vector<16x512xi1>, vector<16x512xf32>
    %jit3A_104 = arith.constant 1 : i32
    %broadcast_in_dim3A_105 = vector.broadcast %jit3A_104 : i32 to vector<16x512xi32>
    %select_n3A_106 = arith.select %gt3A, %broadcast_in_dim3A_105, %broadcast_in_dim3A_98 : vector<16x512xi1>, vector<16x512xi32>
    %slice3A_107 = vector.extract_strided_slice %select_n3A {offsets = [2, 0, 0], sizes = [1, 16, 512], strides = [1, 1, 1]} : vector<16x16x512xf32> to vector<1x16x512xf32>
    %squeeze3A_108 = vector.shape_cast %slice3A_107 : vector<1x16x512xf32> to vector<16x512xf32>
    %gt3A_109 = arith.cmpf ogt, %squeeze3A_108, %select_n3A_103 : vector<16x512xf32>
    %slice3A_110 = vector.extract_strided_slice %select_n3A {offsets = [2, 0, 0], sizes = [1, 16, 512], strides = [1, 1, 1]} : vector<16x16x512xf32> to vector<1x16x512xf32>
    %squeeze3A_111 = vector.shape_cast %slice3A_110 : vector<1x16x512xf32> to vector<16x512xf32>
    %select_n3A_112 = arith.select %gt3A_109, %squeeze3A_111, %select_n3A_103 : vector<16x512xi1>, vector<16x512xf32>
    %jit3A_113 = arith.constant 2 : i32
    %broadcast_in_dim3A_114 = vector.broadcast %jit3A_113 : i32 to vector<16x512xi32>
    %select_n3A_115 = arith.select %gt3A_109, %broadcast_in_dim3A_114, %select_n3A_106 : vector<16x512xi1>, vector<16x512xi32>
    %slice3A_116 = vector.extract_strided_slice %select_n3A {offsets = [3, 0, 0], sizes = [1, 16, 512], strides = [1, 1, 1]} : vector<16x16x512xf32> to vector<1x16x512xf32>
    %squeeze3A_117 = vector.shape_cast %slice3A_116 : vector<1x16x512xf32> to vector<16x512xf32>
    %gt3A_118 = arith.cmpf ogt, %squeeze3A_117, %select_n3A_112 : vector<16x512xf32>
    %slice3A_119 = vector.extract_strided_slice %select_n3A {offsets = [3, 0, 0], sizes = [1, 16, 512], strides = [1, 1, 1]} : vector<16x16x512xf32> to vector<1x16x512xf32>
    %squeeze3A_120 = vector.shape_cast %slice3A_119 : vector<1x16x512xf32> to vector<16x512xf32>
    %select_n3A_121 = arith.select %gt3A_118, %squeeze3A_120, %select_n3A_112 : vector<16x512xi1>, vector<16x512xf32>
    %jit3A_122 = arith.constant 3 : i32
    %broadcast_in_dim3A_123 = vector.broadcast %jit3A_122 : i32 to vector<16x512xi32>
    %select_n3A_124 = arith.select %gt3A_118, %broadcast_in_dim3A_123, %select_n3A_115 : vector<16x512xi1>, vector<16x512xi32>
    %slice3A_125 = vector.extract_strided_slice %select_n3A {offsets = [4, 0, 0], sizes = [1, 16, 512], strides = [1, 1, 1]} : vector<16x16x512xf32> to vector<1x16x512xf32>
    %squeeze3A_126 = vector.shape_cast %slice3A_125 : vector<1x16x512xf32> to vector<16x512xf32>
    %gt3A_127 = arith.cmpf ogt, %squeeze3A_126, %select_n3A_121 : vector<16x512xf32>
    %slice3A_128 = vector.extract_strided_slice %select_n3A {offsets = [4, 0, 0], sizes = [1, 16, 512], strides = [1, 1, 1]} : vector<16x16x512xf32> to vector<1x16x512xf32>
    %squeeze3A_129 = vector.shape_cast %slice3A_128 : vector<1x16x512xf32> to vector<16x512xf32>
    %select_n3A_130 = arith.select %gt3A_127, %squeeze3A_129, %select_n3A_121 : vector<16x512xi1>, vector<16x512xf32>
    %jit3A_131 = arith.constant 4 : i32
    %broadcast_in_dim3A_132 = vector.broadcast %jit3A_131 : i32 to vector<16x512xi32>
    %select_n3A_133 = arith.select %gt3A_127, %broadcast_in_dim3A_132, %select_n3A_124 : vector<16x512xi1>, vector<16x512xi32>
    %slice3A_134 = vector.extract_strided_slice %select_n3A {offsets = [5, 0, 0], sizes = [1, 16, 512], strides = [1, 1, 1]} : vector<16x16x512xf32> to vector<1x16x512xf32>
    %squeeze3A_135 = vector.shape_cast %slice3A_134 : vector<1x16x512xf32> to vector<16x512xf32>
    %gt3A_136 = arith.cmpf ogt, %squeeze3A_135, %select_n3A_130 : vector<16x512xf32>
    %slice3A_137 = vector.extract_strided_slice %select_n3A {offsets = [5, 0, 0], sizes = [1, 16, 512], strides = [1, 1, 1]} : vector<16x16x512xf32> to vector<1x16x512xf32>
    %squeeze3A_138 = vector.shape_cast %slice3A_137 : vector<1x16x512xf32> to vector<16x512xf32>
    %select_n3A_139 = arith.select %gt3A_136, %squeeze3A_138, %select_n3A_130 : vector<16x512xi1>, vector<16x512xf32>
    %jit3A_140 = arith.constant 5 : i32
    %broadcast_in_dim3A_141 = vector.broadcast %jit3A_140 : i32 to vector<16x512xi32>
    %select_n3A_142 = arith.select %gt3A_136, %broadcast_in_dim3A_141, %select_n3A_133 : vector<16x512xi1>, vector<16x512xi32>
    %slice3A_143 = vector.extract_strided_slice %select_n3A {offsets = [6, 0, 0], sizes = [1, 16, 512], strides = [1, 1, 1]} : vector<16x16x512xf32> to vector<1x16x512xf32>
    %squeeze3A_144 = vector.shape_cast %slice3A_143 : vector<1x16x512xf32> to vector<16x512xf32>
    %gt3A_145 = arith.cmpf ogt, %squeeze3A_144, %select_n3A_139 : vector<16x512xf32>
    %slice3A_146 = vector.extract_strided_slice %select_n3A {offsets = [6, 0, 0], sizes = [1, 16, 512], strides = [1, 1, 1]} : vector<16x16x512xf32> to vector<1x16x512xf32>
    %squeeze3A_147 = vector.shape_cast %slice3A_146 : vector<1x16x512xf32> to vector<16x512xf32>
    %select_n3A_148 = arith.select %gt3A_145, %squeeze3A_147, %select_n3A_139 : vector<16x512xi1>, vector<16x512xf32>
    %jit3A_149 = arith.constant 6 : i32
    %broadcast_in_dim3A_150 = vector.broadcast %jit3A_149 : i32 to vector<16x512xi32>
    %select_n3A_151 = arith.select %gt3A_145, %broadcast_in_dim3A_150, %select_n3A_142 : vector<16x512xi1>, vector<16x512xi32>
    %slice3A_152 = vector.extract_strided_slice %select_n3A {offsets = [7, 0, 0], sizes = [1, 16, 512], strides = [1, 1, 1]} : vector<16x16x512xf32> to vector<1x16x512xf32>
    %squeeze3A_153 = vector.shape_cast %slice3A_152 : vector<1x16x512xf32> to vector<16x512xf32>
    %gt3A_154 = arith.cmpf ogt, %squeeze3A_153, %select_n3A_148 : vector<16x512xf32>
    %slice3A_155 = vector.extract_strided_slice %select_n3A {offsets = [7, 0, 0], sizes = [1, 16, 512], strides = [1, 1, 1]} : vector<16x16x512xf32> to vector<1x16x512xf32>
    %squeeze3A_156 = vector.shape_cast %slice3A_155 : vector<1x16x512xf32> to vector<16x512xf32>
    %select_n3A_157 = arith.select %gt3A_154, %squeeze3A_156, %select_n3A_148 : vector<16x512xi1>, vector<16x512xf32>
    %jit3A_158 = arith.constant 7 : i32
    %broadcast_in_dim3A_159 = vector.broadcast %jit3A_158 : i32 to vector<16x512xi32>
    %select_n3A_160 = arith.select %gt3A_154, %broadcast_in_dim3A_159, %select_n3A_151 : vector<16x512xi1>, vector<16x512xi32>
    %slice3A_161 = vector.extract_strided_slice %select_n3A {offsets = [8, 0, 0], sizes = [1, 16, 512], strides = [1, 1, 1]} : vector<16x16x512xf32> to vector<1x16x512xf32>
    %squeeze3A_162 = vector.shape_cast %slice3A_161 : vector<1x16x512xf32> to vector<16x512xf32>
    %gt3A_163 = arith.cmpf ogt, %squeeze3A_162, %select_n3A_157 : vector<16x512xf32>
    %slice3A_164 = vector.extract_strided_slice %select_n3A {offsets = [8, 0, 0], sizes = [1, 16, 512], strides = [1, 1, 1]} : vector<16x16x512xf32> to vector<1x16x512xf32>
    %squeeze3A_165 = vector.shape_cast %slice3A_164 : vector<1x16x512xf32> to vector<16x512xf32>
    %select_n3A_166 = arith.select %gt3A_163, %squeeze3A_165, %select_n3A_157 : vector<16x512xi1>, vector<16x512xf32>
    %jit3A_167 = arith.constant 8 : i32
    %broadcast_in_dim3A_168 = vector.broadcast %jit3A_167 : i32 to vector<16x512xi32>
    %select_n3A_169 = arith.select %gt3A_163, %broadcast_in_dim3A_168, %select_n3A_160 : vector<16x512xi1>, vector<16x512xi32>
    %slice3A_170 = vector.extract_strided_slice %select_n3A {offsets = [9, 0, 0], sizes = [1, 16, 512], strides = [1, 1, 1]} : vector<16x16x512xf32> to vector<1x16x512xf32>
    %squeeze3A_171 = vector.shape_cast %slice3A_170 : vector<1x16x512xf32> to vector<16x512xf32>
    %gt3A_172 = arith.cmpf ogt, %squeeze3A_171, %select_n3A_166 : vector<16x512xf32>
    %slice3A_173 = vector.extract_strided_slice %select_n3A {offsets = [9, 0, 0], sizes = [1, 16, 512], strides = [1, 1, 1]} : vector<16x16x512xf32> to vector<1x16x512xf32>
    %squeeze3A_174 = vector.shape_cast %slice3A_173 : vector<1x16x512xf32> to vector<16x512xf32>
    %select_n3A_175 = arith.select %gt3A_172, %squeeze3A_174, %select_n3A_166 : vector<16x512xi1>, vector<16x512xf32>
    %jit3A_176 = arith.constant 9 : i32
    %broadcast_in_dim3A_177 = vector.broadcast %jit3A_176 : i32 to vector<16x512xi32>
    %select_n3A_178 = arith.select %gt3A_172, %broadcast_in_dim3A_177, %select_n3A_169 : vector<16x512xi1>, vector<16x512xi32>
    %slice3A_179 = vector.extract_strided_slice %select_n3A {offsets = [10, 0, 0], sizes = [1, 16, 512], strides = [1, 1, 1]} : vector<16x16x512xf32> to vector<1x16x512xf32>
    %squeeze3A_180 = vector.shape_cast %slice3A_179 : vector<1x16x512xf32> to vector<16x512xf32>
    %gt3A_181 = arith.cmpf ogt, %squeeze3A_180, %select_n3A_175 : vector<16x512xf32>
    %slice3A_182 = vector.extract_strided_slice %select_n3A {offsets = [10, 0, 0], sizes = [1, 16, 512], strides = [1, 1, 1]} : vector<16x16x512xf32> to vector<1x16x512xf32>
    %squeeze3A_183 = vector.shape_cast %slice3A_182 : vector<1x16x512xf32> to vector<16x512xf32>
    %select_n3A_184 = arith.select %gt3A_181, %squeeze3A_183, %select_n3A_175 : vector<16x512xi1>, vector<16x512xf32>
    %jit3A_185 = arith.constant 10 : i32
    %broadcast_in_dim3A_186 = vector.broadcast %jit3A_185 : i32 to vector<16x512xi32>
    %select_n3A_187 = arith.select %gt3A_181, %broadcast_in_dim3A_186, %select_n3A_178 : vector<16x512xi1>, vector<16x512xi32>
    %slice3A_188 = vector.extract_strided_slice %select_n3A {offsets = [11, 0, 0], sizes = [1, 16, 512], strides = [1, 1, 1]} : vector<16x16x512xf32> to vector<1x16x512xf32>
    %squeeze3A_189 = vector.shape_cast %slice3A_188 : vector<1x16x512xf32> to vector<16x512xf32>
    %gt3A_190 = arith.cmpf ogt, %squeeze3A_189, %select_n3A_184 : vector<16x512xf32>
    %slice3A_191 = vector.extract_strided_slice %select_n3A {offsets = [11, 0, 0], sizes = [1, 16, 512], strides = [1, 1, 1]} : vector<16x16x512xf32> to vector<1x16x512xf32>
    %squeeze3A_192 = vector.shape_cast %slice3A_191 : vector<1x16x512xf32> to vector<16x512xf32>
    %select_n3A_193 = arith.select %gt3A_190, %squeeze3A_192, %select_n3A_184 : vector<16x512xi1>, vector<16x512xf32>
    %jit3A_194 = arith.constant 11 : i32
    %broadcast_in_dim3A_195 = vector.broadcast %jit3A_194 : i32 to vector<16x512xi32>
    %select_n3A_196 = arith.select %gt3A_190, %broadcast_in_dim3A_195, %select_n3A_187 : vector<16x512xi1>, vector<16x512xi32>
    %slice3A_197 = vector.extract_strided_slice %select_n3A {offsets = [12, 0, 0], sizes = [1, 16, 512], strides = [1, 1, 1]} : vector<16x16x512xf32> to vector<1x16x512xf32>
    %squeeze3A_198 = vector.shape_cast %slice3A_197 : vector<1x16x512xf32> to vector<16x512xf32>
    %gt3A_199 = arith.cmpf ogt, %squeeze3A_198, %select_n3A_193 : vector<16x512xf32>
    %slice3A_200 = vector.extract_strided_slice %select_n3A {offsets = [12, 0, 0], sizes = [1, 16, 512], strides = [1, 1, 1]} : vector<16x16x512xf32> to vector<1x16x512xf32>
    %squeeze3A_201 = vector.shape_cast %slice3A_200 : vector<1x16x512xf32> to vector<16x512xf32>
    %select_n3A_202 = arith.select %gt3A_199, %squeeze3A_201, %select_n3A_193 : vector<16x512xi1>, vector<16x512xf32>
    %jit3A_203 = arith.constant 12 : i32
    %broadcast_in_dim3A_204 = vector.broadcast %jit3A_203 : i32 to vector<16x512xi32>
    %select_n3A_205 = arith.select %gt3A_199, %broadcast_in_dim3A_204, %select_n3A_196 : vector<16x512xi1>, vector<16x512xi32>
    %slice3A_206 = vector.extract_strided_slice %select_n3A {offsets = [13, 0, 0], sizes = [1, 16, 512], strides = [1, 1, 1]} : vector<16x16x512xf32> to vector<1x16x512xf32>
    %squeeze3A_207 = vector.shape_cast %slice3A_206 : vector<1x16x512xf32> to vector<16x512xf32>
    %gt3A_208 = arith.cmpf ogt, %squeeze3A_207, %select_n3A_202 : vector<16x512xf32>
    %slice3A_209 = vector.extract_strided_slice %select_n3A {offsets = [13, 0, 0], sizes = [1, 16, 512], strides = [1, 1, 1]} : vector<16x16x512xf32> to vector<1x16x512xf32>
    %squeeze3A_210 = vector.shape_cast %slice3A_209 : vector<1x16x512xf32> to vector<16x512xf32>
    %select_n3A_211 = arith.select %gt3A_208, %squeeze3A_210, %select_n3A_202 : vector<16x512xi1>, vector<16x512xf32>
    %jit3A_212 = arith.constant 13 : i32
    %broadcast_in_dim3A_213 = vector.broadcast %jit3A_212 : i32 to vector<16x512xi32>
    %select_n3A_214 = arith.select %gt3A_208, %broadcast_in_dim3A_213, %select_n3A_205 : vector<16x512xi1>, vector<16x512xi32>
    %slice3A_215 = vector.extract_strided_slice %select_n3A {offsets = [14, 0, 0], sizes = [1, 16, 512], strides = [1, 1, 1]} : vector<16x16x512xf32> to vector<1x16x512xf32>
    %squeeze3A_216 = vector.shape_cast %slice3A_215 : vector<1x16x512xf32> to vector<16x512xf32>
    %gt3A_217 = arith.cmpf ogt, %squeeze3A_216, %select_n3A_211 : vector<16x512xf32>
    %slice3A_218 = vector.extract_strided_slice %select_n3A {offsets = [14, 0, 0], sizes = [1, 16, 512], strides = [1, 1, 1]} : vector<16x16x512xf32> to vector<1x16x512xf32>
    %squeeze3A_219 = vector.shape_cast %slice3A_218 : vector<1x16x512xf32> to vector<16x512xf32>
    %select_n3A_220 = arith.select %gt3A_217, %squeeze3A_219, %select_n3A_211 : vector<16x512xi1>, vector<16x512xf32>
    %jit3A_221 = arith.constant 14 : i32
    %broadcast_in_dim3A_222 = vector.broadcast %jit3A_221 : i32 to vector<16x512xi32>
    %select_n3A_223 = arith.select %gt3A_217, %broadcast_in_dim3A_222, %select_n3A_214 : vector<16x512xi1>, vector<16x512xi32>
    %slice3A_224 = vector.extract_strided_slice %select_n3A {offsets = [15, 0, 0], sizes = [1, 16, 512], strides = [1, 1, 1]} : vector<16x16x512xf32> to vector<1x16x512xf32>
    %squeeze3A_225 = vector.shape_cast %slice3A_224 : vector<1x16x512xf32> to vector<16x512xf32>
    %gt3A_226 = arith.cmpf ogt, %squeeze3A_225, %select_n3A_220 : vector<16x512xf32>
    %jit3A_227 = arith.constant 15 : i32
    %broadcast_in_dim3A_228 = vector.broadcast %jit3A_227 : i32 to vector<16x512xi32>
    %select_n3A_229 = arith.select %gt3A_226, %broadcast_in_dim3A_228, %select_n3A_223 : vector<16x512xi1>, vector<16x512xi32>
    %get3A_230 = arith.constant 0 : index
    %get3A_231 = arith.constant 0 : index
    %get3A_232 = arith.constant 0 : index
    %get3A_233 = vector.load %arg3[%get3A_230, %get3A_231, %get3A_232] : memref<1x64x512xi32, #tpu.memory_space<vmem>>, vector<1x1x512xi32>
    %get3A_234 = vector.shape_cast %get3A_233 : vector<1x1x512xi32> to vector<1x512xi32>
    %get3A_235 = arith.constant 0 : index
    %get3A_236 = arith.constant 4 : index
    %get3A_237 = arith.constant 0 : index
    %get3A_238 = vector.load %arg3[%get3A_235, %get3A_236, %get3A_237] : memref<1x64x512xi32, #tpu.memory_space<vmem>>, vector<1x1x512xi32>
    %get3A_239 = vector.shape_cast %get3A_238 : vector<1x1x512xi32> to vector<1x512xi32>
    %get3A_240 = arith.constant 0 : index
    %get3A_241 = arith.constant 8 : index
    %get3A_242 = arith.constant 0 : index
    %get3A_243 = vector.load %arg3[%get3A_240, %get3A_241, %get3A_242] : memref<1x64x512xi32, #tpu.memory_space<vmem>>, vector<1x1x512xi32>
    %get3A_244 = vector.shape_cast %get3A_243 : vector<1x1x512xi32> to vector<1x512xi32>
    %get3A_245 = arith.constant 0 : index
    %get3A_246 = arith.constant 12 : index
    %get3A_247 = arith.constant 0 : index
    %get3A_248 = vector.load %arg3[%get3A_245, %get3A_246, %get3A_247] : memref<1x64x512xi32, #tpu.memory_space<vmem>>, vector<1x1x512xi32>
    %get3A_249 = vector.shape_cast %get3A_248 : vector<1x1x512xi32> to vector<1x512xi32>
    %get3A_250 = arith.constant 0 : index
    %get3A_251 = arith.constant 16 : index
    %get3A_252 = arith.constant 0 : index
    %get3A_253 = vector.load %arg3[%get3A_250, %get3A_251, %get3A_252] : memref<1x64x512xi32, #tpu.memory_space<vmem>>, vector<1x1x512xi32>
    %get3A_254 = vector.shape_cast %get3A_253 : vector<1x1x512xi32> to vector<1x512xi32>
    %get3A_255 = arith.constant 0 : index
    %get3A_256 = arith.constant 20 : index
    %get3A_257 = arith.constant 0 : index
    %get3A_258 = vector.load %arg3[%get3A_255, %get3A_256, %get3A_257] : memref<1x64x512xi32, #tpu.memory_space<vmem>>, vector<1x1x512xi32>
    %get3A_259 = vector.shape_cast %get3A_258 : vector<1x1x512xi32> to vector<1x512xi32>
    %get3A_260 = arith.constant 0 : index
    %get3A_261 = arith.constant 24 : index
    %get3A_262 = arith.constant 0 : index
    %get3A_263 = vector.load %arg3[%get3A_260, %get3A_261, %get3A_262] : memref<1x64x512xi32, #tpu.memory_space<vmem>>, vector<1x1x512xi32>
    %get3A_264 = vector.shape_cast %get3A_263 : vector<1x1x512xi32> to vector<1x512xi32>
    %get3A_265 = arith.constant 0 : index
    %get3A_266 = arith.constant 28 : index
    %get3A_267 = arith.constant 0 : index
    %get3A_268 = vector.load %arg3[%get3A_265, %get3A_266, %get3A_267] : memref<1x64x512xi32, #tpu.memory_space<vmem>>, vector<1x1x512xi32>
    %get3A_269 = vector.shape_cast %get3A_268 : vector<1x1x512xi32> to vector<1x512xi32>
    %get3A_270 = arith.constant 0 : index
    %get3A_271 = arith.constant 32 : index
    %get3A_272 = arith.constant 0 : index
    %get3A_273 = vector.load %arg3[%get3A_270, %get3A_271, %get3A_272] : memref<1x64x512xi32, #tpu.memory_space<vmem>>, vector<1x1x512xi32>
    %get3A_274 = vector.shape_cast %get3A_273 : vector<1x1x512xi32> to vector<1x512xi32>
    %get3A_275 = arith.constant 0 : index
    %get3A_276 = arith.constant 36 : index
    %get3A_277 = arith.constant 0 : index
    %get3A_278 = vector.load %arg3[%get3A_275, %get3A_276, %get3A_277] : memref<1x64x512xi32, #tpu.memory_space<vmem>>, vector<1x1x512xi32>
    %get3A_279 = vector.shape_cast %get3A_278 : vector<1x1x512xi32> to vector<1x512xi32>
    %get3A_280 = arith.constant 0 : index
    %get3A_281 = arith.constant 40 : index
    %get3A_282 = arith.constant 0 : index
    %get3A_283 = vector.load %arg3[%get3A_280, %get3A_281, %get3A_282] : memref<1x64x512xi32, #tpu.memory_space<vmem>>, vector<1x1x512xi32>
    %get3A_284 = vector.shape_cast %get3A_283 : vector<1x1x512xi32> to vector<1x512xi32>
    %get3A_285 = arith.constant 0 : index
    %get3A_286 = arith.constant 44 : index
    %get3A_287 = arith.constant 0 : index
    %get3A_288 = vector.load %arg3[%get3A_285, %get3A_286, %get3A_287] : memref<1x64x512xi32, #tpu.memory_space<vmem>>, vector<1x1x512xi32>
    %get3A_289 = vector.shape_cast %get3A_288 : vector<1x1x512xi32> to vector<1x512xi32>
    %get3A_290 = arith.constant 0 : index
    %get3A_291 = arith.constant 48 : index
    %get3A_292 = arith.constant 0 : index
    %get3A_293 = vector.load %arg3[%get3A_290, %get3A_291, %get3A_292] : memref<1x64x512xi32, #tpu.memory_space<vmem>>, vector<1x1x512xi32>
    %get3A_294 = vector.shape_cast %get3A_293 : vector<1x1x512xi32> to vector<1x512xi32>
    %get3A_295 = arith.constant 0 : index
    %get3A_296 = arith.constant 52 : index
    %get3A_297 = arith.constant 0 : index
    %get3A_298 = vector.load %arg3[%get3A_295, %get3A_296, %get3A_297] : memref<1x64x512xi32, #tpu.memory_space<vmem>>, vector<1x1x512xi32>
    %get3A_299 = vector.shape_cast %get3A_298 : vector<1x1x512xi32> to vector<1x512xi32>
    %get3A_300 = arith.constant 0 : index
    %get3A_301 = arith.constant 56 : index
    %get3A_302 = arith.constant 0 : index
    %get3A_303 = vector.load %arg3[%get3A_300, %get3A_301, %get3A_302] : memref<1x64x512xi32, #tpu.memory_space<vmem>>, vector<1x1x512xi32>
    %get3A_304 = vector.shape_cast %get3A_303 : vector<1x1x512xi32> to vector<1x512xi32>
    %get3A_305 = arith.constant 0 : index
    %get3A_306 = arith.constant 60 : index
    %get3A_307 = arith.constant 0 : index
    %get3A_308 = vector.load %arg3[%get3A_305, %get3A_306, %get3A_307] : memref<1x64x512xi32, #tpu.memory_space<vmem>>, vector<1x1x512xi32>
    %get3A_309 = vector.shape_cast %get3A_308 : vector<1x1x512xi32> to vector<1x512xi32>
    %concatenate3A_310 = tpu.concatenate %get3A_234, %get3A_239, %get3A_244, %get3A_249, %get3A_254, %get3A_259, %get3A_264, %get3A_269, %get3A_274, %get3A_279, %get3A_284, %get3A_289, %get3A_294, %get3A_299, %get3A_304, %get3A_309 in 0 : vector<1x512xi32>, vector<1x512xi32>, vector<1x512xi32>, vector<1x512xi32>, vector<1x512xi32>, vector<1x512xi32>, vector<1x512xi32>, vector<1x512xi32>, vector<1x512xi32>, vector<1x512xi32>, vector<1x512xi32>, vector<1x512xi32>, vector<1x512xi32>, vector<1x512xi32>, vector<1x512xi32>, vector<1x512xi32> -> vector<16x512xi32>
    %eq3A = arith.constant 0 : i32
    %eq3A_311 = vector.broadcast %eq3A : i32 to vector<16x512xi32>
    %eq3A_312 = arith.cmpi eq, %concatenate3A_310, %eq3A_311 : vector<16x512xi32>
    %select_n3A_313 = arith.select %eq3A_312, %select_n3A_229, %concatenate3A_310 : vector<16x512xi1>, vector<16x512xi32>
    %swap3A = arith.constant 0 : index
    %swap3A_314 = arith.constant 0 : index
    %swap3A_315 = arith.constant 0 : index
    %swap3A_316 = arith.constant 0 : index
    %swap3A_317 = vector.load %arg4[%swap3A, %swap3A_314, %swap3A_315, %swap3A_316] : memref<1x1x16x512xi32, #tpu.memory_space<vmem>>, vector<1x1x16x512xi32>
    %swap3A_318 = vector.shape_cast %swap3A_317 : vector<1x1x16x512xi32> to vector<16x512xi32>
    %swap3A_319 = vector.shape_cast %select_n3A_313 : vector<16x512xi32> to vector<1x1x16x512xi32>
    tpu.vector_store %arg4[%swap3A, %swap3A_314, %swap3A_315, %swap3A_316], %swap3A_319 {strides = array<i32>} : memref<1x1x16x512xi32, #tpu.memory_space<vmem>>, vector<1x1x16x512xi32>,
    return
  }
  func.func @transform_0(%arg0: i32, %arg1: i32) -> (i32, i32, i32, i32) {
    %c0_i32 = arith.constant 0 : i32
    %c0_i32_0 = arith.constant 0 : i32
    %c0_i32_1 = arith.constant 0 : i32
    return %arg0, %c0_i32, %arg1, %c0_i32_0 : i32, i32, i32, i32
  }
  func.func @transform_1(%arg0: i32, %arg1: i32) -> (i32, i32, i32) {
    %c0_i32 = arith.constant 0 : i32
    %c0_i32_0 = arith.constant 0 : i32
    return %arg0, %arg1, %c0_i32 : i32, i32, i32
  }
  func.func @transform_2(%arg0: i32, %arg1: i32) -> (i32, i32, i32, i32) {
    %c0_i32 = arith.constant 0 : i32
    %c0_i32_0 = arith.constant 0 : i32
    %c0_i32_1 = arith.constant 0 : i32
    return %arg0, %arg1, %c0_i32, %c0_i32_0 : i32, i32, i32, i32
  }
}

module attributes {stable_mosaic.version = 14 : i64} {
  func.func @_dsum_body(%arg0: i32, %arg1: i32, %arg2: memref<1x64x128x128xf32, #tpu.memory_space<vmem>>, %arg3: memref<1x64x128x128xf32, #tpu.memory_space<vmem>>, %arg4: memref<1x1x128x128xf32, #tpu.memory_space<vmem>>) attributes {dimension_semantics = [#tpu.dimension_semantics<parallel>, #tpu.dimension_semantics<arbitrary>], iteration_bounds = array<i64: 4, 2>, scalar_prefetch = 0 : i64, scratch_operands = 0 : i64, tpu.core_type = #tpu.core_type<tc>, window_params = [{transform_indices = @transform_0, window_bounds = array<i64: 1, 64, 128, 128>}, {transform_indices = @transform_1, window_bounds = array<i64: 1, 64, 128, 128>}, {transform_indices = @transform_2, window_bounds = array<i64: 1, 1, 128, 128>}]} {
    %eq3A = arith.constant 0 : i32
    %eq3A_0 = arith.cmpi eq, %arg1, %eq3A : i32
    %convert_element_type3A = arith.extui %eq3A_0 : i1 to i32
    %cond3A = arith.constant 0 : i32
    %cond3A_1 = arith.cmpi ne, %convert_element_type3A, %cond3A : i32
    scf.if %cond3A_1 {
      %broadcast_in_dim3A_21 = arith.constant 0.000000e+00 : f32
      %broadcast_in_dim3A_22 = vector.broadcast %broadcast_in_dim3A_21 : f32 to vector<1x1x128x128xf32>
      %swap3A_23 = arith.constant 0 : index
      %swap3A_24 = arith.constant 0 : index
      %swap3A_25 = arith.constant 0 : index
      %swap3A_26 = arith.constant 0 : index
      %swap3A_27 = vector.load %arg4[%swap3A_23, %swap3A_24, %swap3A_25, %swap3A_26] : memref<1x1x128x128xf32, #tpu.memory_space<vmem>>, vector<1x1x128x128xf32>
      tpu.vector_store %arg4[%swap3A_23, %swap3A_24, %swap3A_25, %swap3A_26], %broadcast_in_dim3A_22 {strides = array<i32>} : memref<1x1x128x128xf32, #tpu.memory_space<vmem>>, vector<1x1x128x128xf32>,
    } else {
    }
    %get3A = arith.constant 0 : index
    %get3A_2 = arith.constant 0 : index
    %get3A_3 = arith.constant 0 : index
    %get3A_4 = arith.constant 0 : index
    %get3A_5 = vector.load %arg2[%get3A, %get3A_2, %get3A_3, %get3A_4] : memref<1x64x128x128xf32, #tpu.memory_space<vmem>>, vector<1x64x128x128xf32>
    %get3A_6 = arith.constant 0 : index
    %get3A_7 = arith.constant 0 : index
    %get3A_8 = arith.constant 0 : index
    %get3A_9 = arith.constant 0 : index
    %get3A_10 = vector.load %arg3[%get3A_6, %get3A_7, %get3A_8, %get3A_9] : memref<1x64x128x128xf32, #tpu.memory_space<vmem>>, vector<1x64x128x128xf32>
    %sub3A = arith.subf %get3A_5, %get3A_10 : vector<1x64x128x128xf32>
    %get3A_11 = arith.constant 0 : index
    %get3A_12 = arith.constant 0 : index
    %get3A_13 = arith.constant 0 : index
    %get3A_14 = arith.constant 0 : index
    %get3A_15 = vector.load %arg4[%get3A_11, %get3A_12, %get3A_13, %get3A_14] : memref<1x1x128x128xf32, #tpu.memory_space<vmem>>, vector<1x1x128x128xf32>
    %mul3A = arith.mulf %sub3A, %sub3A : vector<1x64x128x128xf32>
    %reduce_sum3A = arith.constant dense<0.000000e+00> : vector<1x128x128xf32>
    %reduce_sum3A_16 = vector.multi_reduction <add>, %mul3A, %reduce_sum3A [1] : vector<1x64x128x128xf32> to vector<1x128x128xf32>
    %broadcast_in_dim3A = vector.shape_cast %reduce_sum3A_16 : vector<1x128x128xf32> to vector<1x1x128x128xf32>
    %add3A = arith.addf %get3A_15, %broadcast_in_dim3A : vector<1x1x128x128xf32>
    %swap3A = arith.constant 0 : index
    %swap3A_17 = arith.constant 0 : index
    %swap3A_18 = arith.constant 0 : index
    %swap3A_19 = arith.constant 0 : index
    %swap3A_20 = vector.load %arg4[%swap3A, %swap3A_17, %swap3A_18, %swap3A_19] : memref<1x1x128x128xf32, #tpu.memory_space<vmem>>, vector<1x1x128x128xf32>
    tpu.vector_store %arg4[%swap3A, %swap3A_17, %swap3A_18, %swap3A_19], %add3A {strides = array<i32>} : memref<1x1x128x128xf32, #tpu.memory_space<vmem>>, vector<1x1x128x128xf32>,
    return
  }
  func.func @transform_0(%arg0: i32, %arg1: i32) -> (i32, i32, i32, i32) {
    %c0_i32 = arith.constant 0 : i32
    %c0_i32_0 = arith.constant 0 : i32
    %c0_i32_1 = arith.constant 0 : i32
    return %arg0, %arg1, %c0_i32, %c0_i32_0 : i32, i32, i32, i32
  }
  func.func @transform_1(%arg0: i32, %arg1: i32) -> (i32, i32, i32, i32) {
    %c0_i32 = arith.constant 0 : i32
    %c0_i32_0 = arith.constant 0 : i32
    %c0_i32_1 = arith.constant 0 : i32
    return %arg0, %arg1, %c0_i32, %c0_i32_0 : i32, i32, i32, i32
  }
  func.func @transform_2(%arg0: i32, %arg1: i32) -> (i32, i32, i32, i32) {
    %c0_i32 = arith.constant 0 : i32
    %c0_i32_0 = arith.constant 0 : i32
    %c0_i32_1 = arith.constant 0 : i32
    %c0_i32_2 = arith.constant 0 : i32
    return %arg0, %c0_i32, %c0_i32_0, %c0_i32_1 : i32, i32, i32, i32
  }
}

module attributes {stable_mosaic.version = 14 : i64} {
  func.func @_dsum_cl_body(%arg0: i32, %arg1: i32, %arg2: memref<1x1024x512xf32, #tpu.memory_space<vmem>>, %arg3: memref<1x1024x512xf32, #tpu.memory_space<vmem>>, %arg4: memref<1x1x1024xf32, #tpu.memory_space<vmem>>) attributes {dimension_semantics = [#tpu.dimension_semantics<parallel>, #tpu.dimension_semantics<parallel>], iteration_bounds = array<i64: 4, 1>, scalar_prefetch = 0 : i64, scratch_operands = 0 : i64, tpu.core_type = #tpu.core_type<tc>, window_params = [{transform_indices = @transform_0, window_bounds = array<i64: 1, 1024, 512>}, {transform_indices = @transform_1, window_bounds = array<i64: 1, 1024, 512>}, {transform_indices = @transform_2, window_bounds = array<i64: 1, 1, 1024>}]} {
    %get3A = arith.constant 0 : index
    %get3A_0 = arith.constant 0 : index
    %get3A_1 = arith.constant 0 : index
    %get3A_2 = vector.load %arg2[%get3A, %get3A_0, %get3A_1] : memref<1x1024x512xf32, #tpu.memory_space<vmem>>, vector<1x1024x512xf32>
    %get3A_3 = arith.constant 0 : index
    %get3A_4 = arith.constant 0 : index
    %get3A_5 = arith.constant 0 : index
    %get3A_6 = vector.load %arg3[%get3A_3, %get3A_4, %get3A_5] : memref<1x1024x512xf32, #tpu.memory_space<vmem>>, vector<1x1024x512xf32>
    %sub3A = arith.subf %get3A_2, %get3A_6 : vector<1x1024x512xf32>
    %mul3A = arith.mulf %sub3A, %sub3A : vector<1x1024x512xf32>
    %reduce_sum3A = arith.constant dense<0.000000e+00> : vector<1x1024xf32>
    %reduce_sum3A_7 = vector.multi_reduction <add>, %mul3A, %reduce_sum3A [2] : vector<1x1024x512xf32> to vector<1x1024xf32>
    %swap3A = arith.constant 0 : index
    %swap3A_8 = arith.constant 0 : index
    %swap3A_9 = arith.constant 0 : index
    %swap3A_10 = vector.load %arg4[%swap3A, %swap3A_8, %swap3A_9] : memref<1x1x1024xf32, #tpu.memory_space<vmem>>, vector<1x1x1024xf32>
    %swap3A_11 = vector.shape_cast %swap3A_10 : vector<1x1x1024xf32> to vector<1x1024xf32>
    %swap3A_12 = vector.shape_cast %reduce_sum3A_7 : vector<1x1024xf32> to vector<1x1x1024xf32>
    tpu.vector_store %arg4[%swap3A, %swap3A_8, %swap3A_9], %swap3A_12 {strides = array<i32>} : memref<1x1x1024xf32, #tpu.memory_space<vmem>>, vector<1x1x1024xf32>,
    return
  }
  func.func @transform_0(%arg0: i32, %arg1: i32) -> (i32, i32, i32) {
    %c0_i32 = arith.constant 0 : i32
    %c0_i32_0 = arith.constant 0 : i32
    return %arg0, %arg1, %c0_i32 : i32, i32, i32
  }
  func.func @transform_1(%arg0: i32, %arg1: i32) -> (i32, i32, i32) {
    %c0_i32 = arith.constant 0 : i32
    %c0_i32_0 = arith.constant 0 : i32
    return %arg0, %arg1, %c0_i32 : i32, i32, i32
  }
  func.func @transform_2(%arg0: i32, %arg1: i32) -> (i32, i32, i32) {
    %c0_i32 = arith.constant 0 : i32
    %c0_i32_0 = arith.constant 0 : i32
    return %arg0, %c0_i32, %arg1 : i32, i32, i32
  }
}

module attributes {stable_mosaic.version = 14 : i64} {
  func.func @_dsum_cl_body(%arg0: i32, %arg1: i32, %arg2: memref<1x256x512xf32, #tpu.memory_space<vmem>>, %arg3: memref<1x256x512xf32, #tpu.memory_space<vmem>>, %arg4: memref<1x1x256xf32, #tpu.memory_space<vmem>>) attributes {dimension_semantics = [#tpu.dimension_semantics<parallel>, #tpu.dimension_semantics<parallel>], iteration_bounds = array<i64: 4, 1>, scalar_prefetch = 0 : i64, scratch_operands = 0 : i64, tpu.core_type = #tpu.core_type<tc>, window_params = [{transform_indices = @transform_0, window_bounds = array<i64: 1, 256, 512>}, {transform_indices = @transform_1, window_bounds = array<i64: 1, 256, 512>}, {transform_indices = @transform_2, window_bounds = array<i64: 1, 1, 256>}]} {
    %get3A = arith.constant 0 : index
    %get3A_0 = arith.constant 0 : index
    %get3A_1 = arith.constant 0 : index
    %get3A_2 = vector.load %arg2[%get3A, %get3A_0, %get3A_1] : memref<1x256x512xf32, #tpu.memory_space<vmem>>, vector<1x256x512xf32>
    %get3A_3 = arith.constant 0 : index
    %get3A_4 = arith.constant 0 : index
    %get3A_5 = arith.constant 0 : index
    %get3A_6 = vector.load %arg3[%get3A_3, %get3A_4, %get3A_5] : memref<1x256x512xf32, #tpu.memory_space<vmem>>, vector<1x256x512xf32>
    %sub3A = arith.subf %get3A_2, %get3A_6 : vector<1x256x512xf32>
    %mul3A = arith.mulf %sub3A, %sub3A : vector<1x256x512xf32>
    %reduce_sum3A = arith.constant dense<0.000000e+00> : vector<1x256xf32>
    %reduce_sum3A_7 = vector.multi_reduction <add>, %mul3A, %reduce_sum3A [2] : vector<1x256x512xf32> to vector<1x256xf32>
    %swap3A = arith.constant 0 : index
    %swap3A_8 = arith.constant 0 : index
    %swap3A_9 = arith.constant 0 : index
    %swap3A_10 = vector.load %arg4[%swap3A, %swap3A_8, %swap3A_9] : memref<1x1x256xf32, #tpu.memory_space<vmem>>, vector<1x1x256xf32>
    %swap3A_11 = vector.shape_cast %swap3A_10 : vector<1x1x256xf32> to vector<1x256xf32>
    %swap3A_12 = vector.shape_cast %reduce_sum3A_7 : vector<1x256xf32> to vector<1x1x256xf32>
    tpu.vector_store %arg4[%swap3A, %swap3A_8, %swap3A_9], %swap3A_12 {strides = array<i32>} : memref<1x1x256xf32, #tpu.memory_space<vmem>>, vector<1x1x256xf32>,
    return
  }
  func.func @transform_0(%arg0: i32, %arg1: i32) -> (i32, i32, i32) {
    %c0_i32 = arith.constant 0 : i32
    %c0_i32_0 = arith.constant 0 : i32
    return %arg0, %arg1, %c0_i32 : i32, i32, i32
  }
  func.func @transform_1(%arg0: i32, %arg1: i32) -> (i32, i32, i32) {
    %c0_i32 = arith.constant 0 : i32
    %c0_i32_0 = arith.constant 0 : i32
    return %arg0, %arg1, %c0_i32 : i32, i32, i32
  }
  func.func @transform_2(%arg0: i32, %arg1: i32) -> (i32, i32, i32) {
    %c0_i32 = arith.constant 0 : i32
    %c0_i32_0 = arith.constant 0 : i32
    return %arg0, %c0_i32, %arg1 : i32, i32, i32
  }
}

</mosaic_0001>

<sc_bundles>
// kernel: kernel.12.cloned.1.call-start
scs
__scs_entry_jumppad:
0x0: {  	(pc) =	sbr.rel $0x88, $3  }
0x1: {  	(tag) =	ssettag $0x0;
	lr =	simm.s32 $0x1  }
0x2: {  	[smem:$0x3F97] =	sst lr;
	_ =	strace $0xD0000000  }
0x3: {  	_ = 	snop  }
0x4: {  	_ = 	snop  }
0x5: {  	_ = 	snop  }
0x6: {  	_ = 	snop  }
0x7: {  	_ = 	snop  }
__scs_overlays_trampoline_lowered:
0x8: {  	[smem:$0x3FA6] =	sst s0  }
0x9: {  	[smem:$0x3FA7] =	sst s1  }
0xa: {  	[smem:$0x3FA8] =	sst s2  }
0xb: {  	[smem:$0x3FA9] =	sst s3  }
0xc: {  	[smem:$0x3FAA] =	sst s4  }
0xd: {  	[smem:$0x3FAB] =	sst s5  }
0xe: {  	[smem:$0x3FAC] =	sst s6  }
0xf: {  	[smem:$0x3FAD] =	sst s7  }
0x10: {  	[smem:$0x3FAE] =	sst s8  }
0x11: {  	[smem:$0x3FAF] =	sst s9;
	s0 =	simm.s32 @!p0 $0x0  }
0x12: {  	s1 =	sld [smem:$0x3F95];
	s0 =	simm.s32 @p0 $0x1  }
0x13: {  	[smem:$0x3FB0] =	sst s0;
	s0 =	simm.s32 @!p1 $0x0  }
0x14: {  	s2 =	sld [smem:$0x3F94];
	s0 =	simm.s32 @p1 $0x1  }
0x15: {  	[smem:$0x3FB1] =	sst s0;
	s0 =	simm.s32 @!p2 $0x0  }
0x16: {  	s3 =	sld [smem:$0x3FDB];
	s0 =	simm.s32 @p2 $0x1  }
0x17: {  	s4 =	simm.s32 $0x1BF5;
	[smem:$0x3FB3] =	sst s0  }
0x18: {  	s0 =	sld [smem:$0x3F96];
	_ =	swait.ge [sflag:s4], $0x0  }
0x19: {  	s7 =	sld [smem:$0x3F97]  }
0x1a: {  	s8 =	sadd.s32 $0xFFFFE003, lr  }
0x1b: {  	s9 =	sadd.s32 $0xFFFFFEF7, lr;
	s5 =	simm.s32 $0xFFFFFFFF;
	p2 =	slt.u32 s8, $0xFFFFF086  }
0x1c: {  	p1 =	slt.u32 s9, $0xF7A;
	s5 =	simm.s32 @!p2 $0x0  }
0x1d: {  	s5 =	simm.s32 @p1 $0x1;
	p0 =	seq.s32 s7, s2  }
0x1e: {  	s7 =	smul.u32 @!p0 $0xF7A, s2;
	p2 =	seq.s32 @!p0 s5, $0x0  }
0x1f: {  	s9 =	smul.u32 $0xF7A, s1;
	s8 =	simm.s32 @!p0 $0x1BF5;
	p2 =	por !p2, p0  }
0x20: {  	[sflag:s8] =	ssyncset.s32 @!p0 $0xFFFFF086;
	s6 =	sadd.s32 @!p0 s3, s7;
	s7 =	simm.s32 @!p0 $0x108  }
0x21: {  	s3 =	sadd.s32 s3, s9;
	s6 =	sadd.s32 @!p0 $0x88, s6;
	s7 =	simm.s32 @p2 $0x1082  }
0x22: {  	[simem:s7], [sflag:s8] =	dma.local @!p0 [hbm:s6], $0xF7A  }
0x23: {  	s9 =	sor.u32 $0xD0000000, s2;
	s6 =	simm.s32 $0x108;
	_ =	swait.ge @!p0 [sflag:s8], $0x0  }
0x24: {  	s3 =	sadd.s32 $0x88, s3;
	s6 =	simm.s32 @!p1 $0x1082;
	[sflag:s4] =	ssyncset.s32 $0xFFFFF086  }
0x25: {  	[simem:s6], [sflag:s4] =	dma.local [hbm:s3], $0xF7A  }
0x26: {  	[smem:$0x3F97] =	sst s1;
	(tag) =	ssettag s2;
	_ =	strace s9  }
0x27: {  	s1 =	sld [smem:$0x3FA7]  }
0x28: {  	s2 =	sld [smem:$0x3FA8]  }
0x29: {  	s4 =	sld [smem:$0x3FAA]  }
0x2a: {  	p0 =	seq.s32 s5, $0x0;
	s5 =	sld [smem:$0x3FAB]  }
0x2b: {  	s6 =	sld [smem:$0x3FAC]  }
0x2c: {  	s7 =	sld [smem:$0x3FAD]  }
0x2d: {  	s3 =	simm.s32 $0x108;
	s8 =	sld [smem:$0x3FAE]  }
0x2e: {  	s3 =	simm.s32 @!p0 $0x1082;
	s9 =	sld [smem:$0x3FAF]  }
0x2f: {  	lr =	sadd.s32 s0, s3;
	s0 =	sld [smem:$0x3FA6]  }
0x30: {  	s3 =	sld [smem:$0x3FA9]  }
0x31: {  	[smem:$0x3FB2] =	sst s10  }
0x32: {  	s10 =	sld [smem:$0x3FB0];
	_ =	sdelay $0x3  }
0x33: {  	p0 =	seq.s32 s10, $0x1;
	s10 =	sld [smem:$0x3FB2];
	_ =	sdelay $0x3  }
0x34: {  	[smem:$0x3FB2] =	sst s10  }
0x35: {  	s10 =	sld [smem:$0x3FB1];
	_ =	sdelay $0x3  }
0x36: {  	p1 =	seq.s32 s10, $0x1;
	s10 =	sld [smem:$0x3FB2];
	_ =	sdelay $0x3  }
0x37: {  	[smem:$0x3FB2] =	sst s10  }
0x38: {  	s10 =	sld [smem:$0x3FB3]  }
0x39: {  	_ = 	snop;
	(pc) =	sbr.ind lr, $3  }
0x3a: {  	_ = 	snop  }
0x3b: {  	_ = 	snop  }
0x3c: {  	p2 =	seq.s32 s10, $0x1;
	s10 =	sld [smem:$0x3FB2]  }
0x3d: {  	_ =	shalt  }
0x3e: {  	_ =	shalt  }
0x3f: {  	_ =	shalt  }
0x40: {  	_ =	shalt  }
0x41: {  	_ =	shalt  }
0x42: {  	_ =	shalt  }
0x43: {  	_ =	shalt  }
0x44: {  	_ =	shalt  }
0x45: {  	_ =	shalt  }
0x46: {  	_ =	shalt  }
0x47: {  	_ =	shalt  }
0x48: {  	_ =	shalt  }
0x49: {  	_ =	shalt  }
0x4a: {  	_ =	shalt  }
0x4b: {  	_ =	shalt  }
0x4c: {  	_ =	shalt  }
0x4d: {  	_ =	shalt  }
0x4e: {  	_ =	shalt  }
0x4f: {  	_ =	shalt  }
0x50: {  	_ =	shalt  }
0x51: {  	_ =	shalt  }
0x52: {  	_ =	shalt  }
0x53: {  	_ =	shalt  }
0x54: {  	_ =	shalt  }
0x55: {  	_ =	shalt  }
0x56: {  	_ =	shalt  }
0x57: {  	_ =	shalt  }
0x58: {  	_ =	shalt  }
0x59: {  	_ =	shalt  }
0x5a: {  	_ =	shalt  }
0x5b: {  	_ =	shalt  }
0x5c: {  	_ =	shalt  }
0x5d: {  	_ =	shalt  }
0x5e: {  	_ =	shalt  }
0x5f: {  	_ =	shalt  }
0x60: {  	_ =	shalt  }
0x61: {  	_ =	shalt  }
0x62: {  	_ =	shalt  }
0x63: {  	_ =	shalt  }
0x64: {  	_ =	shalt  }
0x65: {  	_ =	shalt  }
0x66: {  	_ =	shalt  }
0x67: {  	_ =	shalt  }
0x68: {  	_ =	shalt  }
0x69: {  	_ =	shalt  }
0x6a: {  	_ =	shalt  }
0x6b: {  	_ =	shalt  }
0x6c: {  	_ =	shalt  }
0x6d: {  	_ =	shalt  }
0x6e: {  	_ =	shalt  }
0x6f: {  	_ =	shalt  }
0x70: {  	_ =	shalt  }
0x71: {  	_ =	shalt  }
0x72: {  	_ =	shalt  }
0x73: {  	_ =	shalt  }
0x74: {  	_ =	shalt  }
0x75: {  	_ =	shalt  }
0x76: {  	_ =	shalt  }
0x77: {  	_ =	shalt  }
0x78: {  	_ =	shalt  }
0x79: {  	_ =	shalt  }
0x7a: {  	_ =	shalt  }
0x7b: {  	_ =	shalt  }
0x7c: {  	_ =	shalt  }
0x7d: {  	_ =	shalt  }
0x7e: {  	_ =	shalt  }
0x7f: {  	_ =	shalt  }
0x80: {  	_ =	shalt  }
0x81: {  	_ =	shalt  }
0x82: {  	_ =	shalt  }
0x83: {  	_ =	shalt  }
0x84: {  	_ =	shalt  }
0x85: {  	_ =	shalt  }
0x86: {  	_ =	shalt  }
0x87: {  	_ =	shalt  }
.Lfunc_end0:
.L_simem_size_0:
called_computation.1_lowered:
.L_overlay_start_0:
0x88: {  	s2 =	sld [smem:$0x3FD9]  }
0x89: {  	s3 =	sld [smem:$0x3FFE];
	_ =	sdelay $0x1  }
0x8a: {  	s1 =	srdreg.scid  }
0x8b: {  	s0 =	sand.u32 $0x1, s1  }
0x8c: {  	s17 =	sshll.u32 s0, $0xA;
	s2 =	sadd.s32 s3, s2  }
0x8d: {  	s2 =	sadd.s32 s2, s17  }
0x8e: {  	[smem:$0x3FBE] =	sst s2  }
0x8f: {  	_ = 	snop  }
0x90: {  	s2 =	sld [smem:$0x3FD0];
	(tm) =	ssettm $0x1  }
0x91: {  	s18 =	sld [smem:$0x3FFB];
	_ =	sdelay $0x3  }
0x92: {  	_ =	strace s18  }
0x93: {  	s3 =	sld [smem:$0x3FFC];
	_ =	sdelay $0x3  }
0x94: {  	_ =	strace s3  }
0x95: {  	s3 =	sld [smem:$0x3FFD];
	_ =	sdelay $0x3  }
0x96: {  	_ =	strace s3  }
0x97: {  	_ =	strace $0x8FFFFFFF  }
0x98: {  	s19 =	sld [smem:$0x3FDB];
	_ =	sdelay $0x1  }
0x99: {  	s4 =	simm.s32 $_scs_section_size  }
0x9a: {  	s5 =	simm.s32 $_size__tile_overlayer_lowered;
	s6 =	simm.s32 $_tile_overlayer_lowered  }
0x9b: {  	s22 =	simm.s32 $0x1BFF;
	s21 =	sshll.u32 s6, $0x1;
	s3 =	sadd.s32 s4, s19  }
0x9c: {  	s7 =	simm.s32 $0x0;
	s20 =	sshll.u32 s5, $0x1;
	s5 =	sadd.s32 s21, s3  }
0x9d: {  	[timem:s7], [sflag:s22] =	dma.local [hbm:s5], s20  }
0x9e: {  	_ =	swait.ge [sflag:s22], s20  }
0x9f: {  	s4 =	ssub.s32 $0x0, s20;
	[sflag:s22] =	ssyncset.done $0x0  }
0xa0: {  	[sflag:s22] =	ssyncadd.s32 s4;
	_ =	sdelay $0x1  }
0xa1: {  	s23 =	simm.s32 $0x1B8B  }
0xa2: {  	_ =	swait.ge [sflag:s23], $0x1  }
0xa3: {  	[sflag:s23] =	ssyncset.done $0x0  }
0xa4: {  	s25 =	simm.s32 $0x1B8E;
	s24 =	sld [smem:$0x3FFE];
	[sflag:s23] =	ssyncadd.s32 $0xFFFFFFFF  }
0xa5: {  	s26 =	simm.s32 $execute0_lowered;
	[smem:$0x3FD2] =	sst s25  }
0xa6: {  	s5 =	sshll.u32 s26, $0x1;
	_ =	strace $0x80000049;
	[dreg:$0x1] =	wrdreg $0xFFFFFFFF  }
0xa7: {  	s28 =	simm.s32 $_size_execute0_lowered;
	s3 =	sadd.s32 s3, s5;
	[dreg:$0x0] =	wrdreg $0x0  }
0xa8: {  	s5 =	sshll.u32 s28, $0x1;
	[dreg:$0x2] =	wrdreg s3  }
0xa9: {  	[dreg:$0x3] =	wrdreg s5  }
0xaa: {  	[dreg:$0x4] =	wrdreg $0xC0  }
0xab: {  	_ =	task [dreg:s7], $0x5FFFF  }
0xac: {  	[dreg:$0x1] =	wrdreg $0xFFFFFFFF  }
0xad: {  	[dreg:$0x0] =	wrdreg $0x60  }
0xae: {  	[dreg:$0x2] =	wrdreg s24  }
0xaf: {  	[dreg:$0x3] =	wrdreg s2  }
0xb0: {  	[dreg:$0x4] =	wrdreg $0x45000  }
0xb1: {  	[dreg:$0x5] =	wrdreg $0x45800  }
0xb2: {  	[dreg:$0x6] =	wrdreg $0x9  }
0xb3: {  	_ =	task.clear_ibuf [dreg:s7], $0x7FFFF;
	_ =	strace $0x90000049  }
0xb4: {  	s29 =	simm.s32 $0x9;
	_ =	strace $0x8000004B  }
0xb5: {  	_ =	swait.ge [sflag:s29], $0x1  }
0xb6: {  	[sflag:s29] =	ssyncadd.s32 $0xFFFFFFFF  }
0xb7: {  	_ =	strace $0x9000004B  }
0xb8: {  	_ =	sfence  }
0xb9: {  	s30 =	sld [smem:$0x0];
	_ =	sdelay $0x2  }
0xba: {  	s31 =	sshll.u32 s1, $0xD;
	s1 =	sshrl.u32 s1, $0x2  }
0xbb: {  	s3 =	sand.u32 $0x4000, s31;
	s1 =	sadd.s32 s1, s30  }
0xbc: {  	s0 =	sor.u32 s3, s0;
	s1 =	sshll.u32 s1, $0x11  }
0xbd: {  	s0 =	sor.u32 s1, s0  }
0xbe: {  	s0 =	sadd.s32 $0x8F2B, s0  }
0xbf: {  	[sflag:s0] =	ssyncadd.remote.s32 $0x1  }
0xc0: {  	_ =	sfence.sel $0xFFFF  }
0xc1: {  	[dreg:$0x0] =	wrdreg $0xFFFFFFFF;
	(pc) =	sbr.abs _section_cstart, $3  }
0xc2: {  	[dreg:$0x1] =	wrdreg $0xFFFFFFFF  }
0xc3: {  	_ =	task.clear_ibuf [dreg:s7], $0x2FFFF;
	_ =	strace $0x9FFFFFFF  }
0xc4: {  	(tm) =	ssettm $0x7FFFFFFF  }
0xc5: {  	_ =	shalt  }
tec
execute0_lowered:
.L_overlay_start_1:
0x0: {  	(tag) =	ssettag $0x1  }
0x1: {  	s2 =	srdreg.scid  }
0x2: {  	s2 =	sand.u32 $0x1, s2  }
0x3: {  	s4 =	rddreg [dreg:$0x0];
	p0 =	seq.s32 s2, $0x1  }
.Ltmp0:
0x4: {  	s1 =	rddreg [dreg:$0x1];
	(pc) =	sbr.rel @p0 .LBB2_7-.Ltmp0, $4  }
0x5: {  	s6 =	rddreg [dreg:$0x2]  }
0x6: {  	s5 =	rddreg [dreg:$0x3];
	s3 =	simm.s32 $0x0  }
0x7: {  	[smem:$0x7FF] =	sst s3  }
0x8: {  	s0 =	rddreg [dreg:$0x4];
	_ =	strace $0x8000004A;
	s2 =	stileid.u32  }
0x9: {  	v0 =	vimm.f32 $0.0e+00  }
0xa: {  	[tilespmem:$0x4400] =	vst v0  }
0xb: {  	[tilespmem:$0x4480] =	vst v0  }
0xc: {  	[tilespmem:$0x4410] =	vst v0  }
0xd: {  	[tilespmem:$0x4490] =	vst v0  }
0xe: {  	[tilespmem:$0x4420] =	vst v0  }
0xf: {  	[tilespmem:$0x44A0] =	vst v0  }
0x10: {  	[tilespmem:$0x4430] =	vst v0  }
0x11: {  	[tilespmem:$0x44B0] =	vst v0  }
0x12: {  	[tilespmem:$0x4440] =	vst v0  }
0x13: {  	[tilespmem:$0x44C0] =	vst v0  }
0x14: {  	[tilespmem:$0x4450] =	vst v0  }
0x15: {  	[tilespmem:$0x44D0] =	vst v0  }
0x16: {  	s9 =	sand.u32 $0x3, s2;
	[tilespmem:$0x4460] =	vst v0  }
0x17: {  	s7 =	sadd.s32 $0x3400, s4;
	s10 =	sadd.s32 $0xD800, s4;
	s13 =	sshrl.u32 s2, $0x2;
	[tilespmem:$0x44E0] =	vst v0  }
0x18: {  	s26 =	simm.s32 $0x1;
	s8 =	sshll.u32 s9, $0x5;
	s14 =	sshll.u32 s9, $0xB;
	[tilespmem:$0x4470] =	vst v0  }
0x19: {  	s23 =	sshll.u32 s9, $0x3;
	s15 =	sshll.u32 s13, $0xD;
	[tilespmem:$0x44F0] =	vst v0;
	v0 =	vlaneseq.u32;
	s14 =	sadd.s32 s7, s14  }
0x1a: {  	v1 =	vmov s3;
	s25 =	sshll.u32 s13, $0x5;
	s9 =	sshll.u32 s9, $0x7;
	v0 =	vmul.u32 $0x8, v0;
	s14 =	sadd.s32 s15, s14  }
0x1b: {  	v2 =	vshll.u32 v1, $0x3;
	[tilespmem:s3], [sflag:$0x1] =	stream.linear.gather [hbm4b:s14+s3], $0x4000, $0x38;
	[tilespmem:$0x5E10] =	vst v63  }
0x1c: {  	v1 =	vshll.u32 v1, $0x4;
	s29 =	sshll.u32 s13, $0x9;
	s12 =	sadd.s32 s23, s4;
	v2 =	vor.u32 v0, v2;
	_ =	swait.ge [sflag:s26], $0x4000  }
0x1d: {  	s9 =	sadd.s32 s10, s9;
	v1 =	vand.u32 $0x3C00, v1;
	s28 =	sadd.s32 s25, s12;
	v2 =	vand.u32 $0x1F8, v2;
	[sflag:s26] =	ssyncset.done $0x0  }
0x1e: {  	s9 =	sadd.s32 s29, s9;
	s12 =	simm.s32 $0x4000;
	v2 =	vor.u32 v1, v2;
	[sflag:s26] =	ssyncadd.s32 $0xFFFFC000  }
0x1f: {  	[tilespmem:s12], [sflag:$0x1] =	stream.linear.gather [hbm4b:s9+s3], $0x400, $0x38;
	[tilespmem:$0x5E10] =	vst v63  }
0x20: {  	_ =	swait.ge [sflag:s26], $0x400  }
0x21: {  	[sflag:s26] =	ssyncset.done $0x0  }
0x22: {  	[sflag:s26] =	ssyncadd.s32 $0xFFFFFC00  }
0x23: {  	s30 =	sshll.u32 s2, $0x7;
	s31 =	simm.s32 $0x10;
	v2 =	vld.idx.msk [tilespmem:v2+s3+$0x0], $0xffff  }
0x24: {  	s24 =	sshll.u32 s13, $0x7;
	s13 =	simm.s32 $0x4480;
	s11 =	sadd.s32 s8, s4  }
0x25: {  	s8 =	sadd.s32 $0xD400, s4;
	s7 =	sadd.s32 $0xD600, s4;
	s4 =	sadd.s32 s24, s11  }
0x26: {  	v3 =	vmov s31;
	s10 =	sadd.s32 s30, s6;
	s15 =	simm.s32 $0x20;
	s11 =	sadd.s32 $0xE000, s4  }
0x27: {  	v4 =	vshll.u32 v3, $0x3;
	s4 =	sadd.s32 $0xE200, s28;
	s14 =	simm.s32 $0x4400;
	v1 =	vimm.f32 $1.000000000e+00;
	s9 =	sadd.s32 s30, s5  }
.LBB2_2:
0x28: {  	p0 =	sne.s32 s15, $0x3F0;
	v3 =	vshll.u32 v3, $0x4;
	v4 =	vor.u32 v0, v4;
	v5 =	vld [tilespmem:s12+$0x0];
	v2 =	vadd.s32 $0x20, v2  }
0x29: {  	v3 =	vand.u32 $0x3C00, v3;
	v4 =	vand.u32 $0x1F8, v4  }
0x2a: {  	v3 =	vor.u32 v3, v4;
	_ =	sdelay $0x2  }
0x2b: {  	[tilespmem:v2+s14+$0x0] =	vst.idx.add.f32.msk $0xffff, v5  }
0x2c: {  	[tilespmem:v2+s13+$0x0] =	vst.idx.add.f32.msk $0xffff, v1  }
0x2d: {  	v2 =	vld.idx.msk [tilespmem:v3+s3+$0x0], $0xffff  }
.Ltmp1:
0x2e: {  	(pc) =	sbr.rel @p0 .LBB2_2-.Ltmp1, $3  }
0x2f: {  	_ =	sdelay $0x1  }
0x30: {  	v3 =	vmov s15  }
0x31: {  	s12 =	sadd.s32 $0x10, s12;
	s15 =	sadd.s32 $0x10, s15;
	v4 =	vshll.u32 v3, $0x3  }
0x32: {  	v3 =	vshll.u32 v3, $0x4;
	v0 =	vor.u32 v0, v4;
	v4 =	vld [tilespmem:s12+$0x0];
	v2 =	vadd.s32 $0x20, v2  }
0x33: {  	v3 =	vand.u32 $0x3C00, v3;
	v0 =	vand.u32 $0x1F8, v0  }
0x34: {  	v0 =	vor.u32 v3, v0;
	_ =	sdelay $0x2  }
0x35: {  	[tilespmem:v2+s14+$0x0] =	vst.idx.add.f32.msk $0xffff, v4  }
0x36: {  	[tilespmem:v2+s13+$0x0] =	vst.idx.add.f32.msk $0xffff, v1  }
0x37: {  	v0 =	vld.idx.msk [tilespmem:v0+s3+$0x0], $0xffff;
	_ =	sdelay $0x3  }
0x38: {  	s29 =	sadd.s32 $0x10, s12  }
0x39: {  	v2 =	vld [tilespmem:s29+$0x0];
	v3 =	vadd.s32 $0x20, v0;
	_ =	sdelay $0x1  }
0x3a: {  	s3 =	simm.s32 $0x0;
	v0 =	vlaneseq.u32  }
0x3b: {  	v4 =	vmov s3;
	v0 =	vmul.u32 $0x10, v0  }
0x3c: {  	v5 =	vshll.u32 v4, $0x4  }
0x3d: {  	[tilespmem:v3+s14+$0x0] =	vst.idx.add.f32.msk $0xffff, v2;
	v2 =	vshll.u32 v4, $0x6;
	v4 =	vor.u32 v0, v5  }
0x3e: {  	[tilespmem:v3+s13+$0x0] =	vst.idx.add.f32.msk $0xffff, v1;
	v1 =	vand.u32 $0x3800, v2;
	v2 =	vand.u32 $0x1F0, v4  }
0x3f: {  	s12 =	simm.s32 $0x4000;
	s30 =	simm.s32 $0x1;
	v2 =	vor.u32 v1, v2  }
0x40: {  	[tilespmem:s12], [sflag:$0x1] =	stream.linear.gather [hbm4b:s11+s3], $0x100, $0x38;
	[tilespmem:$0x5E10] =	vst v63  }
0x41: {  	_ =	swait.ge [sflag:s30], $0x100  }
0x42: {  	[sflag:s30] =	ssyncset.done $0x0  }
0x43: {  	[sflag:s30] =	ssyncadd.s32 $0xFFFFFF00  }
0x44: {  	v2 =	vld.idx.msk [tilespmem:v2+s3+$0x0], $0xffff;
	_ =	sdelay $0x1  }
0x45: {  	s31 =	simm.s32 $0x10  }
0x46: {  	v3 =	vmov s31  }
0x47: {  	s14 =	simm.s32 $0x20;
	s13 =	simm.s32 $0x4480;
	s11 =	simm.s32 $0x4400;
	v1 =	vimm.f32 $1.000000000e+00;
	v4 =	vshll.u32 v3, $0x4  }
.LBB2_4:
0x48: {  	p0 =	sne.s32 s14, $0xF0;
	v3 =	vshll.u32 v3, $0x6;
	v4 =	vor.u32 v0, v4;
	v5 =	vld [tilespmem:s12+$0x0];
	v2 =	vadd.s32 $0x40, v2  }
0x49: {  	v3 =	vand.u32 $0x3800, v3;
	v4 =	vand.u32 $0x1F0, v4  }
0x4a: {  	v3 =	vor.u32 v3, v4;
	_ =	sdelay $0x2  }
0x4b: {  	[tilespmem:v2+s11+$0x0] =	vst.idx.add.f32.msk $0xffff, v5  }
0x4c: {  	[tilespmem:v2+s13+$0x0] =	vst.idx.add.f32.msk $0xffff, v1  }
0x4d: {  	v2 =	vld.idx.msk [tilespmem:v3+s3+$0x0], $0xffff  }
.Ltmp2:
0x4e: {  	(pc) =	sbr.rel @p0 .LBB2_4-.Ltmp2, $3  }
0x4f: {  	_ =	sdelay $0x1  }
0x50: {  	v3 =	vmov s14  }
0x51: {  	s12 =	sadd.s32 $0x10, s12;
	s14 =	sadd.s32 $0x10, s14;
	v4 =	vshll.u32 v3, $0x4  }
0x52: {  	v3 =	vshll.u32 v3, $0x6;
	v0 =	vor.u32 v0, v4;
	v53 =	vld [tilespmem:s12+$0x0];
	v2 =	vadd.s32 $0x40, v2  }
0x53: {  	v3 =	vand.u32 $0x3800, v3;
	v0 =	vand.u32 $0x1F0, v0  }
0x54: {  	v0 =	vor.u32 v3, v0;
	_ =	sdelay $0x2  }
0x55: {  	[tilespmem:v2+s11+$0x0] =	vst.idx.add.f32.msk $0xffff, v53  }
0x56: {  	[tilespmem:v2+s13+$0x0] =	vst.idx.add.f32.msk $0xffff, v1  }
0x57: {  	v0 =	vld.idx.msk [tilespmem:v0+s3+$0x0], $0xffff;
	_ =	sdelay $0x3  }
0x58: {  	s28 =	sadd.s32 $0x10, s12  }
0x59: {  	v2 =	vld [tilespmem:s28+$0x0];
	v0 =	vadd.s32 $0x40, v0;
	_ =	sdelay $0x4  }
0x5a: {  	v54 =	vlaneseq.u32;
	[tilespmem:v0+s11+$0x0] =	vst.idx.add.f32.msk $0xffff, v2  }
0x5b: {  	s29 =	simm.s32 $0x4000;
	v55 =	vmul.u32 $0x20, v54;
	s3 =	simm.s32 $0x0;
	[tilespmem:v0+s13+$0x0] =	vst.idx.add.f32.msk $0xffff, v1  }
0x5c: {  	[tilespmem:s29], [sflag:$0x1] =	stream.linear.gather [hbm4b:s4+s3], $0x40, $0x38;
	[tilespmem:$0x5E10] =	vst v63  }
0x5d: {  	s4 =	simm.s32 $0x1  }
0x5e: {  	_ =	swait.ge [sflag:s4], $0x40  }
0x5f: {  	[sflag:s4] =	ssyncset.done $0x0  }
0x60: {  	[sflag:s4] =	ssyncadd.s32 $0xFFFFFFC0  }
0x61: {  	v56 =	vld.idx.msk [tilespmem:v55+s3+$0x0], $0xffff;
	_ =	sdelay $0x4  }
0x62: {  	v57 =	vld [tilespmem:$0x4000];
	v58 =	vadd.s32 $0x60, v56;
	_ =	sdelay $0x1  }
0x63: {  	v59 =	vor.u32 $0x1000, v55;
	_ =	sdelay $0x1  }
0x64: {  	s30 =	simm.s32 $0x4400  }
0x65: {  	v63 =	vimm.f32 $1.000000000e+00;
	s31 =	simm.s32 $0x4480;
	[tilespmem:v58+s30+$0x0] =	vst.idx.add.f32.msk $0xffff, v57  }
0x66: {  	[tilespmem:v58+s31+$0x0] =	vst.idx.add.f32.msk $0xffff, v63  }
0x67: {  	v2 =	vld.idx.msk [tilespmem:v59+s3+$0x0], $0xffff;
	_ =	sdelay $0x4  }
0x68: {  	v3 =	vld [tilespmem:$0x4010];
	v2 =	vadd.s32 $0x60, v2;
	_ =	sdelay $0x1  }
0x69: {  	v62 =	vor.u32 $0x2000, v55;
	_ =	sdelay $0x2  }
0x6a: {  	[tilespmem:v2+s30+$0x0] =	vst.idx.add.f32.msk $0xffff, v3  }
0x6b: {  	[tilespmem:v2+s31+$0x0] =	vst.idx.add.f32.msk $0xffff, v63  }
0x6c: {  	v2 =	vld.idx.msk [tilespmem:v62+s3+$0x0], $0xffff;
	_ =	sdelay $0x4  }
0x6d: {  	v3 =	vld [tilespmem:$0x4020];
	v2 =	vadd.s32 $0x60, v2;
	_ =	sdelay $0x1  }
0x6e: {  	v1 =	vor.u32 $0x3000, v55;
	_ =	sdelay $0x2  }
0x6f: {  	[tilespmem:v2+s30+$0x0] =	vst.idx.add.f32.msk $0xffff, v3  }
0x70: {  	[tilespmem:v2+s31+$0x0] =	vst.idx.add.f32.msk $0xffff, v63  }
0x71: {  	v1 =	vld.idx.msk [tilespmem:v1+s3+$0x0], $0xffff;
	_ =	sdelay $0x4  }
0x72: {  	v2 =	vld [tilespmem:$0x4030];
	v1 =	vadd.s32 $0x60, v1;
	_ =	sdelay $0x4  }
0x73: {  	[tilespmem:v1+s30+$0x0] =	vst.idx.add.f32.msk $0xffff, v2  }
0x74: {  	[tilespmem:v1+s31+$0x0] =	vst.idx.add.f32.msk $0xffff, v63  }
0x75: {  	[spmem:s10] =	stream.linear.scatter [tilespmem:s30], [sflag:$0x1], $0x80, $0x38;
	[tilespmem:$0x5E10] =	vst v63  }
0x76: {  	_ =	swait.ge [sflag:s4], $0x80  }
0x77: {  	[sflag:s4] =	ssyncset.done $0x0  }
0x78: {  	p0 =	sne.s32 s2, $0x0;
	[sflag:s4] =	ssyncadd.s32 $0xFFFFFF80  }
0x79: {  	[spmem:s9] =	stream.linear.scatter [tilespmem:s31], [sflag:$0x1], $0x80, $0x38;
	[tilespmem:$0x5E10] =	vst v63  }
.Ltmp3:
0x7a: {  	_ =	swait.ge [sflag:s4], $0x80;
	(pc) =	sbr.rel @p0 .LBB2_7-.Ltmp3, $3  }
0x7b: {  	[sflag:s4] =	ssyncset.done $0x0  }
0x7c: {  	[sflag:s4] =	ssyncadd.s32 $0xFFFFFF80  }
0x7d: {  	[bflag:$0x0] =	sbarrier.arrive $0xFFFF;
	_ =	sdelay $0x1  }
0x7e: {  	s9 =	simm.s32 $0x4600  }
0x7f: {  	[tilespmem:s9], [sflag:$0x1] =	stream.linear.gather [spmem:s6], $0x800, $0x38;
	[tilespmem:$0x5E10] =	vst v63  }
0x80: {  	_ =	swait.ge [sflag:s4], $0x800  }
0x81: {  	[sflag:s4] =	ssyncset.done $0x0  }
0x82: {  	s26 =	simm.s32 $0x4E00;
	[sflag:s4] =	ssyncadd.s32 $0xFFFFF800  }
0x83: {  	[tilespmem:s26], [sflag:$0x1] =	stream.linear.gather [spmem:s5], $0x800, $0x38;
	[tilespmem:$0x5E10] =	vst v63  }
0x84: {  	_ =	swait.ge [sflag:s4], $0x800  }
0x85: {  	[sflag:s4] =	ssyncset.done $0x0  }
0x86: {  	s28 =	simm.s32 $0x5600;
	[sflag:s4] =	ssyncadd.s32 $0xFFFFF800  }
0x87: {  	[tilespmem:s28], [sflag:$0x1] =	stream.linear.gather [hbm4b:s8+s3], $0x400, $0x38;
	[tilespmem:$0x5E10] =	vst v63  }
0x88: {  	_ =	swait.ge [sflag:s4], $0x400  }
0x89: {  	[sflag:s4] =	ssyncset.done $0x0  }
0x8a: {  	s29 =	simm.s32 $0x5A00;
	[sflag:s4] =	ssyncadd.s32 $0xFFFFFC00  }
0x8b: {  	[tilespmem:s29], [sflag:$0x1] =	stream.linear.gather [hbm4b:s7+s3], $0x400, $0x38;
	[tilespmem:$0x5E10] =	vst v63  }
0x8c: {  	_ =	swait.ge [sflag:s4], $0x400  }
0x8d: {  	[sflag:s4] =	ssyncset.done $0x0  }
0x8e: {  	[sflag:s4] =	ssyncadd.s32 $0xFFFFFC00  }
0x8f: {  	v50 =	vld [tilespmem:$0x5600]  }
0x90: {  	v27 =	vld [tilespmem:$0x5A00]  }
0x91: {  	v47 =	vld [tilespmem:$0x5620]  }
0x92: {  	v29 =	vld [tilespmem:$0x5A20]  }
0x93: {  	v53 =	vld [tilespmem:$0x5640]  }
0x94: {  	v31 =	vld [tilespmem:$0x5A40]  }
0x95: {  	v57 =	vld [tilespmem:$0x5660]  }
0x96: {  	v33 =	vld [tilespmem:$0x5A60]  }
0x97: {  	v0 =	vld [tilespmem:$0x5680]  }
0x98: {  	v35 =	vld [tilespmem:$0x5A80]  }
0x99: {  	v56 =	vld [tilespmem:$0x56A0]  }
0x9a: {  	v37 =	vld [tilespmem:$0x5AA0]  }
0x9b: {  	v58 =	vld [tilespmem:$0x56C0]  }
0x9c: {  	v61 =	vld [tilespmem:$0x5AC0]  }
0x9d: {  	v59 =	vld [tilespmem:$0x56E0]  }
0x9e: {  	v62 =	vld [tilespmem:$0x5AE0]  }
0x9f: {  	v60 =	vld [tilespmem:$0x5700]  }
0xa0: {  	v4 =	vld [tilespmem:$0x5720];
	[tilespmem:$0x1F800] =	vst v0  }
0xa1: {  	v5 =	vld [tilespmem:$0x5740];
	[tilespmem:$0x1F810] =	vst v56  }
0xa2: {  	v6 =	vld [tilespmem:$0x5760];
	[tilespmem:$0x1F820] =	vst v58  }
0xa3: {  	v7 =	vld [tilespmem:$0x5780];
	[tilespmem:$0x1F830] =	vst v59  }
0xa4: {  	v8 =	vld [tilespmem:$0x57A0];
	[tilespmem:$0x1F850] =	vst v60  }
0xa5: {  	v9 =	vld [tilespmem:$0x5BA0];
	[tilespmem:$0x1F870] =	vst v4  }
0xa6: {  	v10 =	vld [tilespmem:$0x57C0];
	[tilespmem:$0x1F890] =	vst v5  }
0xa7: {  	v11 =	vld [tilespmem:$0x5BC0];
	[tilespmem:$0x1F8B0] =	vst v6  }
0xa8: {  	v12 =	vld [tilespmem:$0x57E0];
	[tilespmem:$0x1F8D0] =	vst v7  }
0xa9: {  	v13 =	vld [tilespmem:$0x5BE0];
	[tilespmem:$0x1F8F0] =	vst v8  }
0xaa: {  	v14 =	vld [tilespmem:$0x5800];
	[tilespmem:$0x1F840] =	vst v9  }
0xab: {  	v15 =	vld [tilespmem:$0x5C00];
	[tilespmem:$0x1F910] =	vst v10  }
0xac: {  	v16 =	vld [tilespmem:$0x5820];
	[tilespmem:$0x1F860] =	vst v11  }
0xad: {  	v17 =	vld [tilespmem:$0x5C20];
	[tilespmem:$0x1F930] =	vst v12  }
0xae: {  	v18 =	vld [tilespmem:$0x5840];
	[tilespmem:$0x1F880] =	vst v13  }
0xaf: {  	v19 =	vld [tilespmem:$0x5C40];
	[tilespmem:$0x1F950] =	vst v14  }
0xb0: {  	v20 =	vld [tilespmem:$0x5860];
	[tilespmem:$0x1F8A0] =	vst v15  }
0xb1: {  	v21 =	vld [tilespmem:$0x5C60];
	[tilespmem:$0x1F970] =	vst v16  }
0xb2: {  	v22 =	vld [tilespmem:$0x5880];
	[tilespmem:$0x1F8C0] =	vst v17  }
0xb3: {  	v23 =	vld [tilespmem:$0x5C80];
	[tilespmem:$0x1F990] =	vst v18  }
0xb4: {  	v24 =	vld [tilespmem:$0x58A0];
	[tilespmem:$0x1F8E0] =	vst v19  }
0xb5: {  	v25 =	vld [tilespmem:$0x5CA0];
	[tilespmem:$0x1F9B0] =	vst v20  }
0xb6: {  	v26 =	vld [tilespmem:$0x58C0];
	[tilespmem:$0x1F900] =	vst v21  }
0xb7: {  	v28 =	vld [tilespmem:$0x5CC0];
	[tilespmem:$0x1F9E0] =	vst v22  }
0xb8: {  	v30 =	vld [tilespmem:$0x58E0];
	[tilespmem:$0x1F920] =	vst v23  }
0xb9: {  	v32 =	vld [tilespmem:$0x5CE0];
	[tilespmem:$0x1FA10] =	vst v24  }
0xba: {  	v34 =	vld [tilespmem:$0x5900];
	[tilespmem:$0x1F940] =	vst v25  }
0xbb: {  	v36 =	vld [tilespmem:$0x5D00];
	[tilespmem:$0x1FA50] =	vst v26  }
0xbc: {  	v38 =	vld [tilespmem:$0x5920];
	[tilespmem:$0x1F960] =	vst v28  }
0xbd: {  	v39 =	vld [tilespmem:$0x5D20];
	[tilespmem:$0x1FA90] =	vst v30  }
0xbe: {  	v40 =	vld [tilespmem:$0x5940];
	[tilespmem:$0x1F980] =	vst v32  }
0xbf: {  	v41 =	vld [tilespmem:$0x5D40];
	[tilespmem:$0x1FAD0] =	vst v34  }
0xc0: {  	v42 =	vld [tilespmem:$0x5960];
	[tilespmem:$0x1F9A0] =	vst v36  }
0xc1: {  	v43 =	vld [tilespmem:$0x5D60];
	[tilespmem:$0x1FB10] =	vst v38  }
0xc2: {  	v44 =	vld [tilespmem:$0x5980];
	[tilespmem:$0x1F9C0] =	vst v39  }
0xc3: {  	v45 =	vld [tilespmem:$0x5D80];
	[tilespmem:$0x1FB50] =	vst v40  }
0xc4: {  	v46 =	vld [tilespmem:$0x59A0];
	[tilespmem:$0x1F9F0] =	vst v41  }
0xc5: {  	v54 =	vld [tilespmem:$0x5B20];
	[tilespmem:$0x1FB80] =	vst v42  }
0xc6: {  	v48 =	vld [tilespmem:$0x5B40];
	[tilespmem:$0x1FA20] =	vst v43  }
0xc7: {  	v52 =	vld [tilespmem:$0x5B60];
	[tilespmem:$0x1FBA0] =	vst v44  }
0xc8: {  	v59 =	vld [tilespmem:$0x5B00];
	[tilespmem:$0x1FA60] =	vst v45  }
0xc9: {  	v58 =	vld [tilespmem:$0x5B80];
	[tilespmem:$0x1FBC0] =	vst v46  }
0xca: {  	v0 =	vld [tilespmem:$0x5DA0]  }
0xcb: {  	v49 =	vld [tilespmem:$0x59C0]  }
0xcc: {  	v51 =	vld [tilespmem:$0x5DC0]  }
0xcd: {  	v55 =	vld [tilespmem:$0x59E0]  }
0xce: {  	v56 =	vld [tilespmem:$0x5DE0]  }
0xcf: {  	v8 =	vld [tilespmem:$0x5610]  }
0xd0: {  	v10 =	vld [tilespmem:$0x5630]  }
0xd1: {  	v1 =	vld [tilespmem:$0x5A30]  }
0xd2: {  	v12 =	vld [tilespmem:$0x5650]  }
0xd3: {  	v2 =	vld [tilespmem:$0x5A50]  }
0xd4: {  	v14 =	vld [tilespmem:$0x5670]  }
0xd5: {  	v3 =	vld [tilespmem:$0x5A70]  }
0xd6: {  	v16 =	vld [tilespmem:$0x5690]  }
0xd7: {  	v4 =	vld [tilespmem:$0x5A90]  }
0xd8: {  	v18 =	vld [tilespmem:$0x56B0]  }
0xd9: {  	v5 =	vld [tilespmem:$0x5AB0]  }
0xda: {  	v20 =	vld [tilespmem:$0x56D0]  }
0xdb: {  	v6 =	vld [tilespmem:$0x5AD0]  }
0xdc: {  	v22 =	vld [tilespmem:$0x56F0]  }
0xdd: {  	v7 =	vld [tilespmem:$0x5AF0]  }
0xde: {  	v24 =	vld [tilespmem:$0x5710]  }
0xdf: {  	v9 =	vld [tilespmem:$0x5B10]  }
0xe0: {  	v26 =	vld [tilespmem:$0x5730]  }
0xe1: {  	v11 =	vld [tilespmem:$0x5B30]  }
0xe2: {  	v30 =	vld [tilespmem:$0x5750]  }
0xe3: {  	v13 =	vld [tilespmem:$0x5B50]  }
0xe4: {  	v34 =	vld [tilespmem:$0x5770]  }
0xe5: {  	v15 =	vld [tilespmem:$0x5B70]  }
0xe6: {  	v38 =	vld [tilespmem:$0x5790]  }
0xe7: {  	v17 =	vld [tilespmem:$0x5B90]  }
0xe8: {  	v40 =	vld [tilespmem:$0x57B0]  }
0xe9: {  	v19 =	vld [tilespmem:$0x5BB0]  }
0xea: {  	v42 =	vld [tilespmem:$0x57D0]  }
0xeb: {  	v21 =	vld [tilespmem:$0x5BD0]  }
0xec: {  	v44 =	vld [tilespmem:$0x57F0]  }
0xed: {  	v23 =	vld [tilespmem:$0x5BF0]  }
0xee: {  	v46 =	vld [tilespmem:$0x5810]  }
0xef: {  	v25 =	vld [tilespmem:$0x5C10]  }
0xf0: {  	v28 =	vld [tilespmem:$0x5C30]  }
0xf1: {  	v32 =	vld [tilespmem:$0x5C50]  }
0xf2: {  	v36 =	vld [tilespmem:$0x5870]  }
0xf3: {  	v39 =	vld [tilespmem:$0x5890]  }
0xf4: {  	v41 =	vld [tilespmem:$0x58B0]  }
0xf5: {  	v43 =	vld [tilespmem:$0x58D0]  }
0xf6: {  	v27 =	vadd.f32 $0.0e+00, v27;
	v45 =	vld [tilespmem:$0x58F0]  }
0xf7: {  	v60 =	vld [tilespmem:$0x5950]  }
0xf8: {  	v27 =	vadd.f32 v29, v27;
	v29 =	vld [tilespmem:$0x5420]  }
0xf9: {  	[tilespmem:$0x1FAA0] =	vst v0;
	v0 =	vld [tilespmem:$0x5A10]  }
0xfa: {  	[tilespmem:$0x1FAE0] =	vst v51;
	v51 =	vld [tilespmem:$0x5830]  }
0xfb: {  	[tilespmem:$0x1FB20] =	vst v56;
	v56 =	vld [tilespmem:$0x5850]  }
0xfc: {  	[tilespmem:$0x1F9D0] =	vst v36;
	v36 =	vld [tilespmem:$0x5C70]  }
0xfd: {  	[tilespmem:$0x1FB60] =	vst v60;
	v60 =	vld [tilespmem:$0x5D50]  }
0xfe: {  	[tilespmem:$0x1FA00] =	vst v39;
	v39 =	vld [tilespmem:$0x5C90]  }
0xff: {  	[tilespmem:$0x1FA30] =	vst v41;
	v41 =	vld [tilespmem:$0x5CB0]  }
0x100: {  	[tilespmem:$0x1FA70] =	vst v43;
	v43 =	vld [tilespmem:$0x5CD0]  }
0x101: {  	[tilespmem:$0x1FAB0] =	vst v45;
	v45 =	vld [tilespmem:$0x5CF0]  }
0x102: {  	[tilespmem:$0x1FA40] =	vst v60;
	v60 =	vld [tilespmem:$0x5970]  }
0x103: {  	v27 =	vadd.f32 v31, v27;
	[tilespmem:$0x1FC00] =	vst v49;
	v49 =	vld [tilespmem:$0x5910]  }
0x104: {  	[tilespmem:$0x1FC40] =	vst v55;
	v55 =	vld [tilespmem:$0x5930]  }
0x105: {  	v31 =	vadd.f32 v33, v27;
	v33 =	vld [tilespmem:$0x4CA0]  }
0x106: {  	v27 =	vld [tilespmem:$0x4D20]  }
0x107: {  	[tilespmem:$0x1FB90] =	vst v60;
	v60 =	vld [tilespmem:$0x5D70]  }
0x108: {  	[tilespmem:$0x1FDE0] =	vst v29;
	v29 =	vld [tilespmem:$0x5520]  }
0x109: {  	[tilespmem:$0x1FAF0] =	vst v49;
	v49 =	vld [tilespmem:$0x5D10]  }
0x10a: {  	[tilespmem:$0x1FB30] =	vst v55;
	v55 =	vld [tilespmem:$0x5D30]  }
0x10b: {  	[tilespmem:$0x1FE00] =	vst v33;
	v33 =	vld [tilespmem:$0x55A0]  }
0x10c: {  	[tilespmem:$0x1FA80] =	vst v60;
	v60 =	vld [tilespmem:$0x5990]  }
0x10d: {  	v0 =	vadd.f32 $0.0e+00, v0;
	[tilespmem:$0x1FE30] =	vst v27;
	v27 =	vld [tilespmem:$0x1F830]  }
0x10e: {  	[tilespmem:$0x1FE50] =	vst v29;
	v29 =	vld [tilespmem:$0x1F840]  }
0x10f: {  	v0 =	vadd.f32 v1, v0;
	v1 =	vadd.f32 v35, v31;
	v31 =	vld [tilespmem:$0x4DA0]  }
0x110: {  	v35 =	vadd.f32 $0.0e+00, v50;
	v50 =	vadd.f32 $0.0e+00, v8;
	v8 =	vld [tilespmem:$0x46B0]  }
0x111: {  	[tilespmem:$0x1FBB0] =	vst v60;
	v60 =	vld [tilespmem:$0x5D90]  }
0x112: {  	v1 =	vadd.f32 v37, v1;
	v37 =	vld [tilespmem:$0x4630]  }
0x113: {  	v0 =	vadd.f32 v2, v0;
	v2 =	vadd.f32 v47, v35;
	v35 =	vld [tilespmem:$0x1F850]  }
0x114: {  	v47 =	vld [tilespmem:$0x4A30]  }
0x115: {  	[tilespmem:$0x1FE90] =	vst v33;
	v33 =	vld [tilespmem:$0x51B0]  }
0x116: {  	[tilespmem:$0x1FAC0] =	vst v60;
	v60 =	vld [tilespmem:$0x59B0]  }
0x117: {  	v0 =	vadd.f32 v3, v0;
	v3 =	vadd.f32 v10, v50;
	v10 =	vld [tilespmem:$0x4730]  }
0x118: {  	v1 =	vadd.f32 v61, v1;
	v61 =	vld [tilespmem:$0x1F800]  }
0x119: {  	v50 =	vld [tilespmem:$0x1F870]  }
0x11a: {  	v2 =	vadd.f32 v53, v2;
	v53 =	vld [tilespmem:$0x4AB0]  }
0x11b: {  	[tilespmem:$0x1FBE0] =	vst v60;
	v60 =	vld [tilespmem:$0x5DB0]  }
0x11c: {  	[tilespmem:$0x1FE70] =	vst v31;
	v31 =	vld [tilespmem:$0x49B0]  }
0x11d: {  	v1 =	vadd.f32 v62, v1;
	v62 =	vld [tilespmem:$0x1F810]  }
0x11e: {  	v3 =	vadd.f32 v12, v3;
	v12 =	vld [tilespmem:$0x50B0]  }
0x11f: {  	v2 =	vadd.f32 v57, v2;
	v57 =	vld [tilespmem:$0x1F890]  }
0x120: {  	[tilespmem:$0x1FB00] =	vst v60;
	v60 =	vld [tilespmem:$0x59D0]  }
0x121: {  	v0 =	vadd.f32 v4, v0;
	[tilespmem:$0x1FD10] =	vst v37;
	v37 =	vld [tilespmem:$0x1F860]  }
0x122: {  	[tilespmem:$0x1FE80] =	vst v47;
	v47 =	vld [tilespmem:$0x4840]  }
0x123: {  	v0 =	vadd.f32 v5, v0;
	v5 =	vld [tilespmem:$0x4E30]  }
0x124: {  	v3 =	vadd.f32 v14, v3;
	v14 =	vld [tilespmem:$0x4830]  }
0x125: {  	[tilespmem:$0x1FC20] =	vst v60;
	v60 =	vld [tilespmem:$0x5DD0]  }
0x126: {  	v1 =	vadd.f32 v59, v1;
	v59 =	vld [tilespmem:$0x4B30]  }
0x127: {  	[tilespmem:$0x1FE60] =	vst v33;
	v33 =	vld [tilespmem:$0x1F960]  }
0x128: {  	v2 =	vadd.f32 v61, v2;
	v61 =	vld [tilespmem:$0x1F8B0]  }
0x129: {  	[tilespmem:$0x1FEB0] =	vst v53;
	v53 =	vld [tilespmem:$0x1FA50]  }
0x12a: {  	[tilespmem:$0x1FB40] =	vst v60;
	v60 =	vld [tilespmem:$0x59F0]  }
0x12b: {  	v0 =	vadd.f32 v6, v0;
	v6 =	vld [tilespmem:$0x4EB0]  }
0x12c: {  	v3 =	vadd.f32 v16, v3;
	v16 =	vld [tilespmem:$0x5030]  }
0x12d: {  	v1 =	vadd.f32 v54, v1;
	v54 =	vld [tilespmem:$0x52B0]  }
0x12e: {  	[tilespmem:$0x1FE40] =	vst v31;
	v31 =	vld [tilespmem:$0x55B0]  }
0x12f: {  	[tilespmem:$0x1FC60] =	vst v60;
	v60 =	vld [tilespmem:$0x5DF0]  }
0x130: {  	v2 =	vadd.f32 v62, v2;
	v62 =	vld [tilespmem:$0x1F8C0]  }
0x131: {  	[tilespmem:$0x1FDF0] =	vst v12;
	v12 =	vld [tilespmem:$0x53B0]  }
0x132: {  	v0 =	vadd.f32 v7, v0;
	v7 =	vld [tilespmem:$0x4F30]  }
0x133: {  	v3 =	vadd.f32 v18, v3;
	v18 =	vld [tilespmem:$0x4930]  }
0x134: {  	[tilespmem:$0x1FB70] =	vst v60;
	v60 =	vld [tilespmem:$0x4620]  }
0x135: {  	v1 =	vadd.f32 v48, v1;
	v48 =	vld [tilespmem:$0x5230]  }
0x136: {  	[tilespmem:$0x1FED0] =	vst v59;
	v59 =	vld [tilespmem:$0x48C0]  }
0x137: {  	v0 =	vadd.f32 v9, v0;
	v9 =	vld [tilespmem:$0x4FB0]  }
0x138: {  	v1 =	vadd.f32 v52, v1;
	v52 =	vld [tilespmem:$0x1F880]  }
0x139: {  	[tilespmem:$0x1FBD0] =	vst v60;
	v60 =	vld [tilespmem:$0x4E20]  }
0x13a: {  	v3 =	vadd.f32 v20, v3;
	v20 =	vld [tilespmem:$0x1F8F0]  }
0x13b: {  	[tilespmem:$0x1FEC0] =	vst v54;
	v54 =	vld [tilespmem:$0x1FA60]  }
0x13c: {  	[tilespmem:$0x1FFB0] =	vst v31;
	v31 =	vld [tilespmem:$0x1FB60]  }
0x13d: {  	v0 =	vadd.f32 v11, v0;
	v11 =	vld [tilespmem:$0x48B0]  }
0x13e: {  	[tilespmem:$0x1FBF0] =	vst v60;
	v60 =	vld [tilespmem:$0x46A0]  }
0x13f: {  	v1 =	vadd.f32 v58, v1;
	v58 =	vld [tilespmem:$0x1F8A0]  }
0x140: {  	v3 =	vadd.f32 v22, v3;
	v22 =	vld [tilespmem:$0x4CB0]  }
0x141: {  	[tilespmem:$0x1FF10] =	vst v12;
	v12 =	vld [tilespmem:$0x1FAA0]  }
0x142: {  	[tilespmem:$0x1FE10] =	vst v18;
	v18 =	vld [tilespmem:$0x4C30]  }
0x143: {  	[tilespmem:$0x1FC10] =	vst v60;
	v60 =	vld [tilespmem:$0x4EA0]  }
0x144: {  	[tilespmem:$0x1FEA0] =	vst v48;
	v48 =	vld [tilespmem:$0x1FA20]  }
0x145: {  	v0 =	vadd.f32 v13, v0;
	v13 =	vld [tilespmem:$0x1F820]  }
0x146: {  	v3 =	vadd.f32 v24, v3;
	v24 =	vld [tilespmem:$0x1F910]  }
0x147: {  	v1 =	vadd.f32 v29, v1;
	v29 =	vld [tilespmem:$0x1F940]  }
0x148: {  	[tilespmem:$0x1FC30] =	vst v60;
	v60 =	vld [tilespmem:$0x4720]  }
0x149: {  	v0 =	vadd.f32 v15, v0;
	v15 =	vld [tilespmem:$0x5130]  }
0x14a: {  	v3 =	vadd.f32 v26, v3;
	v26 =	vld [tilespmem:$0x4D30]  }
0x14b: {  	v1 =	vadd.f32 v37, v1;
	v37 =	vld [tilespmem:$0x1F9A0]  }
0x14c: {  	[tilespmem:$0x1FDD0] =	vst v11;
	v11 =	vld [tilespmem:$0x4BB0]  }
0x14d: {  	[tilespmem:$0x1FC50] =	vst v60;
	v60 =	vld [tilespmem:$0x4F20]  }
0x14e: {  	[tilespmem:$0x1FF40] =	vst v22;
	v22 =	vld [tilespmem:$0x1FAF0]  }
0x14f: {  	v0 =	vadd.f32 v17, v0;
	v17 =	vld [tilespmem:$0x1F8E0]  }
0x150: {  	v3 =	vadd.f32 v30, v3;
	v30 =	vld [tilespmem:$0x4DB0]  }
0x151: {  	v1 =	vadd.f32 v52, v1;
	v52 =	vld [tilespmem:$0x4E40]  }
0x152: {  	[tilespmem:$0x1FC70] =	vst v60;
	v60 =	vld [tilespmem:$0x47A0]  }
0x153: {  	[tilespmem:$0x1FF20] =	vst v18;
	v18 =	vld [tilespmem:$0x1FAC0]  }
0x154: {  	v2 =	vadd.f32 v13, v2;
	v13 =	vld [tilespmem:$0x1F8D0]  }
0x155: {  	v0 =	vadd.f32 v19, v0;
	v19 =	vld [tilespmem:$0x5430]  }
0x156: {  	v3 =	vadd.f32 v34, v3;
	v34 =	vld [tilespmem:$0x1F970]  }
0x157: {  	[tilespmem:$0x1FC80] =	vst v60;
	v60 =	vld [tilespmem:$0x4FA0]  }
0x158: {  	v1 =	vadd.f32 v58, v1;
	v58 =	vld [tilespmem:$0x1FA80]  }
0x159: {  	v2 =	vadd.f32 v27, v2;
	v27 =	vld [tilespmem:$0x5530]  }
0x15a: {  	[tilespmem:$0x1FF70] =	vst v26;
	v26 =	vld [tilespmem:$0x5240]  }
0x15b: {  	v0 =	vadd.f32 v21, v0;
	v21 =	vld [tilespmem:$0x1F900]  }
0x15c: {  	[tilespmem:$0x1FC90] =	vst v60;
	v60 =	vld [tilespmem:$0x4820]  }
0x15d: {  	v3 =	vadd.f32 v38, v3;
	v38 =	vld [tilespmem:$0x4740]  }
0x15e: {  	v1 =	vadd.f32 v62, v1;
	v62 =	vld [tilespmem:$0x4FC0]  }
0x15f: {  	[tilespmem:$0x1FEF0] =	vst v11;
	v11 =	vld [tilespmem:$0x1FA90]  }
0x160: {  	v2 =	vadd.f32 v35, v2;
	v35 =	vld [tilespmem:$0x1F980]  }
0x161: {  	[tilespmem:$0x1FCA0] =	vst v60;
	v60 =	vld [tilespmem:$0x5020]  }
0x162: {  	[tilespmem:$0x1FFA0] =	vst v30;
	v30 =	vld [tilespmem:$0x1FB50]  }
0x163: {  	v0 =	vadd.f32 v23, v0;
	v23 =	vld [tilespmem:$0x54B0]  }
0x164: {  	v3 =	vadd.f32 v40, v3;
	v40 =	vld [tilespmem:$0x1F9C0]  }
0x165: {  	v1 =	vadd.f32 v17, v1;
	v17 =	vld [tilespmem:$0x1FAB0]  }
0x166: {  	[tilespmem:$0x1FCB0] =	vst v60;
	v60 =	vld [tilespmem:$0x48A0]  }
0x167: {  	v2 =	vadd.f32 v50, v2;
	v50 =	vld [tilespmem:$0x1FA40]  }
0x168: {  	[tilespmem:$0x1FF30] =	vst v19;
	v19 =	vld [tilespmem:$0x5140]  }
0x169: {  	v0 =	vadd.f32 v25, v0;
	v25 =	vld [tilespmem:$0x1F920]  }
0x16a: {  	v3 =	vadd.f32 v42, v3;
	v42 =	vld [tilespmem:$0x1F9E0]  }
0x16b: {  	[tilespmem:$0x1FCC0] =	vst v60;
	v60 =	vld [tilespmem:$0x50A0]  }
0x16c: {  	[tilespmem:$0x1FF80] =	vst v27;
	v27 =	vld [tilespmem:$0x1FB20]  }
0x16d: {  	v2 =	vadd.f32 v57, v2;
	v57 =	vld [tilespmem:$0x46C0]  }
0x16e: {  	v1 =	vadd.f32 v21, v1;
	v21 =	vld [tilespmem:$0x1FAE0]  }
0x16f: {  	[tilespmem:$0x1FF00] =	vst v38;
	v38 =	vld [tilespmem:$0x1FB80]  }
0x170: {  	[tilespmem:$0x1FCD0] =	vst v60;
	v60 =	vld [tilespmem:$0x4920]  }
0x171: {  	v0 =	vadd.f32 v28, v0;
	v28 =	vld [tilespmem:$0x1F930]  }
0x172: {  	v3 =	vadd.f32 v44, v3;
	v44 =	vld [tilespmem:$0x1FA00]  }
0x173: {  	v2 =	vadd.f32 v61, v2;
	v61 =	vld [tilespmem:$0x4EC0]  }
0x174: {  	[tilespmem:$0x1FF50] =	vst v23;
	v23 =	vld [tilespmem:$0x1FB00]  }
0x175: {  	[tilespmem:$0x1FCE0] =	vst v60;
	v60 =	vld [tilespmem:$0x5120]  }
0x176: {  	v0 =	vadd.f32 v32, v0;
	v32 =	vld [tilespmem:$0x1F950]  }
0x177: {  	v3 =	vadd.f32 v46, v3;
	v46 =	vld [tilespmem:$0x1FA10]  }
0x178: {  	v2 =	vadd.f32 v13, v2;
	v13 =	vld [tilespmem:$0x49C0]  }
0x179: {  	v1 =	vadd.f32 v25, v1;
	v25 =	vld [tilespmem:$0x4A40]  }
0x17a: {  	[tilespmem:$0x1FCF0] =	vst v60;
	v60 =	vld [tilespmem:$0x49A0]  }
0x17b: {  	v0 =	vadd.f32 v36, v0;
	v36 =	vld [tilespmem:$0x1F990]  }
0x17c: {  	v3 =	vadd.f32 v51, v3;
	v51 =	vld [tilespmem:$0x50C0]  }
0x17d: {  	v2 =	vadd.f32 v20, v2;
	v20 =	vld [tilespmem:$0x1FAD0]  }
0x17e: {  	v3 =	vadd.f32 v56, v3;
	v56 =	vld [tilespmem:$0x4F40]  }
0x17f: {  	v52 =	vadd.f32 $0.0e+00, v52;
	[tilespmem:$0x1FD00] =	vst v60;
	v60 =	vld [tilespmem:$0x51A0]  }
0x180: {  	v1 =	vadd.f32 v29, v1;
	v0 =	vadd.f32 v39, v0;
	v39 =	vld [tilespmem:$0x1F9B0]  }
0x181: {  	v52 =	vadd.f32 v61, v52;
	v61 =	vld [tilespmem:$0x5550]  }
0x182: {  	v1 =	vadd.f32 v33, v1;
	v33 =	vld [tilespmem:$0x51C0]  }
0x183: {  	v2 =	vadd.f32 v24, v2;
	v24 =	vld [tilespmem:$0x1FB10]  }
0x184: {  	[tilespmem:$0x1FD20] =	vst v60;
	v60 =	vld [tilespmem:$0x4A20]  }
0x185: {  	v29 =	vld [tilespmem:$0x1FB40]  }
0x186: {  	v0 =	vadd.f32 v41, v0;
	v41 =	vld [tilespmem:$0x1F9D0]  }
0x187: {  	[tilespmem:$0x1FFC0] =	vst v13;
	v13 =	vld [tilespmem:$0x1FC40]  }
0x188: {  	v2 =	vadd.f32 v28, v2;
	v28 =	vld [tilespmem:$0x1FB30]  }
0x189: {  	v1 =	vadd.f32 v35, v1;
	[tilespmem:$0x1FD30] =	vst v60;
	v60 =	vld [tilespmem:$0x5220]  }
0x18a: {  	v0 =	vadd.f32 v43, v0;
	v43 =	vld [tilespmem:$0x1F9F0]  }
0x18b: {  	v1 =	vadd.f32 v37, v1;
	v37 =	vld [tilespmem:$0x5340]  }
0x18c: {  	v2 =	vadd.f32 v32, v2;
	v52 =	vadd.f32 v56, v52;
	v56 =	vld [tilespmem:$0x55D0]  }
0x18d: {  	v0 =	vadd.f32 v45, v0;
	v45 =	vld [tilespmem:$0x5040]  }
0x18e: {  	v2 =	vadd.f32 v34, v2;
	[tilespmem:$0x1FD40] =	vst v60;
	v60 =	vld [tilespmem:$0x4AA0]  }
0x18f: {  	v34 =	vld [tilespmem:$0x47C0]  }
0x190: {  	v0 =	vadd.f32 v49, v0;
	v49 =	vld [tilespmem:$0x1FA30];
	v2 =	vadd.f32 v36, v2  }
0x191: {  	v1 =	vadd.f32 v40, v1;
	v3 =	vadd.f32 v41, v3;
	v40 =	vld [tilespmem:$0x1FB90]  }
0x192: {  	v0 =	vadd.f32 v55, v0;
	v55 =	vld [tilespmem:$0x1FA70];
	v2 =	vadd.f32 v39, v2  }
0x193: {  	v1 =	vadd.f32 v43, v1;
	v3 =	vadd.f32 v44, v3;
	[tilespmem:$0x1FD50] =	vst v60;
	v60 =	vld [tilespmem:$0x52A0]  }
0x194: {  	v52 =	vadd.f32 v62, v52;
	v62 =	vld [tilespmem:$0x4E60];
	v2 =	vadd.f32 v42, v2  }
0x195: {  	v36 =	vld [tilespmem:$0x4AC0];
	v1 =	vadd.f32 v48, v1;
	v3 =	vadd.f32 v49, v3  }
0x196: {  	v43 =	vld [tilespmem:$0x1FBB0];
	v0 =	vadd.f32 v50, v0;
	v2 =	vadd.f32 v46, v2  }
0x197: {  	v32 =	vld [tilespmem:$0x1FB70];
	v1 =	vadd.f32 v54, v1;
	v3 =	vadd.f32 v55, v3  }
0x198: {  	v0 =	vadd.f32 v58, v0;
	v2 =	vadd.f32 v53, v2;
	[tilespmem:$0x1FD60] =	vst v60;
	v60 =	vld [tilespmem:$0x4B20]  }
0x199: {  	v39 =	vld [tilespmem:$0x4BC0];
	v1 =	vadd.f32 v12, v1;
	v3 =	vadd.f32 v17, v3  }
0x19a: {  	[tilespmem:$0x1FF60] =	vst v45;
	v45 =	vld [tilespmem:$0x1FBC0];
	v0 =	vadd.f32 v18, v0;
	v2 =	vadd.f32 v11, v2  }
0x19b: {  	v42 =	vld [tilespmem:$0x1FBA0];
	v1 =	vadd.f32 v21, v1;
	v3 =	vadd.f32 v22, v3  }
0x19c: {  	v49 =	vld [tilespmem:$0x1FBE0];
	v0 =	vadd.f32 v23, v0;
	v2 =	vadd.f32 v20, v2  }
0x19d: {  	v22 =	vadd.f32 v27, v1;
	v1 =	vadd.f32 v28, v3;
	[tilespmem:$0x1FD70] =	vst v60;
	v60 =	vld [tilespmem:$0x5320]  }
0x19e: {  	v58 =	vld [tilespmem:$0x1FC20];
	v2 =	vadd.f32 v24, v2  }
0x19f: {  	v46 =	vld [tilespmem:$0x1FBD0];
	v0 =	vadd.f32 v29, v0;
	v1 =	vadd.f32 v31, v1  }
0x1a0: {  	v53 =	vld [tilespmem:$0x1FC00];
	v35 =	vmul.f32 $1.280000000e+02, v22;
	v2 =	vadd.f32 v30, v2  }
0x1a1: {  	[tilespmem:$0x1FF90] =	vst v51;
	v51 =	vld [tilespmem:$0x1FBF0];
	v24 =	vadd.f32 v32, v0;
	v1 =	vadd.f32 v40, v1  }
0x1a2: {  	v0 =	vmax.f32 v35, $1.000000000e+00;
	v2 =	vadd.f32 v38, v2;
	[tilespmem:$0x1FD90] =	vst v60;
	v60 =	vld [tilespmem:$0x4BA0]  }
0x1a3: {  	(erf) = vrcp.f32 v0;
	v41 =	vmul.f32 $1.280000000e+02, v24;
	v55 =	vld [tilespmem:$0x1FC10];
	v0 =	vadd.f32 v43, v1  }
0x1a4: {  	v1 =	vadd.f32 $0.0e+00, v46;
	v46 =	vld [tilespmem:$0x1FC60];
	v2 =	vadd.f32 v42, v2  }
0x1a5: {  	v44 =	vmax.f32 v41, $1.000000000e+00;
	v11 =	vld [tilespmem:$0x1FC30]  }
0x1a6: {  	(erf) = vrcp.f32 v44;
	v2 =	vadd.f32 v45, v2;
	v44 =	vld [tilespmem:$0x1FC50]  }
0x1a7: {  	v3 =	vadd.f32 $0.0e+00, v51;
	[tilespmem:$0x1FDA0] =	vst v60;
	v60 =	vld [tilespmem:$0x53A0]  }
0x1a8: {  	v0 =	vadd.f32 v49, v0;
	v2 =	vadd.f32 v53, v2;
	v51 =	vld [tilespmem:$0x1FC70]  }
0x1a9: {  	v53 =	vld [tilespmem:$0x1FC80]  }
0x1aa: {  	vm0 =	vcmask $0x300;
	v0 =	vadd.f32 v58, v0;
	v17 =	vadd.f32 v13, v2;
	v58 =	vld [tilespmem:$0x1FC90]  }
0x1ab: {  	v1 =	vadd.f32 v55, v1;
	v12 =	vadd.f32 v11, v3;
	v11 =	vsel vm0, $0x3F430C31, v63;
	v13 =	vld [tilespmem:$0x1FCA0]  }
0x1ac: {  	v55 =	vimm.f32 $0.0e+00;
	v49 =	vadd.f32 v46, v0;
	v38 =	vmul.f32 v11, v17;
	[tilespmem:$0x1FDB0] =	vst v60;
	v60 =	vld [tilespmem:$0x4C20]  }
0x1ad: {  	v4 =	vpop (erf);
	v45 =	vadd.f32 v44, v1;
	v0 =	vadd.f32 v51, v12;
	v12 =	vsel vm0, $0x3F800000, v55;
	v17 =	vld [tilespmem:$0x1FCB0]  }
0x1ae: {  	v38 =	vmul.f32 v4, v38;
	v40 =	vmul.f32 v12, v49;
	v46 =	vld [tilespmem:$0x1FCC0]  }
0x1af: {  	[tilespmem:$0x1FFD0] =	vst v39;
	v18 =	vpop (erf);
	v39 =	vadd.f32 v53, v45;
	v49 =	vld [tilespmem:$0x1FCD0]  }
0x1b0: {  	v38 =	vadd.f32 $0.0e+00, v38;
	v40 =	vmul.f32 v18, v40;
	v63 =	vadd.f32 v58, v0;
	v53 =	vld [tilespmem:$0x1FCE0]  }
0x1b1: {  	vm9 =	vgt.f32 v22, $0.0e+00;
	vm1 =	vgt.f32 v24, $0.0e+00;
	v39 =	vadd.f32 v13, v39;
	[tilespmem:$0x1FDC0] =	vst v60;
	v60 =	vld [tilespmem:$0x54A0]  }
0x1b2: {  	v38 =	vnsel vm9, $0x0, v38;
	v58 =	vnsel vm1, $0x0, v40;
	v42 =	vadd.f32 v17, v63;
	v13 =	vld [tilespmem:$0x1FD00]  }
0x1b3: {  	v63 =	vadd.f32 v58, v38;
	v17 =	vld [tilespmem:$0x1FD10];
	v39 =	vadd.f32 v46, v39  }
0x1b4: {  	v4 =	vld [tilespmem:$0x1FCF0]  }
0x1b5: {  	[tilespmem:$0x1FFF0] =	vst v63;
	v55 =	vadd.f32 v53, v39;
	v63 =	vld [tilespmem:$0x1FD30]  }
0x1b6: {  	[tilespmem:$0x1FE20] =	vst v60;
	v60 =	vld [tilespmem:$0x47B0]  }
0x1b7: {  	v51 =	vadd.f32 v49, v42;
	v24 =	vadd.f32 v13, v55;
	v55 =	vld [tilespmem:$0x1FD20]  }
0x1b8: {  	v58 =	vadd.f32 $0.0e+00, v5;
	v18 =	vadd.f32 $0.0e+00, v17;
	v5 =	vld [tilespmem:$0x1FD50]  }
0x1b9: {  	v22 =	vadd.f32 v4, v51;
	v4 =	vld [tilespmem:$0x1FD40]  }
0x1ba: {  	v39 =	vadd.f32 v8, v18;
	v8 =	vld [tilespmem:$0x1FD70]  }
0x1bb: {  	v40 =	vadd.f32 v6, v58;
	v24 =	vadd.f32 v63, v24;
	v6 =	vld [tilespmem:$0x1FD60];
	[tilespmem:$0x1FD80] =	vst v60  }
0x1bc: {  	v39 =	vadd.f32 v10, v39;
	v10 =	vld [tilespmem:$0x1FD80]  }
0x1bd: {  	v24 =	vadd.f32 v5, v24;
	v13 =	vld [tilespmem:$0x1FD90]  }
0x1be: {  	v40 =	vadd.f32 v7, v40;
	v22 =	vadd.f32 v55, v22;
	v17 =	vld [tilespmem:$0x1FDA0]  }
0x1bf: {  	v24 =	vadd.f32 v8, v24;
	v8 =	vld [tilespmem:$0x1FDF0]  }
0x1c0: {  	v40 =	vadd.f32 v9, v40;
	v22 =	vadd.f32 v4, v22;
	v5 =	vld [tilespmem:$0x1FDC0]  }
0x1c1: {  	v4 =	vld [tilespmem:$0x1FDB0];
	v39 =	vadd.f32 v10, v39  }
0x1c2: {  	v7 =	vld [tilespmem:$0x1FDE0];
	v40 =	vadd.f32 v16, v40;
	v22 =	vadd.f32 v6, v22  }
0x1c3: {  	v24 =	vadd.f32 v17, v24;
	v39 =	vadd.f32 v14, v39;
	v14 =	vld [tilespmem:$0x1FE00]  }
0x1c4: {  	v6 =	vld [tilespmem:$0x1FDD0];
	v22 =	vadd.f32 v13, v22  }
0x1c5: {  	v40 =	vadd.f32 v8, v40;
	v24 =	vadd.f32 v5, v24;
	v5 =	vld [tilespmem:$0x1FE30]  }
0x1c6: {  	v16 =	vld [tilespmem:$0x1FE10];
	v22 =	vadd.f32 v4, v22  }
0x1c7: {  	v40 =	vadd.f32 v15, v40;
	v15 =	vld [tilespmem:$0x1FE60]  }
0x1c8: {  	v22 =	vadd.f32 v7, v22;
	v7 =	vld [tilespmem:$0x1FE40];
	v24 =	vadd.f32 v14, v24  }
0x1c9: {  	v4 =	vld [tilespmem:$0x1FE20];
	v39 =	vadd.f32 v6, v39  }
0x1ca: {  	v24 =	vadd.f32 v5, v24;
	v5 =	vld [tilespmem:$0x1FE80]  }
0x1cb: {  	v8 =	vld [tilespmem:$0x1FE50];
	v39 =	vadd.f32 v16, v39  }
0x1cc: {  	v48 =	vld [tilespmem:$0x53C0]  }
0x1cd: {  	v50 =	vld [tilespmem:$0x4B40];
	v39 =	vadd.f32 v7, v39  }
0x1ce: {  	v0 =	vadd.f32 v15, v40;
	v40 =	vld [tilespmem:$0x1FE70];
	v22 =	vadd.f32 v4, v22  }
0x1cf: {  	v39 =	vadd.f32 v5, v39;
	v5 =	vld [tilespmem:$0x1FEB0]  }
0x1d0: {  	v22 =	vadd.f32 v8, v22;
	v8 =	vld [tilespmem:$0x1FE90]  }
0x1d1: {  	v54 =	vld [tilespmem:$0x4940]  }
0x1d2: {  	v21 =	vld [tilespmem:$0x5540]  }
0x1d3: {  	v60 =	vld [tilespmem:$0x5330]  }
0x1d4: {  	v39 =	vadd.f32 v5, v39;
	v5 =	vld [tilespmem:$0x1FED0]  }
0x1d5: {  	v40 =	vadd.f32 v40, v24;
	v24 =	vadd.f32 v8, v22;
	v22 =	vld [tilespmem:$0x1FEA0]  }
0x1d6: {  	v23 =	vld [tilespmem:$0x4D40]  }
0x1d7: {  	v8 =	vld [tilespmem:$0x1FEC0]  }
0x1d8: {  	v27 =	vld [tilespmem:$0x4C40];
	[tilespmem:$0x1FEE0] =	vst v60  }
0x1d9: {  	v39 =	vadd.f32 v5, v39;
	v5 =	vld [tilespmem:$0x1FEE0]  }
0x1da: {  	v29 =	vld [tilespmem:$0x52C0];
	v0 =	vadd.f32 v22, v0  }
0x1db: {  	v20 =	vld [tilespmem:$0x4DC0]  }
0x1dc: {  	v28 =	vld [tilespmem:$0x4650];
	v0 =	vadd.f32 v8, v0  }
0x1dd: {  	v32 =	vld [tilespmem:$0x5440]  }
0x1de: {  	v0 =	vadd.f32 v5, v0;
	v5 =	vld [tilespmem:$0x1FEF0]  }
0x1df: {  	v60 =	vld [tilespmem:$0x4640]  }
0x1e0: {  	v31 =	vld [tilespmem:$0x54C0]  }
0x1e1: {  	v35 =	vld [tilespmem:$0x55C0]  }
0x1e2: {  	v30 =	vld [tilespmem:$0x4CC0]  }
0x1e3: {  	v39 =	vadd.f32 v5, v39;
	v5 =	vld [tilespmem:$0x1FF00]  }
0x1e4: {  	v43 =	vld [tilespmem:$0x4E50];
	v1 =	vadd.f32 $0.0e+00, v60  }
0x1e5: {  	v41 =	vld [tilespmem:$0x46D0]  }
0x1e6: {  	v45 =	vld [tilespmem:$0x4ED0];
	v1 =	vadd.f32 v57, v1  }
0x1e7: {  	v2 =	vld [tilespmem:$0x4EE0]  }
0x1e8: {  	v1 =	vadd.f32 v5, v1;
	v5 =	vld [tilespmem:$0x4DD0]  }
0x1e9: {  	v43 =	vadd.f32 $0.0e+00, v43;
	v3 =	vld [tilespmem:$0x1FF70]  }
0x1ea: {  	v44 =	vld [tilespmem:$0x4750]  }
0x1eb: {  	v43 =	vadd.f32 v45, v43;
	v45 =	vld [tilespmem:$0x5060]  }
0x1ec: {  	v38 =	vld [tilespmem:$0x4FD0]  }
0x1ed: {  	[tilespmem:$0x1FFE0] =	vst v5;
	v5 =	vld [tilespmem:$0x1FF10]  }
0x1ee: {  	v58 =	vld [tilespmem:$0x4950]  }
0x1ef: {  	v46 =	vld [tilespmem:$0x47D0]  }
0x1f0: {  	v9 =	vld [tilespmem:$0x5250]  }
0x1f1: {  	v42 =	vld [tilespmem:$0x4F50]  }
0x1f2: {  	v0 =	vadd.f32 v5, v0;
	v5 =	vld [tilespmem:$0x1FF20]  }
0x1f3: {  	v49 =	vld [tilespmem:$0x4850]  }
0x1f4: {  	v53 =	vld [tilespmem:$0x48D0]  }
0x1f5: {  	v18 =	vld [tilespmem:$0x49D0]  }
0x1f6: {  	v51 =	vld [tilespmem:$0x5050]  }
0x1f7: {  	v39 =	vadd.f32 v5, v39;
	v5 =	vld [tilespmem:$0x1FF30]  }
0x1f8: {  	v55 =	vld [tilespmem:$0x50D0]  }
0x1f9: {  	v63 =	vld [tilespmem:$0x5150]  }
0x1fa: {  	v13 =	vld [tilespmem:$0x4AD0]  }
0x1fb: {  	v17 =	vld [tilespmem:$0x4A50]  }
0x1fc: {  	v0 =	vadd.f32 v5, v0;
	v5 =	vld [tilespmem:$0x1FF40]  }
0x1fd: {  	v15 =	vld [tilespmem:$0x4C50]  }
0x1fe: {  	v4 =	vld [tilespmem:$0x5350]  }
0x1ff: {  	v10 =	vld [tilespmem:$0x51D0];
	v1 =	vadd.f32 v34, v1  }
0x200: {  	v6 =	vld [tilespmem:$0x52D0]  }
0x201: {  	v1 =	vadd.f32 v47, v1;
	v39 =	vadd.f32 v5, v39;
	v5 =	vld [tilespmem:$0x1FF50]  }
0x202: {  	v60 =	vld [tilespmem:$0x4CD0]  }
0x203: {  	v59 =	vadd.f32 v59, v1;
	v1 =	vld [tilespmem:$0x1FF80]  }
0x204: {  	v16 =	vld [tilespmem:$0x4BD0]  }
0x205: {  	v57 =	vld [tilespmem:$0x4D50]  }
0x206: {  	v0 =	vadd.f32 v5, v0;
	v5 =	vld [tilespmem:$0x1FF60]  }
0x207: {  	v14 =	vld [tilespmem:$0x4B50]  }
0x208: {  	v0 =	vadd.f32 v1, v0;
	v1 =	vld [tilespmem:$0x1FF90]  }
0x209: {  	v7 =	vld [tilespmem:$0x53D0]  }
0x20a: {  	v22 =	vld [tilespmem:$0x5450]  }
0x20b: {  	v8 =	vld [tilespmem:$0x54D0];
	v52 =	vadd.f32 v5, v52  }
0x20c: {  	v39 =	vadd.f32 v3, v39;
	v3 =	vld [tilespmem:$0x1FFA0]  }
0x20d: {  	v34 =	vld [tilespmem:$0x4660];
	v52 =	vadd.f32 v1, v52  }
0x20e: {  	v47 =	vld [tilespmem:$0x46E0]  }
0x20f: {  	v52 =	vadd.f32 v19, v52;
	v19 =	vld [tilespmem:$0x1FFB0]  }
0x210: {  	v54 =	vadd.f32 v54, v59;
	v59 =	vld [tilespmem:$0x47E0]  }
0x211: {  	v39 =	vadd.f32 v3, v39;
	v3 =	vld [tilespmem:$0x4FE0]  }
0x212: {  	v5 =	vld [tilespmem:$0x4760]  }
0x213: {  	v1 =	vld [tilespmem:$0x4F60];
	v33 =	vadd.f32 v33, v52  }
0x214: {  	v52 =	vadd.f32 v42, v43;
	v19 =	vadd.f32 v19, v0;
	v0 =	vld [tilespmem:$0x1FFC0]  }
0x215: {  	v42 =	vld [tilespmem:$0x50E0]  }
0x216: {  	v26 =	vadd.f32 v26, v33;
	v43 =	vadd.f32 v38, v52;
	v33 =	vld [tilespmem:$0x5160]  }
0x217: {  	v38 =	vld [tilespmem:$0x49E0]  }
0x218: {  	v52 =	vld [tilespmem:$0x5260];
	v26 =	vadd.f32 v29, v26;
	v29 =	vadd.f32 v51, v43  }
0x219: {  	v51 =	vld [tilespmem:$0x1FFD0];
	v0 =	vadd.f32 v0, v54  }
0x21a: {  	v43 =	vld [tilespmem:$0x4C70];
	v26 =	vadd.f32 v37, v26;
	v29 =	vadd.f32 v55, v29  }
0x21b: {  	v55 =	vld [tilespmem:$0x4E70];
	v0 =	vadd.f32 v25, v0;
	v25 =	vadd.f32 $0.0e+00, v28  }
0x21c: {  	v54 =	vld [tilespmem:$0x4860];
	v26 =	vadd.f32 v48, v26;
	v29 =	vadd.f32 v63, v29  }
0x21d: {  	v63 =	vld [tilespmem:$0x4F70];
	v25 =	vadd.f32 v41, v25  }
0x21e: {  	v48 =	vld [tilespmem:$0x4770];
	v26 =	vadd.f32 v32, v26;
	v10 =	vadd.f32 v10, v29  }
0x21f: {  	v28 =	vld [tilespmem:$0x48E0];
	v0 =	vadd.f32 v36, v0;
	v25 =	vadd.f32 v44, v25  }
0x220: {  	v32 =	vld [tilespmem:$0x52E0];
	v26 =	vadd.f32 v31, v26;
	v9 =	vadd.f32 v9, v10  }
0x221: {  	v29 =	vld [tilespmem:$0x5360];
	v10 =	vadd.f32 $0.0e+00, v55;
	v25 =	vadd.f32 v46, v25  }
0x222: {  	v36 =	vld [tilespmem:$0x4960];
	v0 =	vadd.f32 v50, v0;
	v21 =	vadd.f32 v21, v26  }
0x223: {  	v41 =	vld [tilespmem:$0x4A60];
	v9 =	vadd.f32 v6, v9;
	v25 =	vadd.f32 v49, v25  }
0x224: {  	vm10 =	vgt.f32 v24, $0.0e+00;
	v31 =	vld [tilespmem:$0x50F0];
	v44 =	vadd.f32 $0.0e+00, v34;
	v0 =	vadd.f32 v51, v0  }
0x225: {  	v55 =	vmul.f32 $2.560000000e+02, v24;
	v24 =	vld [tilespmem:$0x4A70];
	v6 =	vadd.f32 v35, v21;
	v25 =	vadd.f32 v53, v25  }
0x226: {  	v50 =	vld [tilespmem:$0x51E0];
	v4 =	vadd.f32 v4, v9;
	v0 =	vadd.f32 v27, v0  }
0x227: {  	v53 =	vadd.f32 v58, v25;
	v58 =	vadd.f32 $0.0e+00, v62;
	v62 =	vld [tilespmem:$0x4EF0]  }
0x228: {  	v26 =	vld [tilespmem:$0x5070];
	v4 =	vadd.f32 v7, v4;
	v0 =	vadd.f32 v30, v0  }
0x229: {  	v34 =	vld [tilespmem:$0x4B70];
	v18 =	vadd.f32 v18, v53;
	v2 =	vadd.f32 v2, v58  }
0x22a: {  	v21 =	vld [tilespmem:$0x4FF0];
	v4 =	vadd.f32 v22, v4;
	v0 =	vadd.f32 v23, v0  }
0x22b: {  	v35 =	vld [tilespmem:$0x4670];
	v17 =	vadd.f32 v17, v18;
	v1 =	vadd.f32 v1, v2  }
0x22c: {  	v46 =	vld [tilespmem:$0x51F0];
	v4 =	vadd.f32 v8, v4;
	v10 =	vadd.f32 v62, v10  }
0x22d: {  	v51 =	vld [tilespmem:$0x52F0];
	v13 =	vadd.f32 v13, v17;
	v1 =	vadd.f32 v3, v1  }
0x22e: {  	v27 =	vld [tilespmem:$0x4AE0];
	v0 =	vadd.f32 v20, v0;
	v9 =	vadd.f32 v63, v10  }
0x22f: {  	v49 =	vld [tilespmem:$0x5270];
	v23 =	vadd.f32 v14, v13;
	v1 =	vadd.f32 v45, v1  }
0x230: {  	v30 =	vld [tilespmem:$0x4B60];
	v4 =	vadd.f32 v61, v4;
	v2 =	vadd.f32 v21, v9  }
0x231: {  	v7 =	vadd.f32 v16, v23;
	v1 =	vadd.f32 v42, v1;
	v42 =	vld [tilespmem:$0x5170]  }
0x232: {  	v4 =	vadd.f32 v56, v4;
	v45 =	vld [tilespmem:$0x46F0];
	v2 =	vadd.f32 v26, v2  }
0x233: {  	v22 =	vld [tilespmem:$0x54F0];
	v7 =	vadd.f32 v15, v7;
	v1 =	vadd.f32 v33, v1  }
0x234: {  	v20 =	vld [tilespmem:$0x53E0];
	v15 =	vadd.f32 v47, v44;
	v2 =	vadd.f32 v31, v2  }
0x235: {  	v53 =	vld [tilespmem:$0x5370];
	v9 =	vadd.f32 $0.0e+00, v35;
	v1 =	vadd.f32 v50, v1  }
0x236: {  	v5 =	vadd.f32 v5, v15;
	v50 =	vld [tilespmem:$0x47F0];
	v2 =	vadd.f32 v42, v2  }
0x237: {  	v58 =	vld [tilespmem:$0x4970];
	v3 =	vadd.f32 v45, v9;
	v1 =	vadd.f32 v52, v1  }
0x238: {  	v5 =	vadd.f32 v59, v5;
	v52 =	vld [tilespmem:$0x4870];
	v2 =	vadd.f32 v46, v2  }
0x239: {  	v18 =	vld [tilespmem:$0x5460];
	v3 =	vadd.f32 v48, v3;
	v1 =	vadd.f32 v32, v1  }
0x23a: {  	v5 =	vadd.f32 v54, v5;
	v54 =	vld [tilespmem:$0x48F0];
	v2 =	vadd.f32 v49, v2  }
0x23b: {  	v56 =	vld [tilespmem:$0x53F0];
	v7 =	vadd.f32 v60, v7;
	v3 =	vadd.f32 v50, v3  }
0x23c: {  	v61 =	vld [tilespmem:$0x5470];
	v1 =	vadd.f32 v29, v1;
	v2 =	vadd.f32 v51, v2  }
0x23d: {  	v62 =	vmul.f32 $2.560000000e+02, v19;
	v17 =	vld [tilespmem:$0x54E0];
	v5 =	vadd.f32 v28, v5;
	v3 =	vadd.f32 v52, v3  }
0x23e: {  	v0 =	vmul.f32 v11, v0;
	v63 =	vld [tilespmem:$0x49F0];
	v1 =	vadd.f32 v20, v1;
	v2 =	vadd.f32 v53, v2  }
0x23f: {  	v13 =	vld [tilespmem:$0x5560];
	v23 =	vmax.f32 v62, $1.000000000e+00;
	v5 =	vadd.f32 v36, v5;
	v3 =	vadd.f32 v54, v3  }
0x240: {  	v10 =	vld [tilespmem:$0x55E0];
	v26 =	vmul.f32 $5.120000000e+02, v6;
	v1 =	vadd.f32 v18, v1;
	v2 =	vadd.f32 v56, v2  }
0x241: {  	v59 =	vmax.f32 v55, $1.000000000e+00;
	v28 =	vld [tilespmem:$0x5570];
	v5 =	vadd.f32 v38, v5;
	v3 =	vadd.f32 v58, v3  }
0x242: {  	(erf) = vrcp.f32 v59;
	v29 =	vld [tilespmem:$0x4AF0];
	v1 =	vadd.f32 v17, v1;
	v2 =	vadd.f32 v61, v2  }
0x243: {  	v33 =	vmul.f32 $5.120000000e+02, v4;
	v32 =	vld [tilespmem:$0x55F0];
	v5 =	vadd.f32 v41, v5;
	v3 =	vadd.f32 v63, v3  }
0x244: {  	v25 =	vld [tilespmem:$0x4BE0];
	(erf) = vrcp.f32 v23;
	v1 =	vadd.f32 v13, v1;
	v2 =	vadd.f32 v22, v2  }
0x245: {  	v37 =	vld [tilespmem:$0x4BF0];
	v31 =	vmax.f32 v26, $1.000000000e+00;
	v5 =	vadd.f32 v27, v5;
	v3 =	vadd.f32 v24, v3  }
0x246: {  	v35 =	vld [tilespmem:$0x4C60];
	(erf) = vrcp.f32 v31;
	v1 =	vadd.f32 v10, v1;
	v2 =	vadd.f32 v28, v2  }
0x247: {  	v44 =	vld [tilespmem:$0x4D60];
	v36 =	vmax.f32 v33, $1.000000000e+00;
	v5 =	vadd.f32 v30, v5;
	v3 =	vadd.f32 v29, v3  }
0x248: {  	(erf) = vrcp.f32 v36;
	v38 =	vld [tilespmem:$0x4CE0];
	v41 =	vmul.f32 $5.120000000e+02, v1;
	v2 =	vadd.f32 v32, v2  }
0x249: {  	v42 =	vmul.f32 v11, v40;
	v53 =	vld [tilespmem:$0x1FFE0];
	v5 =	vadd.f32 v25, v5;
	v3 =	vadd.f32 v34, v3  }
0x24a: {  	v7 =	vadd.f32 v57, v7;
	v46 =	vld [tilespmem:$0x4CF0];
	v14 =	vmax.f32 v41, $1.000000000e+00;
	v47 =	vmul.f32 $5.120000000e+02, v2  }
0x24b: {  	v48 =	vld [tilespmem:$0x4DE0];
	v45 =	vpop (erf);
	v5 =	vadd.f32 v35, v5;
	(erf) = vrcp.f32 v14;
	v3 =	vadd.f32 v37, v3  }
0x24c: {  	v49 =	vmul.f32 v12, v39;
	v50 =	vld [tilespmem:$0x4D70];
	v15 =	vmul.f32 v45, v42;
	v14 =	vmax.f32 v47, $1.000000000e+00  }
0x24d: {  	v56 =	vld [tilespmem:$0x1FFF0];
	v51 =	vpop (erf);
	v5 =	vadd.f32 v38, v5;
	v3 =	vadd.f32 v43, v3;
	(erf) = vrcp.f32 v14  }
0x24e: {  	v54 =	vld [tilespmem:$0x4DF0];
	v8 =	vmul.f32 v51, v49;
	v7 =	vadd.f32 v53, v7;
	v52 =	vadd.f32 v15, v15  }
0x24f: {  	vm11 =	vgt.f32 v19, $0.0e+00;
	v55 =	vpop (erf);
	v5 =	vadd.f32 v44, v5;
	v3 =	vadd.f32 v46, v3  }
0x250: {  	v0 =	vmul.f32 v55, v0;
	v7 =	vmul.f32 v12, v7;
	v8 =	vadd.f32 v8, v8  }
0x251: {  	v57 =	vpop (erf);
	v14 =	vnsel vm10, $0x0, v52;
	v5 =	vadd.f32 v48, v5;
	v3 =	vadd.f32 v50, v3  }
0x252: {  	v0 =	vmul.f32 $3.000000000e+00, v0;
	v7 =	vmul.f32 v57, v7;
	v14 =	vadd.f32 v14, v56  }
0x253: {  	v8 =	vnsel vm11, $0x0, v8;
	v5 =	vmul.f32 v11, v5;
	v3 =	vadd.f32 v54, v3  }
0x254: {  	vm12 =	vgt.f32 v6, $0.0e+00;
	v59 =	vmul.f32 $3.000000000e+00, v7;
	v8 =	vadd.f32 v8, v14;
	v58 =	vpop (erf)  }
0x255: {  	v0 =	vnsel vm12, $0x0, v0;
	v5 =	vmul.f32 v58, v5;
	v3 =	vmul.f32 v12, v3  }
0x256: {  	vm13 =	vgt.f32 v4, $0.0e+00;
	v0 =	vadd.f32 v0, v8;
	v60 =	vpop (erf)  }
0x257: {  	v61 =	vnsel vm13, $0x0, v59;
	v5 =	vmul.f32 $4.000000000e+00, v5;
	v3 =	vmul.f32 v60, v3  }
0x258: {  	vm14 =	vgt.f32 v1, $0.0e+00;
	v0 =	vadd.f32 v61, v0  }
0x259: {  	v1 =	vnsel vm14, $0x0, v5;
	v3 =	vmul.f32 $4.000000000e+00, v3  }
0x25a: {  	vm15 =	vgt.f32 v2, $0.0e+00;
	v0 =	vadd.f32 v1, v0  }
0x25b: {  	v62 =	vnsel vm15, $0x0, v3  }
0x25c: {  	v0 =	vadd.f32 v62, v0;
	_ =	sdelay $0x1  }
0x25d: {  	(xrf2) =	vadd.scan.msk.f32 $0xffff, v0;
	_ =	sdelay $0x9  }
0x25e: {  	v0, _, _ =	vpop (xrf2)  }
0x25f: {  	(v2sf) =	vpush v0, $0xF;
	_ =	sdelay $0xe  }
0x260: {  	s30 =	spop (v2sf)  }
0x261: {  	s5 =	smul.f32 $2.500000000e-01, s30;
	_ =	sdelay $0x1  }
0x262: {  	v63 =	vmov s5  }
0x263: {  	s31 =	simm.s32 $0x5E00;
	[tilespmem:$0x5E00] =	vst v63  }
0x264: {  	[hbm4b:s1+s3] =	stream.linear.scatter [tilespmem:s31], [sflag:$0x1], $0x10, $0x38;
	[tilespmem:$0x5E10] =	vst v63  }
0x265: {  	_ =	swait.ge [sflag:s4], $0x10  }
0x266: {  	[sflag:s4] =	ssyncset.done $0x0  }
0x267: {  	[sflag:s4] =	ssyncadd.s32 $0xFFFFFFF0  }
.LBB2_7:
0x268: {  	_ =	sfence.sel $0x180000  }
0x269: {  	[bflag:$0x0] =	sbarrier.arrive $0xFFFF  }
0x26a: {  	p0 =	sne.s32 s2, $0x0;
	_ =	strace $0x9000004A  }
0x26b: {  	s0 =	sadd.s32 @!p0 $0x100000, s0;
	[bflag:$0x2] =	sbarrier.arrive $0xFFFF  }
0x26c: {  	[sflag:s0] =	ssyncadd.tile.s32 @!p0 $0x1;
	_ =	shalt  }
.Lfunc_end2:
_tile_overlayer_lowered:
.L_overlay_start_2:
0x26d: {  	(tag) =	ssettag $0x2  }
0x26e: {  	s0 =	rddreg [dreg:$0x0];
	s2 =	stileid.u32  }
0x26f: {  	s1 =	rddreg [dreg:$0x1];
	p0 =	sne.s32 s2, $0x0  }
0x270: {  	s3 =	rddreg [dreg:$0x2];
	[bflag:$0x3] =	sbarrier.arrive $0xFFFF;
	s2 =	simm.s32 @!p0 $0x1C01  }
0x271: {  	[timem:s3], [sflag:s2] =	dma.local @!p0 [hbm:s0], s1  }
0x272: {  	s0 =	simm.s32 @!p0 $0x1  }
0x273: {  	_ =	swait.ge @!p0 [sflag:s0], s1  }
0x274: {  	s1 =	ssub.s32 @!p0 $0x0, s1;
	[sflag:s0] =	ssyncset.done @!p0 $0x0  }
0x275: {  	[sflag:s0] =	ssyncadd.s32 @!p0 s1  }
0x276: {  	[bflag:$0x3] =	sbarrier.arrive $0xFFFF  }
0x277: {  	_ =	shalt  }

// kernel: kernel.9.cloned.1.call-start
scs
__scs_entry_jumppad:
0x0: {  	(pc) =	sbr.rel $0x88, $3  }
0x1: {  	(tag) =	ssettag $0x0;
	lr =	simm.s32 $0x1  }
0x2: {  	[smem:$0x3F97] =	sst lr;
	_ =	strace $0xD0000000  }
0x3: {  	_ = 	snop  }
0x4: {  	_ = 	snop  }
0x5: {  	_ = 	snop  }
0x6: {  	_ = 	snop  }
0x7: {  	_ = 	snop  }
__scs_overlays_trampoline_lowered:
0x8: {  	[smem:$0x3FA6] =	sst s0  }
0x9: {  	[smem:$0x3FA7] =	sst s1  }
0xa: {  	[smem:$0x3FA8] =	sst s2  }
0xb: {  	[smem:$0x3FA9] =	sst s3  }
0xc: {  	[smem:$0x3FAA] =	sst s4  }
0xd: {  	[smem:$0x3FAB] =	sst s5  }
0xe: {  	[smem:$0x3FAC] =	sst s6  }
0xf: {  	[smem:$0x3FAD] =	sst s7  }
0x10: {  	[smem:$0x3FAE] =	sst s8  }
0x11: {  	[smem:$0x3FAF] =	sst s9;
	s0 =	simm.s32 @!p0 $0x0  }
0x12: {  	s1 =	sld [smem:$0x3F95];
	s0 =	simm.s32 @p0 $0x1  }
0x13: {  	[smem:$0x3FB0] =	sst s0;
	s0 =	simm.s32 @!p1 $0x0  }
0x14: {  	s2 =	sld [smem:$0x3F94];
	s0 =	simm.s32 @p1 $0x1  }
0x15: {  	[smem:$0x3FB1] =	sst s0;
	s0 =	simm.s32 @!p2 $0x0  }
0x16: {  	s3 =	sld [smem:$0x3FDB];
	s0 =	simm.s32 @p2 $0x1  }
0x17: {  	s4 =	simm.s32 $0x1BF5;
	[smem:$0x3FB3] =	sst s0  }
0x18: {  	s0 =	sld [smem:$0x3F96];
	_ =	swait.ge [sflag:s4], $0x0  }
0x19: {  	s7 =	sld [smem:$0x3F97]  }
0x1a: {  	s8 =	sadd.s32 $0xFFFFE003, lr  }
0x1b: {  	s9 =	sadd.s32 $0xFFFFFEF7, lr;
	s5 =	simm.s32 $0xFFFFFFFF;
	p2 =	slt.u32 s8, $0xFFFFF086  }
0x1c: {  	p1 =	slt.u32 s9, $0xF7A;
	s5 =	simm.s32 @!p2 $0x0  }
0x1d: {  	s5 =	simm.s32 @p1 $0x1;
	p0 =	seq.s32 s7, s2  }
0x1e: {  	s7 =	smul.u32 @!p0 $0xF7A, s2;
	p2 =	seq.s32 @!p0 s5, $0x0  }
0x1f: {  	s9 =	smul.u32 $0xF7A, s1;
	s8 =	simm.s32 @!p0 $0x1BF5;
	p2 =	por !p2, p0  }
0x20: {  	[sflag:s8] =	ssyncset.s32 @!p0 $0xFFFFF086;
	s6 =	sadd.s32 @!p0 s3, s7;
	s7 =	simm.s32 @!p0 $0x108  }
0x21: {  	s3 =	sadd.s32 s3, s9;
	s6 =	sadd.s32 @!p0 $0x88, s6;
	s7 =	simm.s32 @p2 $0x1082  }
0x22: {  	[simem:s7], [sflag:s8] =	dma.local @!p0 [hbm:s6], $0xF7A  }
0x23: {  	s9 =	sor.u32 $0xD0000000, s2;
	s6 =	simm.s32 $0x108;
	_ =	swait.ge @!p0 [sflag:s8], $0x0  }
0x24: {  	s3 =	sadd.s32 $0x88, s3;
	s6 =	simm.s32 @!p1 $0x1082;
	[sflag:s4] =	ssyncset.s32 $0xFFFFF086  }
0x25: {  	[simem:s6], [sflag:s4] =	dma.local [hbm:s3], $0xF7A  }
0x26: {  	[smem:$0x3F97] =	sst s1;
	(tag) =	ssettag s2;
	_ =	strace s9  }
0x27: {  	s1 =	sld [smem:$0x3FA7]  }
0x28: {  	s2 =	sld [smem:$0x3FA8]  }
0x29: {  	s4 =	sld [smem:$0x3FAA]  }
0x2a: {  	p0 =	seq.s32 s5, $0x0;
	s5 =	sld [smem:$0x3FAB]  }
0x2b: {  	s6 =	sld [smem:$0x3FAC]  }
0x2c: {  	s7 =	sld [smem:$0x3FAD]  }
0x2d: {  	s3 =	simm.s32 $0x108;
	s8 =	sld [smem:$0x3FAE]  }
0x2e: {  	s3 =	simm.s32 @!p0 $0x1082;
	s9 =	sld [smem:$0x3FAF]  }
0x2f: {  	lr =	sadd.s32 s0, s3;
	s0 =	sld [smem:$0x3FA6]  }
0x30: {  	s3 =	sld [smem:$0x3FA9]  }
0x31: {  	[smem:$0x3FB2] =	sst s10  }
0x32: {  	s10 =	sld [smem:$0x3FB0];
	_ =	sdelay $0x3  }
0x33: {  	p0 =	seq.s32 s10, $0x1;
	s10 =	sld [smem:$0x3FB2];
	_ =	sdelay $0x3  }
0x34: {  	[smem:$0x3FB2] =	sst s10  }
0x35: {  	s10 =	sld [smem:$0x3FB1];
	_ =	sdelay $0x3  }
0x36: {  	p1 =	seq.s32 s10, $0x1;
	s10 =	sld [smem:$0x3FB2];
	_ =	sdelay $0x3  }
0x37: {  	[smem:$0x3FB2] =	sst s10  }
0x38: {  	s10 =	sld [smem:$0x3FB3]  }
0x39: {  	_ = 	snop;
	(pc) =	sbr.ind lr, $3  }
0x3a: {  	_ = 	snop  }
0x3b: {  	_ = 	snop  }
0x3c: {  	p2 =	seq.s32 s10, $0x1;
	s10 =	sld [smem:$0x3FB2]  }
0x3d: {  	_ =	shalt  }
0x3e: {  	_ =	shalt  }
0x3f: {  	_ =	shalt  }
0x40: {  	_ =	shalt  }
0x41: {  	_ =	shalt  }
0x42: {  	_ =	shalt  }
0x43: {  	_ =	shalt  }
0x44: {  	_ =	shalt  }
0x45: {  	_ =	shalt  }
0x46: {  	_ =	shalt  }
0x47: {  	_ =	shalt  }
0x48: {  	_ =	shalt  }
0x49: {  	_ =	shalt  }
0x4a: {  	_ =	shalt  }
0x4b: {  	_ =	shalt  }
0x4c: {  	_ =	shalt  }
0x4d: {  	_ =	shalt  }
0x4e: {  	_ =	shalt  }
0x4f: {  	_ =	shalt  }
0x50: {  	_ =	shalt  }
0x51: {  	_ =	shalt  }
0x52: {  	_ =	shalt  }
0x53: {  	_ =	shalt  }
0x54: {  	_ =	shalt  }
0x55: {  	_ =	shalt  }
0x56: {  	_ =	shalt  }
0x57: {  	_ =	shalt  }
0x58: {  	_ =	shalt  }
0x59: {  	_ =	shalt  }
0x5a: {  	_ =	shalt  }
0x5b: {  	_ =	shalt  }
0x5c: {  	_ =	shalt  }
0x5d: {  	_ =	shalt  }
0x5e: {  	_ =	shalt  }
0x5f: {  	_ =	shalt  }
0x60: {  	_ =	shalt  }
0x61: {  	_ =	shalt  }
0x62: {  	_ =	shalt  }
0x63: {  	_ =	shalt  }
0x64: {  	_ =	shalt  }
0x65: {  	_ =	shalt  }
0x66: {  	_ =	shalt  }
0x67: {  	_ =	shalt  }
0x68: {  	_ =	shalt  }
0x69: {  	_ =	shalt  }
0x6a: {  	_ =	shalt  }
0x6b: {  	_ =	shalt  }
0x6c: {  	_ =	shalt  }
0x6d: {  	_ =	shalt  }
0x6e: {  	_ =	shalt  }
0x6f: {  	_ =	shalt  }
0x70: {  	_ =	shalt  }
0x71: {  	_ =	shalt  }
0x72: {  	_ =	shalt  }
0x73: {  	_ =	shalt  }
0x74: {  	_ =	shalt  }
0x75: {  	_ =	shalt  }
0x76: {  	_ =	shalt  }
0x77: {  	_ =	shalt  }
0x78: {  	_ =	shalt  }
0x79: {  	_ =	shalt  }
0x7a: {  	_ =	shalt  }
0x7b: {  	_ =	shalt  }
0x7c: {  	_ =	shalt  }
0x7d: {  	_ =	shalt  }
0x7e: {  	_ =	shalt  }
0x7f: {  	_ =	shalt  }
0x80: {  	_ =	shalt  }
0x81: {  	_ =	shalt  }
0x82: {  	_ =	shalt  }
0x83: {  	_ =	shalt  }
0x84: {  	_ =	shalt  }
0x85: {  	_ =	shalt  }
0x86: {  	_ =	shalt  }
0x87: {  	_ =	shalt  }
.Lfunc_end0:
.L_simem_size_0:
called_computation_lowered:
.L_overlay_start_0:
0x88: {  	s2 =	sld [smem:$0x3FD9]  }
0x89: {  	s3 =	sld [smem:$0x3FFE];
	_ =	sdelay $0x1  }
0x8a: {  	s1 =	srdreg.scid  }
0x8b: {  	s0 =	sand.u32 $0x1, s1  }
0x8c: {  	s16 =	sshll.u32 s0, $0xA;
	s2 =	sadd.s32 s3, s2  }
0x8d: {  	s2 =	sadd.s32 s2, s16  }
0x8e: {  	[smem:$0x3FBE] =	sst s2  }
0x8f: {  	_ = 	snop  }
0x90: {  	(tm) =	ssettm $0x1  }
0x91: {  	s17 =	sld [smem:$0x3FFB];
	_ =	sdelay $0x3  }
0x92: {  	_ =	strace s17  }
0x93: {  	s2 =	sld [smem:$0x3FFC];
	_ =	sdelay $0x3  }
0x94: {  	_ =	strace s2  }
0x95: {  	s2 =	sld [smem:$0x3FFD];
	_ =	sdelay $0x3  }
0x96: {  	_ =	strace s2  }
0x97: {  	_ =	strace $0x8FFFFFFF  }
0x98: {  	s18 =	sld [smem:$0x3FDB];
	_ =	sdelay $0x1  }
0x99: {  	s19 =	simm.s32 $_scs_section_size  }
0x9a: {  	s4 =	simm.s32 $_size__tile_overlayer_lowered;
	s5 =	simm.s32 $_tile_overlayer_lowered  }
0x9b: {  	s22 =	simm.s32 $0x1BFF;
	s21 =	sshll.u32 s5, $0x1;
	s2 =	sadd.s32 s19, s18  }
0x9c: {  	s6 =	simm.s32 $0x0;
	s20 =	sshll.u32 s4, $0x1;
	s4 =	sadd.s32 s21, s2  }
0x9d: {  	[timem:s6], [sflag:s22] =	dma.local [hbm:s4], s20  }
0x9e: {  	_ =	swait.ge [sflag:s22], s20  }
0x9f: {  	s3 =	ssub.s32 $0x0, s20;
	[sflag:s22] =	ssyncset.done $0x0  }
0xa0: {  	[sflag:s22] =	ssyncadd.s32 s3;
	_ =	sdelay $0x1  }
0xa1: {  	s23 =	simm.s32 $0x1B8B  }
0xa2: {  	_ =	swait.ge [sflag:s23], $0x1  }
0xa3: {  	[sflag:s23] =	ssyncset.done $0x0  }
0xa4: {  	s25 =	simm.s32 $0x1B8E;
	s24 =	sld [smem:$0x3FFE];
	[sflag:s23] =	ssyncadd.s32 $0xFFFFFFFF  }
0xa5: {  	s26 =	simm.s32 $execute0_lowered;
	[smem:$0x3FD2] =	sst s25  }
0xa6: {  	s4 =	sshll.u32 s26, $0x1;
	_ =	strace $0x80000046;
	[dreg:$0x1] =	wrdreg $0xFFFFFFFF  }
0xa7: {  	s28 =	simm.s32 $_size_execute0_lowered;
	s2 =	sadd.s32 s2, s4;
	[dreg:$0x0] =	wrdreg $0x0  }
0xa8: {  	s4 =	sshll.u32 s28, $0x1;
	[dreg:$0x2] =	wrdreg s2  }
0xa9: {  	[dreg:$0x3] =	wrdreg s4  }
0xaa: {  	[dreg:$0x4] =	wrdreg $0xC0  }
0xab: {  	_ =	task [dreg:s6], $0x5FFFF  }
0xac: {  	[dreg:$0x1] =	wrdreg $0xFFFFFFFF  }
0xad: {  	[dreg:$0x0] =	wrdreg $0x60  }
0xae: {  	[dreg:$0x2] =	wrdreg s24  }
0xaf: {  	[dreg:$0x3] =	wrdreg $0x9  }
0xb0: {  	_ =	task.clear_ibuf [dreg:s6], $0x4FFFF;
	_ =	strace $0x90000046  }
0xb1: {  	s29 =	simm.s32 $0x9;
	_ =	strace $0x80000048  }
0xb2: {  	_ =	swait.ge [sflag:s29], $0x1  }
0xb3: {  	[sflag:s29] =	ssyncadd.s32 $0xFFFFFFFF  }
0xb4: {  	_ =	strace $0x90000048  }
0xb5: {  	_ =	sfence  }
0xb6: {  	s30 =	sld [smem:$0x0];
	_ =	sdelay $0x2  }
0xb7: {  	s31 =	sshll.u32 s1, $0xD;
	s1 =	sshrl.u32 s1, $0x2  }
0xb8: {  	s3 =	sand.u32 $0x4000, s31;
	s1 =	sadd.s32 s1, s30  }
0xb9: {  	s0 =	sor.u32 s3, s0;
	s1 =	sshll.u32 s1, $0x11  }
0xba: {  	s0 =	sor.u32 s1, s0  }
0xbb: {  	s0 =	sadd.s32 $0x8F2B, s0  }
0xbc: {  	[sflag:s0] =	ssyncadd.remote.s32 $0x1  }
0xbd: {  	_ =	sfence.sel $0xFFFF  }
0xbe: {  	[dreg:$0x0] =	wrdreg $0xFFFFFFFF;
	(pc) =	sbr.abs _section_cstart, $3  }
0xbf: {  	[dreg:$0x1] =	wrdreg $0xFFFFFFFF  }
0xc0: {  	_ =	task.clear_ibuf [dreg:s6], $0x2FFFF;
	_ =	strace $0x9FFFFFFF  }
0xc1: {  	(tm) =	ssettm $0x7FFFFFFF  }
tec
execute0_lowered:
.L_overlay_start_1:
0x0: {  	(tag) =	ssettag $0x1  }
0x1: {  	s3 =	rddreg [dreg:$0x0]  }
0x2: {  	s0 =	rddreg [dreg:$0x1];
	s2 =	simm.s32 $0x0;
	s1 =	stileid.u32  }
0x3: {  	s4 =	srdreg.scid;
	s11 =	simm.s32 $0x0;
	[smem:$0x7FF] =	sst s2  }
0x4: {  	s5 =	sshrl.u32 s1, $0x2;
	s4 =	sand.u32 $0x1, s4;
	s6 =	sshll.u32 s1, $0x1  }
0x5: {  	_ =	strace $0x80000047;
	s7 =	sshll.u32 s5, $0xD;
	s5 =	sshll.u32 s5, $0xB  }
0x6: {  	s6 =	sor.u32 s4, s6;
	s28 =	ssub.s32 $0x2, s4;
	s7 =	sadd.s32 s7, s3  }
0x7: {  	s5 =	sadd.s32 s5, s3;
	s8 =	sshll.u32 s6, $0x2;
	s29 =	sand.u32 $0x7, s6  }
0x8: {  	s30 =	sshrl.u32 s28, $0x1;
	s8 =	sadd.s32 s8, s3;
	s9 =	sshll.u32 s29, $0xA  }
0x9: {  	s4 =	sshll.u32 s29, $0x8;
	s10 =	ssub.s32 s28, s30;
	s31 =	sadd.s32 s9, s7  }
0xa: {  	v1 =	vlaneseq.u32;
	s4 =	sadd.s32 s4, s5;
	s5 =	sadd.s32 $0xD400, s8;
	s6 =	sadd.s32 $0xD600, s8  }
0xb: {  	v1 =	vmul.u32 $0x4, v1;
	s7 =	smax.u32 s10, $0x1;
	s8 =	simm.s32 $0x1;
	s9 =	simm.s32 $0x2800  }
0xc: {  	v0 =	vimm.f32 $0.0e+00;
	v2 =	vimm.f32 $1.000000000e+00;
	s10 =	simm.s32 $0x2820;
	s3 =	sadd.s32 $0x3400, s31;
	s4 =	sadd.s32 $0xB400, s4  }
.LBB2_1:
0xd: {  	[tilespmem:$0x2800] =	vst v0  }
0xe: {  	[tilespmem:$0x2810] =	vst v0  }
0xf: {  	[tilespmem:$0x2820] =	vst v0  }
0x10: {  	[tilespmem:$0x2830] =	vst v0;
	v3 =	vmov s2  }
0x11: {  	[tilespmem:s2], [sflag:$0x1] =	stream.linear.gather [hbm4b:s3+s2], $0x2000, $0x38;
	v3 =	vshll.u32 v3, $0x2;
	[tilespmem:$0x2840] =	vst v63  }
0x12: {  	_ =	swait.ge [sflag:s8], $0x2000;
	v4 =	vor.u32 v1, v3  }
0x13: {  	v3 =	vand.u32 $0x1E00, v3;
	[sflag:s8] =	ssyncset.done $0x0;
	v4 =	vand.u32 $0x1FC, v4  }
0x14: {  	s12 =	simm.s32 $0x2000;
	[sflag:s8] =	ssyncadd.s32 $0xFFFFE000;
	v3 =	vor.u32 v3, v4  }
0x15: {  	[tilespmem:s12], [sflag:$0x1] =	stream.linear.gather [hbm4b:s4+s2], $0x800, $0x38;
	[tilespmem:$0x2840] =	vst v63  }
0x16: {  	_ =	swait.ge [sflag:s8], $0x800  }
0x17: {  	[sflag:s8] =	ssyncset.done $0x0  }
0x18: {  	[sflag:s8] =	ssyncadd.s32 $0xFFFFF800  }
0x19: {  	s13 =	simm.s32 $0x10;
	v3 =	vld.idx.msk [tilespmem:v3+s2+$0x0], $0xffff  }
0x1a: {  	v4 =	vmov s13  }
0x1b: {  	s13 =	simm.s32 $0x20;
	v4 =	vshll.u32 v4, $0x2  }
.LBB2_2:
0x1c: {  	p0 =	sne.s32 s13, $0x7F0;
	v5 =	vor.u32 v1, v4;
	v6 =	vld [tilespmem:s12+$0x0]  }
0x1d: {  	v4 =	vand.u32 $0x1E00, v4;
	v5 =	vand.u32 $0x1FC, v5  }
0x1e: {  	v4 =	vor.u32 v4, v5;
	_ =	sdelay $0x2  }
.Ltmp0:
0x1f: {  	[tilespmem:v3+s9+$0x0] =	vst.idx.add.f32.msk $0xffff, v6;
	(pc) =	sbr.rel @p0 .LBB2_2-.Ltmp0, $4  }
0x20: {  	[tilespmem:v3+s10+$0x0] =	vst.idx.add.f32.msk $0xffff, v2  }
0x21: {  	v3 =	vld.idx.msk [tilespmem:v4+s2+$0x0], $0xffff  }
0x22: {  	v4 =	vmov s13  }
0x23: {  	s12 =	sadd.s32 $0x10, s12;
	s13 =	sadd.s32 $0x10, s13;
	v4 =	vshll.u32 v4, $0x2  }
0x24: {  	_ = 	snop  }
0x25: {  	v5 =	vor.u32 v1, v4;
	v6 =	vld [tilespmem:s12+$0x0]  }
0x26: {  	v62 =	vand.u32 $0x1E00, v4;
	v5 =	vand.u32 $0x1FC, v5  }
0x27: {  	v4 =	vor.u32 v62, v5;
	_ =	sdelay $0x2  }
0x28: {  	[tilespmem:v3+s9+$0x0] =	vst.idx.add.f32.msk $0xffff, v6  }
0x29: {  	[tilespmem:v3+s10+$0x0] =	vst.idx.add.f32.msk $0xffff, v2  }
0x2a: {  	v3 =	vld.idx.msk [tilespmem:v4+s2+$0x0], $0xffff;
	_ =	sdelay $0x1  }
0x2b: {  	s31 =	sadd.s32 $0x10, s12  }
0x2c: {  	v63 =	vld [tilespmem:s31+$0x0];
	_ =	sdelay $0x4  }
0x2d: {  	[tilespmem:v3+s9+$0x0] =	vst.idx.add.f32.msk $0xffff, v63  }
0x2e: {  	[tilespmem:v3+s10+$0x0] =	vst.idx.add.f32.msk $0xffff, v2  }
0x2f: {  	[hbm4b:s5+s2] =	stream.linear.scatter [tilespmem:s9], [sflag:$0x1], $0x20, $0x38;
	[tilespmem:$0x2840] =	vst v63  }
0x30: {  	s11 =	sadd.s32 $0x1, s11;
	_ =	swait.ge [sflag:s8], $0x20  }
0x31: {  	p0 =	sne.s32 s11, s7;
	[sflag:s8] =	ssyncset.done $0x0  }
.Ltmp1:
0x32: {  	[sflag:s8] =	ssyncadd.s32 $0xFFFFFFE0;
	(pc) =	sbr.rel @p0 .LBB2_1-.Ltmp1, $4  }
0x33: {  	[hbm4b:s6+s2] =	stream.linear.scatter [tilespmem:s10], [sflag:$0x1], $0x20, $0x38;
	[tilespmem:$0x2840] =	vst v63  }
0x34: {  	_ =	swait.ge [sflag:s8], $0x20  }
0x35: {  	[sflag:s8] =	ssyncset.done $0x0  }
0x36: {  	[sflag:s8] =	ssyncadd.s32 $0xFFFFFFE0  }
0x37: {  	_ =	sfence.sel $0x180000  }
0x38: {  	[bflag:$0x0] =	sbarrier.arrive $0xFFFF  }
0x39: {  	p0 =	sne.s32 s1, $0x0;
	_ =	strace $0x90000047  }
0x3a: {  	s0 =	sadd.s32 @!p0 $0x100000, s0;
	[bflag:$0x2] =	sbarrier.arrive $0xFFFF  }
0x3b: {  	[sflag:s0] =	ssyncadd.tile.s32 @!p0 $0x1;
	_ =	shalt  }
.Lfunc_end2:
_tile_overlayer_lowered:
.L_overlay_start_2:
0x3c: {  	(tag) =	ssettag $0x2  }
0x3d: {  	s0 =	rddreg [dreg:$0x0];
	s2 =	stileid.u32  }
0x3e: {  	s1 =	rddreg [dreg:$0x1];
	p0 =	sne.s32 s2, $0x0  }
0x3f: {  	s3 =	rddreg [dreg:$0x2];
	[bflag:$0x3] =	sbarrier.arrive $0xFFFF;
	s2 =	simm.s32 @!p0 $0x1C01  }
0x40: {  	[timem:s3], [sflag:s2] =	dma.local @!p0 [hbm:s0], s1  }
0x41: {  	s0 =	simm.s32 @!p0 $0x1  }
0x42: {  	_ =	swait.ge @!p0 [sflag:s0], s1  }
0x43: {  	s1 =	ssub.s32 @!p0 $0x0, s1;
	[sflag:s0] =	ssyncset.done @!p0 $0x0  }
0x44: {  	[sflag:s0] =	ssyncadd.s32 @!p0 s1  }
0x45: {  	[bflag:$0x3] =	sbarrier.arrive $0xFFFF  }
0x46: {  	_ =	shalt  }

</sc_bundles>
